<compile_context>
chip_gen: v7x
topology: tpu7x:2x2x1
jax: 0.10.2.dev20260603
libtpu: 0.0.44.dev20260713+nightly
codegen_flags: <defaults>
</compile_context>

<pallas_src>
import functools

import jax
import jax.numpy as jnp
from jax import lax
from jax.experimental import pallas as pl
from jax.experimental.pallas import tpu as pltpu
from jax.experimental.pallas import tpu_sc as plsc

EMBED_DIM = 32
NUM_CORES = 2
NUM_SUBCORES = 16
NUM_WORKERS = NUM_CORES * NUM_SUBCORES
HCH = 4
DPAD = 133


@functools.partial(jax.jit, static_argnums=(2, 3))
def _gather_sc(idx_t, table, bw, n_steps):
    mesh = plsc.VectorSubcoreMesh(core_axis_name="c", subcore_axis_name="s")
    hist, batch = idx_t.shape
    rows_per_step = HCH * bw

    @functools.partial(
        pl.kernel,
        mesh=mesh,
        out_type=jax.ShapeDtypeStruct(
            (hist, EMBED_DIM // 8, batch // 128, 8, 128), jnp.float32),
        scratch_types=[
            pltpu.VMEM((HCH, bw), jnp.int32),
            pltpu.VMEM((HCH, bw), jnp.int32),
            pltpu.VMEM((rows_per_step, EMBED_DIM), jnp.float32),
            pltpu.VMEM((rows_per_step, EMBED_DIM), jnp.float32),
            pltpu.VMEM((HCH, EMBED_DIM // 8, 1, 8, DPAD), jnp.float32),
            pltpu.VMEM((HCH, EMBED_DIM // 8, 1, 8, DPAD), jnp.float32),
            pltpu.SemaphoreType.DMA,
            pltpu.SemaphoreType.DMA,
            pltpu.SemaphoreType.DMA,
            pltpu.SemaphoreType.DMA,
            pltpu.SemaphoreType.DMA,
            pltpu.SemaphoreType.DMA,
        ],
        compiler_params=pltpu.CompilerParams(
            use_tc_tiling_on_sc=False, needs_layout_passes=False),
    )
    def k(idx_hbm, table_hbm, out_hbm, ib0, ib1, wide0, wide1, tb0, tb1,
          i0, i1, g0, g1, o0, o1):
        ibuf = (ib0, ib1)
        wide = (wide0, wide1)
        tbuf = (tb0, tb1)
        isem = (i0, i1)
        gsem = (g0, g1)
        osem = (o0, o1)
        wid = lax.axis_index("s") * NUM_CORES + lax.axis_index("c")
        b0 = wid * bw
        lanes = lax.iota(jnp.int32, 16)
        zeros16 = jnp.zeros((16,), jnp.int32)
        d8_lo = jnp.right_shift(lanes, 3)
        dr_lo = lanes & 7

        def idx_load(s, b):
            pltpu.async_copy(
                idx_hbm.at[pl.ds(s * HCH, HCH), pl.ds(b0, bw)],
                ibuf[b], isem[b])

        def idx_wait(b):
            pltpu.make_async_copy(
                idx_hbm.at[pl.ds(0, HCH), pl.ds(0, bw)], ibuf[b],
                isem[b]).wait()

        def gather_start(b):
            for hh in range(HCH):
                pltpu.async_copy(
                    table_hbm.at[ibuf[b].at[hh]],
                    wide[b].at[pl.ds(hh * bw, bw)], gsem[b])

        def gather_wait(b):
            pltpu.make_async_copy(
                table_hbm.at[pl.ds(0, rows_per_step)], wide[b],
                gsem[b]).wait()

        def transpose(b):
            for hh in range(HCH):
                hh_v = jnp.full((16,), hh, jnp.int32)

                def tr_body(j, carry):
                    row = hh * bw + j
                    jv = jnp.full((16,), j, jnp.int32)
                    v0 = wide[b][row, 0:16]
                    v1 = wide[b][row, 16:32]
                    plsc.store_scatter(
                        tbuf[b], [hh_v, d8_lo, zeros16, dr_lo, jv], v0)
                    plsc.store_scatter(
                        tbuf[b], [hh_v, d8_lo + 2, zeros16, dr_lo, jv], v1)
                    return carry

                lax.fori_loop(0, bw, tr_body, 0, unroll=8)

        def store_start(s, b):
            pltpu.async_copy(
                tbuf[b].at[:, :, :, :, pl.ds(0, bw)],
                out_hbm.at[pl.ds(s * HCH, HCH), :, pl.ds(wid, 1), :, :],
                osem[b])

        def store_wait(b):
            pltpu.make_async_copy(
                tbuf[b].at[:, :, :, :, pl.ds(0, bw)],
                out_hbm.at[pl.ds(0, HCH), :, pl.ds(0, 1), :, :],
                osem[b]).wait()

        idx_load(0, 0)
        idx_wait(0)
        gather_start(0)
        idx_load(1, 1)

        def body(g, carry):
            for j in range(2):
                s = 2 * g + j
                b = j
                gather_wait(b)

                @pl.when(s < n_steps - 1)
                def _():
                    idx_wait(1 - b)
                    gather_start(1 - b)

                @pl.when(s < n_steps - 2)
                def _():
                    idx_load(s + 2, b)

                @pl.when(s >= 2)
                def _():
                    store_wait(b)

                transpose(b)
                store_start(s, b)
            return carry

        lax.fori_loop(0, n_steps // 2, body, 0)
        store_wait(0)
        store_wait(1)

    return k(idx_t, table)


def kernel(input, table):
    batch, hist = input.shape
    bw = batch // NUM_WORKERS
    n_steps = hist // HCH
    idx_t = input.T.astype(jnp.int32)
    out5 = _gather_sc(idx_t, table, bw, n_steps)
    return jnp.transpose(out5, (2, 4, 0, 1, 3)).reshape(batch, hist,
                                                        EMBED_DIM)

# --- scband reference (transcript-rebuilt; emitter-appended) ---
"""Pipeline reference for scband-word-embedding-3728031613376 (READ-ONLY COPY).

The authoritative reference and input builder live on the scoring server;
editing this copy changes nothing except your own understanding.
"""

import jax, jax.numpy as jnp
import numpy as np

VOCAB = 1000000
EMBED_DIM = 32
BATCH = 4096
HIST = 200


def setup_inputs(seed: int = 0) -> dict:
    key = jax.random.key(seed)
    k_idx, k_tab = jax.random.split(key)
    indices = jax.random.randint(k_idx, (BATCH, HIST), 0, VOCAB, dtype=jnp.int64 if jax.config.jax_enable_x64 else jnp.int32)
    table = jax.random.normal(k_tab, (VOCAB, EMBED_DIM), dtype=jnp.float32)
    return {"input": indices, "table": table}


def reference(input, table):
    # WordEmbedding.forward: embedding lookup under torch.no_grad()
    # -> gather rows from the table, with gradients stopped.
    out = jnp.take(table, input, axis=0)
    out = jax.lax.stop_gradient(out)
    return out

if __name__ == "__main__":
    import jax
    _d = setup_inputs()
    print(jax.jit(kernel)(*tuple(_d.values())))

</pallas_src>

<mosaic_0001>
#map = affine_map<(d0, d1) -> (0, 0)>
#map1 = affine_map<(d0, d1) -> (0, 0, 0, 0, 0)>
module attributes {stable_mosaic.version = 14 : i64} {
  func.func @k(%arg0: i32, %arg1: i32, %arg2: memref<200x4096xi32, #tpu.memory_space<hbm>>, %arg3: memref<1000000x32xf32, #tpu.memory_space<hbm>>, %arg4: memref<200x4x32x8x128xf32, #tpu.memory_space<hbm>>, %arg5: memref<4x128xi32, #tpu.memory_space<vmem>>, %arg6: memref<4x128xi32, #tpu.memory_space<vmem>>, %arg7: memref<512x32xf32, #tpu.memory_space<vmem>>, %arg8: memref<512x32xf32, #tpu.memory_space<vmem>>, %arg9: memref<4x4x1x8x133xf32, #tpu.memory_space<vmem>>, %arg10: memref<4x4x1x8x133xf32, #tpu.memory_space<vmem>>, %arg11: memref<!tpu.dma_semaphore, #tpu.memory_space<semaphore_mem>>, %arg12: memref<!tpu.dma_semaphore, #tpu.memory_space<semaphore_mem>>, %arg13: memref<!tpu.dma_semaphore, #tpu.memory_space<semaphore_mem>>, %arg14: memref<!tpu.dma_semaphore, #tpu.memory_space<semaphore_mem>>, %arg15: memref<!tpu.dma_semaphore, #tpu.memory_space<semaphore_mem>>, %arg16: memref<!tpu.dma_semaphore, #tpu.memory_space<semaphore_mem>>) attributes {dimension_semantics = [#tpu.dimension_semantics<core_parallel>, #tpu.dimension_semantics<subcore_parallel>], iteration_bounds = array<i64: 2, 16>, scalar_prefetch = 0 : i64, scratch_operands = 12 : i64, tpu.core_type = #tpu.core_type<sc_vector_subcore>, window_params = [{transform_indices = #map}, {transform_indices = #map}, {transform_indices = #map1}]} {
    %mul3A = arith.constant 2 : i32
    %mul3A_0 = arith.muli %arg1, %mul3A : i32
    %add3A = arith.addi %mul3A_0, %arg0 : i32
    %mul3A_1 = arith.constant 128 : i32
    %mul3A_2 = arith.muli %add3A, %mul3A_1 : i32
    %iota3A = tpu.iota {dimensions = array<i32: 0>} : vector<16xi32>
    %broadcast_in_dim3A = arith.constant 0 : i32
    %broadcast_in_dim3A_3 = vector.broadcast %broadcast_in_dim3A : i32 to vector<16xi32>
    %shift_right_arithmetic3A = arith.constant 3 : i32
    %shift_right_arithmetic3A_4 = vector.broadcast %shift_right_arithmetic3A : i32 to vector<16xi32>
    %shift_right_arithmetic3A_5 = arith.shrsi %iota3A, %shift_right_arithmetic3A_4 : vector<16xi32>
    %and3A = arith.constant 7 : i32
    %and3A_6 = vector.broadcast %and3A : i32 to vector<16xi32>
    %and3A_7 = arith.andi %iota3A, %and3A_6 : vector<16xi32>
    %dma_start3A = arith.constant 0 : i32
    %dma_start3A_8 = tpu.memref_slice %arg2[%dma_start3A, %mul3A_2] : memref<200x4096xi32, #tpu.memory_space<hbm>> -> memref<4x128xi32, #tpu.memory_space<hbm>>
    %dma_start3A_9 = arith.constant 0 : i32
    %dma_start3A_10 = tpu.memref_slice %arg2[%dma_start3A_9, %mul3A_2] : memref<200x4096xi32, #tpu.memory_space<hbm>> -> memref<4x128xi32, #tpu.memory_space<hbm>>
    tpu.enqueue_dma source(%dma_start3A_10 : memref<4x128xi32, #tpu.memory_space<hbm>>) target(%arg5 : memref<4x128xi32, #tpu.memory_space<vmem>>) target_semaphore(%arg11 : memref<!tpu.dma_semaphore, #tpu.memory_space<semaphore_mem>>)
    %dma_wait3A = arith.constant 0 : i32
    %dma_wait3A_11 = arith.constant 0 : i32
    %dma_wait3A_12 = tpu.memref_slice %arg2[%dma_wait3A, %dma_wait3A_11] : memref<200x4096xi32, #tpu.memory_space<hbm>> -> memref<4x128xi32, #tpu.memory_space<hbm>>
    %dma_wait3A_13 = arith.constant 0 : i32
    %dma_wait3A_14 = arith.constant 0 : i32
    %dma_wait3A_15 = tpu.memref_slice %arg2[%dma_wait3A_13, %dma_wait3A_14] : memref<200x4096xi32, #tpu.memory_space<hbm>> -> memref<4x128xi32, #tpu.memory_space<hbm>>
    tpu.wait_dma2 semaphore(%arg11 : memref<!tpu.dma_semaphore, #tpu.memory_space<semaphore_mem>>) src(%dma_wait3A_15 : memref<4x128xi32, #tpu.memory_space<hbm>>) dst(%arg5 : memref<4x128xi32, #tpu.memory_space<vmem>>)
    %dma_start3A_16 = arith.constant 0 : i32
    %dma_start3A_17 = arith.constant 0 : i32
    %dma_start3A_18 = arith.constant 0 : i32
    %dma_start3A_19 = tpu.memref_slice %arg7[%dma_start3A_17, %dma_start3A_18] : memref<512x32xf32, #tpu.memory_space<vmem>> -> memref<128x32xf32, #tpu.memory_space<vmem>>
    %dma_start3A_20 = arith.constant 0 : i32
    %dma_start3A_21 = tpu.memref_slice %arg5[%dma_start3A_16, %dma_start3A_20] : memref<4x128xi32, #tpu.memory_space<vmem>> -> memref<1x128xi32, #tpu.memory_space<vmem>>
    %dma_start3A_22 = tpu.memref_squeeze %dma_start3A_21 : memref<1x128xi32, #tpu.memory_space<vmem>> -> memref<128xi32, #tpu.memory_space<vmem>>
    %dma_start3A_23 = arith.constant 0 : i32
    %dma_start3A_24 = arith.constant 0 : i32
    %dma_start3A_25 = tpu.memref_slice %arg3[%dma_start3A_23, %dma_start3A_24] : memref<1000000x32xf32, #tpu.memory_space<hbm>> -> memref<1000000x32xf32, #tpu.memory_space<hbm>>
    tpu.enqueue_indirect_dma source(%dma_start3A_25 : memref<1000000x32xf32, #tpu.memory_space<hbm>>) target(%dma_start3A_19 : memref<128x32xf32, #tpu.memory_space<vmem>>) offsets(%dma_start3A_22 : memref<128xi32, #tpu.memory_space<vmem>>) semaphore(%arg13 : memref<!tpu.dma_semaphore, #tpu.memory_space<semaphore_mem>>)
    %dma_start3A_26 = arith.constant 1 : i32
    %dma_start3A_27 = arith.constant 128 : i32
    %dma_start3A_28 = arith.constant 0 : i32
    %dma_start3A_29 = tpu.memref_slice %arg7[%dma_start3A_27, %dma_start3A_28] : memref<512x32xf32, #tpu.memory_space<vmem>> -> memref<128x32xf32, #tpu.memory_space<vmem>>
    %dma_start3A_30 = arith.constant 0 : i32
    %dma_start3A_31 = tpu.memref_slice %arg5[%dma_start3A_26, %dma_start3A_30] : memref<4x128xi32, #tpu.memory_space<vmem>> -> memref<1x128xi32, #tpu.memory_space<vmem>>
    %dma_start3A_32 = tpu.memref_squeeze %dma_start3A_31 : memref<1x128xi32, #tpu.memory_space<vmem>> -> memref<128xi32, #tpu.memory_space<vmem>>
    %dma_start3A_33 = arith.constant 0 : i32
    %dma_start3A_34 = arith.constant 0 : i32
    %dma_start3A_35 = tpu.memref_slice %arg3[%dma_start3A_33, %dma_start3A_34] : memref<1000000x32xf32, #tpu.memory_space<hbm>> -> memref<1000000x32xf32, #tpu.memory_space<hbm>>
    tpu.enqueue_indirect_dma source(%dma_start3A_35 : memref<1000000x32xf32, #tpu.memory_space<hbm>>) target(%dma_start3A_29 : memref<128x32xf32, #tpu.memory_space<vmem>>) offsets(%dma_start3A_32 : memref<128xi32, #tpu.memory_space<vmem>>) semaphore(%arg13 : memref<!tpu.dma_semaphore, #tpu.memory_space<semaphore_mem>>)
    %dma_start3A_36 = arith.constant 2 : i32
    %dma_start3A_37 = arith.constant 256 : i32
    %dma_start3A_38 = arith.constant 0 : i32
    %dma_start3A_39 = tpu.memref_slice %arg7[%dma_start3A_37, %dma_start3A_38] : memref<512x32xf32, #tpu.memory_space<vmem>> -> memref<128x32xf32, #tpu.memory_space<vmem>>
    %dma_start3A_40 = arith.constant 0 : i32
    %dma_start3A_41 = tpu.memref_slice %arg5[%dma_start3A_36, %dma_start3A_40] : memref<4x128xi32, #tpu.memory_space<vmem>> -> memref<1x128xi32, #tpu.memory_space<vmem>>
    %dma_start3A_42 = tpu.memref_squeeze %dma_start3A_41 : memref<1x128xi32, #tpu.memory_space<vmem>> -> memref<128xi32, #tpu.memory_space<vmem>>
    %dma_start3A_43 = arith.constant 0 : i32
    %dma_start3A_44 = arith.constant 0 : i32
    %dma_start3A_45 = tpu.memref_slice %arg3[%dma_start3A_43, %dma_start3A_44] : memref<1000000x32xf32, #tpu.memory_space<hbm>> -> memref<1000000x32xf32, #tpu.memory_space<hbm>>
    tpu.enqueue_indirect_dma source(%dma_start3A_45 : memref<1000000x32xf32, #tpu.memory_space<hbm>>) target(%dma_start3A_39 : memref<128x32xf32, #tpu.memory_space<vmem>>) offsets(%dma_start3A_42 : memref<128xi32, #tpu.memory_space<vmem>>) semaphore(%arg13 : memref<!tpu.dma_semaphore, #tpu.memory_space<semaphore_mem>>)
    %dma_start3A_46 = arith.constant 3 : i32
    %dma_start3A_47 = arith.constant 384 : i32
    %dma_start3A_48 = arith.constant 0 : i32
    %dma_start3A_49 = tpu.memref_slice %arg7[%dma_start3A_47, %dma_start3A_48] : memref<512x32xf32, #tpu.memory_space<vmem>> -> memref<128x32xf32, #tpu.memory_space<vmem>>
    %dma_start3A_50 = arith.constant 0 : i32
    %dma_start3A_51 = tpu.memref_slice %arg5[%dma_start3A_46, %dma_start3A_50] : memref<4x128xi32, #tpu.memory_space<vmem>> -> memref<1x128xi32, #tpu.memory_space<vmem>>
    %dma_start3A_52 = tpu.memref_squeeze %dma_start3A_51 : memref<1x128xi32, #tpu.memory_space<vmem>> -> memref<128xi32, #tpu.memory_space<vmem>>
    %dma_start3A_53 = arith.constant 0 : i32
    %dma_start3A_54 = arith.constant 0 : i32
    %dma_start3A_55 = tpu.memref_slice %arg3[%dma_start3A_53, %dma_start3A_54] : memref<1000000x32xf32, #tpu.memory_space<hbm>> -> memref<1000000x32xf32, #tpu.memory_space<hbm>>
    tpu.enqueue_indirect_dma source(%dma_start3A_55 : memref<1000000x32xf32, #tpu.memory_space<hbm>>) target(%dma_start3A_49 : memref<128x32xf32, #tpu.memory_space<vmem>>) offsets(%dma_start3A_52 : memref<128xi32, #tpu.memory_space<vmem>>) semaphore(%arg13 : memref<!tpu.dma_semaphore, #tpu.memory_space<semaphore_mem>>)
    %dma_start3A_56 = arith.constant 4 : i32
    %dma_start3A_57 = tpu.memref_slice %arg2[%dma_start3A_56, %mul3A_2] : memref<200x4096xi32, #tpu.memory_space<hbm>> -> memref<4x128xi32, #tpu.memory_space<hbm>>
    %dma_start3A_58 = arith.constant 4 : i32
    %dma_start3A_59 = tpu.memref_slice %arg2[%dma_start3A_58, %mul3A_2] : memref<200x4096xi32, #tpu.memory_space<hbm>> -> memref<4x128xi32, #tpu.memory_space<hbm>>
    tpu.enqueue_dma source(%dma_start3A_59 : memref<4x128xi32, #tpu.memory_space<hbm>>) target(%arg6 : memref<4x128xi32, #tpu.memory_space<vmem>>) target_semaphore(%arg12 : memref<!tpu.dma_semaphore, #tpu.memory_space<semaphore_mem>>)
    %scan3A = arith.constant 0 : i32
    %scan3A_60 = arith.constant 0 : i32
    %scan3A_61 = arith.constant 25 : i32
    %scan3A_62 = arith.addi %scan3A_60, %scan3A_61 : i32
    %scan3A_63 = arith.constant 1 : i32
    scf.for %scan3A_113 = %scan3A_60 to %scan3A_62 step %scan3A_63  : i32 {
      %mul3A_114 = arith.constant 2 : i32
      %mul3A_115 = arith.muli %mul3A_114, %scan3A_113 : i32
      %add3A_116 = arith.constant 0 : i32
      %add3A_117 = arith.addi %mul3A_115, %add3A_116 : i32
      %dma_wait3A_118 = arith.constant 0 : i32
      %dma_wait3A_119 = arith.constant 0 : i32
      %dma_wait3A_120 = tpu.memref_slice %arg3[%dma_wait3A_118, %dma_wait3A_119] : memref<1000000x32xf32, #tpu.memory_space<hbm>> -> memref<512x32xf32, #tpu.memory_space<hbm>>
      %dma_wait3A_121 = arith.constant 0 : i32
      %dma_wait3A_122 = arith.constant 0 : i32
      %dma_wait3A_123 = tpu.memref_slice %arg3[%dma_wait3A_121, %dma_wait3A_122] : memref<1000000x32xf32, #tpu.memory_space<hbm>> -> memref<512x32xf32, #tpu.memory_space<hbm>>
      tpu.wait_dma2 semaphore(%arg13 : memref<!tpu.dma_semaphore, #tpu.memory_space<semaphore_mem>>) src(%dma_wait3A_123 : memref<512x32xf32, #tpu.memory_space<hbm>>) dst(%arg7 : memref<512x32xf32, #tpu.memory_space<vmem>>)
      %lt3A = arith.constant 49 : i32
      %lt3A_124 = arith.cmpi slt, %add3A_117, %lt3A : i32
      %convert_element_type3A = arith.extui %lt3A_124 : i1 to i32
      %cond3A = arith.constant 0 : i32
      %cond3A_125 = arith.cmpi ne, %convert_element_type3A, %cond3A : i32
      scf.if %cond3A_125 {
        %dma_wait3A_268 = arith.constant 0 : i32
        %dma_wait3A_269 = arith.constant 0 : i32
        %dma_wait3A_270 = tpu.memref_slice %arg2[%dma_wait3A_268, %dma_wait3A_269] : memref<200x4096xi32, #tpu.memory_space<hbm>> -> memref<4x128xi32, #tpu.memory_space<hbm>>
        %dma_wait3A_271 = arith.constant 0 : i32
        %dma_wait3A_272 = arith.constant 0 : i32
        %dma_wait3A_273 = tpu.memref_slice %arg2[%dma_wait3A_271, %dma_wait3A_272] : memref<200x4096xi32, #tpu.memory_space<hbm>> -> memref<4x128xi32, #tpu.memory_space<hbm>>
        tpu.wait_dma2 semaphore(%arg12 : memref<!tpu.dma_semaphore, #tpu.memory_space<semaphore_mem>>) src(%dma_wait3A_273 : memref<4x128xi32, #tpu.memory_space<hbm>>) dst(%arg6 : memref<4x128xi32, #tpu.memory_space<vmem>>)
        %dma_start3A_274 = arith.constant 0 : i32
        %dma_start3A_275 = arith.constant 0 : i32
        %dma_start3A_276 = arith.constant 0 : i32
        %dma_start3A_277 = tpu.memref_slice %arg8[%dma_start3A_275, %dma_start3A_276] : memref<512x32xf32, #tpu.memory_space<vmem>> -> memref<128x32xf32, #tpu.memory_space<vmem>>
        %dma_start3A_278 = arith.constant 0 : i32
        %dma_start3A_279 = tpu.memref_slice %arg6[%dma_start3A_274, %dma_start3A_278] : memref<4x128xi32, #tpu.memory_space<vmem>> -> memref<1x128xi32, #tpu.memory_space<vmem>>
        %dma_start3A_280 = tpu.memref_squeeze %dma_start3A_279 : memref<1x128xi32, #tpu.memory_space<vmem>> -> memref<128xi32, #tpu.memory_space<vmem>>
        %dma_start3A_281 = arith.constant 0 : i32
        %dma_start3A_282 = arith.constant 0 : i32
        %dma_start3A_283 = tpu.memref_slice %arg3[%dma_start3A_281, %dma_start3A_282] : memref<1000000x32xf32, #tpu.memory_space<hbm>> -> memref<1000000x32xf32, #tpu.memory_space<hbm>>
        tpu.enqueue_indirect_dma source(%dma_start3A_283 : memref<1000000x32xf32, #tpu.memory_space<hbm>>) target(%dma_start3A_277 : memref<128x32xf32, #tpu.memory_space<vmem>>) offsets(%dma_start3A_280 : memref<128xi32, #tpu.memory_space<vmem>>) semaphore(%arg14 : memref<!tpu.dma_semaphore, #tpu.memory_space<semaphore_mem>>)
        %dma_start3A_284 = arith.constant 1 : i32
        %dma_start3A_285 = arith.constant 128 : i32
        %dma_start3A_286 = arith.constant 0 : i32
        %dma_start3A_287 = tpu.memref_slice %arg8[%dma_start3A_285, %dma_start3A_286] : memref<512x32xf32, #tpu.memory_space<vmem>> -> memref<128x32xf32, #tpu.memory_space<vmem>>
        %dma_start3A_288 = arith.constant 0 : i32
        %dma_start3A_289 = tpu.memref_slice %arg6[%dma_start3A_284, %dma_start3A_288] : memref<4x128xi32, #tpu.memory_space<vmem>> -> memref<1x128xi32, #tpu.memory_space<vmem>>
        %dma_start3A_290 = tpu.memref_squeeze %dma_start3A_289 : memref<1x128xi32, #tpu.memory_space<vmem>> -> memref<128xi32, #tpu.memory_space<vmem>>
        %dma_start3A_291 = arith.constant 0 : i32
        %dma_start3A_292 = arith.constant 0 : i32
        %dma_start3A_293 = tpu.memref_slice %arg3[%dma_start3A_291, %dma_start3A_292] : memref<1000000x32xf32, #tpu.memory_space<hbm>> -> memref<1000000x32xf32, #tpu.memory_space<hbm>>
        tpu.enqueue_indirect_dma source(%dma_start3A_293 : memref<1000000x32xf32, #tpu.memory_space<hbm>>) target(%dma_start3A_287 : memref<128x32xf32, #tpu.memory_space<vmem>>) offsets(%dma_start3A_290 : memref<128xi32, #tpu.memory_space<vmem>>) semaphore(%arg14 : memref<!tpu.dma_semaphore, #tpu.memory_space<semaphore_mem>>)
        %dma_start3A_294 = arith.constant 2 : i32
        %dma_start3A_295 = arith.constant 256 : i32
        %dma_start3A_296 = arith.constant 0 : i32
        %dma_start3A_297 = tpu.memref_slice %arg8[%dma_start3A_295, %dma_start3A_296] : memref<512x32xf32, #tpu.memory_space<vmem>> -> memref<128x32xf32, #tpu.memory_space<vmem>>
        %dma_start3A_298 = arith.constant 0 : i32
        %dma_start3A_299 = tpu.memref_slice %arg6[%dma_start3A_294, %dma_start3A_298] : memref<4x128xi32, #tpu.memory_space<vmem>> -> memref<1x128xi32, #tpu.memory_space<vmem>>
        %dma_start3A_300 = tpu.memref_squeeze %dma_start3A_299 : memref<1x128xi32, #tpu.memory_space<vmem>> -> memref<128xi32, #tpu.memory_space<vmem>>
        %dma_start3A_301 = arith.constant 0 : i32
        %dma_start3A_302 = arith.constant 0 : i32
        %dma_start3A_303 = tpu.memref_slice %arg3[%dma_start3A_301, %dma_start3A_302] : memref<1000000x32xf32, #tpu.memory_space<hbm>> -> memref<1000000x32xf32, #tpu.memory_space<hbm>>
        tpu.enqueue_indirect_dma source(%dma_start3A_303 : memref<1000000x32xf32, #tpu.memory_space<hbm>>) target(%dma_start3A_297 : memref<128x32xf32, #tpu.memory_space<vmem>>) offsets(%dma_start3A_300 : memref<128xi32, #tpu.memory_space<vmem>>) semaphore(%arg14 : memref<!tpu.dma_semaphore, #tpu.memory_space<semaphore_mem>>)
        %dma_start3A_304 = arith.constant 3 : i32
        %dma_start3A_305 = arith.constant 384 : i32
        %dma_start3A_306 = arith.constant 0 : i32
        %dma_start3A_307 = tpu.memref_slice %arg8[%dma_start3A_305, %dma_start3A_306] : memref<512x32xf32, #tpu.memory_space<vmem>> -> memref<128x32xf32, #tpu.memory_space<vmem>>
        %dma_start3A_308 = arith.constant 0 : i32
        %dma_start3A_309 = tpu.memref_slice %arg6[%dma_start3A_304, %dma_start3A_308] : memref<4x128xi32, #tpu.memory_space<vmem>> -> memref<1x128xi32, #tpu.memory_space<vmem>>
        %dma_start3A_310 = tpu.memref_squeeze %dma_start3A_309 : memref<1x128xi32, #tpu.memory_space<vmem>> -> memref<128xi32, #tpu.memory_space<vmem>>
        %dma_start3A_311 = arith.constant 0 : i32
        %dma_start3A_312 = arith.constant 0 : i32
        %dma_start3A_313 = tpu.memref_slice %arg3[%dma_start3A_311, %dma_start3A_312] : memref<1000000x32xf32, #tpu.memory_space<hbm>> -> memref<1000000x32xf32, #tpu.memory_space<hbm>>
        tpu.enqueue_indirect_dma source(%dma_start3A_313 : memref<1000000x32xf32, #tpu.memory_space<hbm>>) target(%dma_start3A_307 : memref<128x32xf32, #tpu.memory_space<vmem>>) offsets(%dma_start3A_310 : memref<128xi32, #tpu.memory_space<vmem>>) semaphore(%arg14 : memref<!tpu.dma_semaphore, #tpu.memory_space<semaphore_mem>>)
      } else {
      }
      %lt3A_126 = arith.constant 48 : i32
      %lt3A_127 = arith.cmpi slt, %add3A_117, %lt3A_126 : i32
      %convert_element_type3A_128 = arith.extui %lt3A_127 : i1 to i32
      %cond3A_129 = arith.constant 0 : i32
      %cond3A_130 = arith.cmpi ne, %convert_element_type3A_128, %cond3A_129 : i32
      scf.if %cond3A_130 {
        %add3A_268 = arith.constant 2 : i32
        %add3A_269 = arith.addi %add3A_117, %add3A_268 : i32
        %mul3A_270 = arith.constant 4 : i32
        %mul3A_271 = arith.muli %add3A_269, %mul3A_270 : i32
        %dma_start3A_272 = tpu.memref_slice %arg2[%mul3A_271, %mul3A_2] : memref<200x4096xi32, #tpu.memory_space<hbm>> -> memref<4x128xi32, #tpu.memory_space<hbm>>
        %dma_start3A_273 = tpu.memref_slice %arg2[%mul3A_271, %mul3A_2] : memref<200x4096xi32, #tpu.memory_space<hbm>> -> memref<4x128xi32, #tpu.memory_space<hbm>>
        tpu.enqueue_dma source(%dma_start3A_273 : memref<4x128xi32, #tpu.memory_space<hbm>>) target(%arg5 : memref<4x128xi32, #tpu.memory_space<vmem>>) target_semaphore(%arg11 : memref<!tpu.dma_semaphore, #tpu.memory_space<semaphore_mem>>)
      } else {
      }
      %ge3A = arith.constant 2 : i32
      %ge3A_131 = arith.cmpi sge, %add3A_117, %ge3A : i32
      %convert_element_type3A_132 = arith.extui %ge3A_131 : i1 to i32
      %cond3A_133 = arith.constant 0 : i32
      %cond3A_134 = arith.cmpi ne, %convert_element_type3A_132, %cond3A_133 : i32
      scf.if %cond3A_134 {
        %dma_wait3A_268 = arith.constant 0 : i32
        %dma_wait3A_269 = arith.constant 0 : i32
        %dma_wait3A_270 = arith.constant 0 : i32
        %dma_wait3A_271 = arith.constant 0 : i32
        %dma_wait3A_272 = arith.constant 0 : i32
        %dma_wait3A_273 = tpu.memref_slice %arg9[%dma_wait3A_268, %dma_wait3A_269, %dma_wait3A_270, %dma_wait3A_271, %dma_wait3A_272] : memref<4x4x1x8x133xf32, #tpu.memory_space<vmem>> -> memref<4x4x1x8x128xf32, #tpu.memory_space<vmem>>
        %dma_wait3A_274 = arith.constant 0 : i32
        %dma_wait3A_275 = arith.constant 0 : i32
        %dma_wait3A_276 = arith.constant 0 : i32
        %dma_wait3A_277 = arith.constant 0 : i32
        %dma_wait3A_278 = arith.constant 0 : i32
        %dma_wait3A_279 = tpu.memref_slice %arg4[%dma_wait3A_274, %dma_wait3A_275, %dma_wait3A_276, %dma_wait3A_277, %dma_wait3A_278] : memref<200x4x32x8x128xf32, #tpu.memory_space<hbm>> -> memref<4x4x1x8x128xf32, #tpu.memory_space<hbm>>
        %dma_wait3A_280 = arith.constant 0 : i32
        %dma_wait3A_281 = arith.constant 0 : i32
        %dma_wait3A_282 = arith.constant 0 : i32
        %dma_wait3A_283 = arith.constant 0 : i32
        %dma_wait3A_284 = arith.constant 0 : i32
        %dma_wait3A_285 = tpu.memref_slice %arg4[%dma_wait3A_280, %dma_wait3A_281, %dma_wait3A_282, %dma_wait3A_283, %dma_wait3A_284] : memref<200x4x32x8x128xf32, #tpu.memory_space<hbm>> -> memref<4x4x1x8x128xf32, #tpu.memory_space<hbm>>
        %dma_wait3A_286 = arith.constant 0 : i32
        %dma_wait3A_287 = arith.constant 0 : i32
        %dma_wait3A_288 = arith.constant 0 : i32
        %dma_wait3A_289 = arith.constant 0 : i32
        %dma_wait3A_290 = arith.constant 0 : i32
        %dma_wait3A_291 = tpu.memref_slice %arg9[%dma_wait3A_286, %dma_wait3A_287, %dma_wait3A_288, %dma_wait3A_289, %dma_wait3A_290] : memref<4x4x1x8x133xf32, #tpu.memory_space<vmem>> -> memref<4x4x1x8x128xf32, #tpu.memory_space<vmem>>
        tpu.wait_dma2 semaphore(%arg15 : memref<!tpu.dma_semaphore, #tpu.memory_space<semaphore_mem>>) src(%dma_wait3A_291 : memref<4x4x1x8x128xf32, #tpu.memory_space<vmem>>) dst(%dma_wait3A_285 : memref<4x4x1x8x128xf32, #tpu.memory_space<hbm>>)
      } else {
      }
      %broadcast_in_dim3A_135 = arith.constant 0 : i32
      %broadcast_in_dim3A_136 = vector.broadcast %broadcast_in_dim3A_135 : i32 to vector<16xi32>
      %scan3A_137 = arith.constant 0 : i32
      %scan3A_138 = arith.constant 0 : i32
      %scan3A_139 = arith.constant 128 : i32
      %scan3A_140 = arith.addi %scan3A_138, %scan3A_139 : i32
      %scan3A_141 = arith.constant 8 : i32
      scf.for %scan3A_268 = %scan3A_138 to %scan3A_140 step %scan3A_141  : i32 {
        %add3A_269 = arith.constant 0 : i32
        %add3A_270 = arith.addi %add3A_269, %scan3A_268 : i32
        %broadcast_in_dim3A_271 = vector.broadcast %scan3A_268 : i32 to vector<16xi32>
        %get3A = arith.index_cast %add3A_270 : i32 to index
        %get3A_272 = arith.constant 0 : index
        %get3A_273 = tpu.vector_load %arg7[%get3A, %get3A_272] {strides = array<i32>} : memref<512x32xf32, #tpu.memory_space<vmem>>, vector<16xf32>,
        %get3A_274 = arith.index_cast %add3A_270 : i32 to index
        %get3A_275 = arith.constant 16 : index
        %get3A_276 = tpu.vector_load %arg7[%get3A_274, %get3A_275] {strides = array<i32>} : memref<512x32xf32, #tpu.memory_space<vmem>>, vector<16xf32>,
        tpu.vector_store_idx %arg9[%broadcast_in_dim3A_136, %shift_right_arithmetic3A_5, %broadcast_in_dim3A_3, %and3A_7, %broadcast_in_dim3A_271], %get3A_273 : memref<4x4x1x8x133xf32, #tpu.memory_space<vmem>>[vector<16xi32>, vector<16xi32>, vector<16xi32>, vector<16xi32>, vector<16xi32>], vector<16xf32>,
        %add3A_277 = arith.constant 2 : i32
        %add3A_278 = vector.broadcast %add3A_277 : i32 to vector<16xi32>
        %add3A_279 = arith.addi %shift_right_arithmetic3A_5, %add3A_278 : vector<16xi32>
        tpu.vector_store_idx %arg9[%broadcast_in_dim3A_136, %add3A_279, %broadcast_in_dim3A_3, %and3A_7, %broadcast_in_dim3A_271], %get3A_276 : memref<4x4x1x8x133xf32, #tpu.memory_space<vmem>>[vector<16xi32>, vector<16xi32>, vector<16xi32>, vector<16xi32>, vector<16xi32>], vector<16xf32>,
        %scan3A_280 = arith.constant 1 : i32
        %scan3A_281 = arith.addi %scan3A_268, %scan3A_280 : i32
        %add3A_282 = arith.constant 0 : i32
        %add3A_283 = arith.addi %add3A_282, %scan3A_281 : i32
        %broadcast_in_dim3A_284 = vector.broadcast %scan3A_281 : i32 to vector<16xi32>
        %get3A_285 = arith.index_cast %add3A_283 : i32 to index
        %get3A_286 = arith.constant 0 : index
        %get3A_287 = tpu.vector_load %arg7[%get3A_285, %get3A_286] {strides = array<i32>} : memref<512x32xf32, #tpu.memory_space<vmem>>, vector<16xf32>,
        %get3A_288 = arith.index_cast %add3A_283 : i32 to index
        %get3A_289 = arith.constant 16 : index
        %get3A_290 = tpu.vector_load %arg7[%get3A_288, %get3A_289] {strides = array<i32>} : memref<512x32xf32, #tpu.memory_space<vmem>>, vector<16xf32>,
        tpu.vector_store_idx %arg9[%broadcast_in_dim3A_136, %shift_right_arithmetic3A_5, %broadcast_in_dim3A_3, %and3A_7, %broadcast_in_dim3A_284], %get3A_287 : memref<4x4x1x8x133xf32, #tpu.memory_space<vmem>>[vector<16xi32>, vector<16xi32>, vector<16xi32>, vector<16xi32>, vector<16xi32>], vector<16xf32>,
        %add3A_291 = arith.constant 2 : i32
        %add3A_292 = vector.broadcast %add3A_291 : i32 to vector<16xi32>
        %add3A_293 = arith.addi %shift_right_arithmetic3A_5, %add3A_292 : vector<16xi32>
        tpu.vector_store_idx %arg9[%broadcast_in_dim3A_136, %add3A_293, %broadcast_in_dim3A_3, %and3A_7, %broadcast_in_dim3A_284], %get3A_290 : memref<4x4x1x8x133xf32, #tpu.memory_space<vmem>>[vector<16xi32>, vector<16xi32>, vector<16xi32>, vector<16xi32>, vector<16xi32>], vector<16xf32>,
        %scan3A_294 = arith.constant 2 : i32
        %scan3A_295 = arith.addi %scan3A_268, %scan3A_294 : i32
        %add3A_296 = arith.constant 0 : i32
        %add3A_297 = arith.addi %add3A_296, %scan3A_295 : i32
        %broadcast_in_dim3A_298 = vector.broadcast %scan3A_295 : i32 to vector<16xi32>
        %get3A_299 = arith.index_cast %add3A_297 : i32 to index
        %get3A_300 = arith.constant 0 : index
        %get3A_301 = tpu.vector_load %arg7[%get3A_299, %get3A_300] {strides = array<i32>} : memref<512x32xf32, #tpu.memory_space<vmem>>, vector<16xf32>,
        %get3A_302 = arith.index_cast %add3A_297 : i32 to index
        %get3A_303 = arith.constant 16 : index
        %get3A_304 = tpu.vector_load %arg7[%get3A_302, %get3A_303] {strides = array<i32>} : memref<512x32xf32, #tpu.memory_space<vmem>>, vector<16xf32>,
        tpu.vector_store_idx %arg9[%broadcast_in_dim3A_136, %shift_right_arithmetic3A_5, %broadcast_in_dim3A_3, %and3A_7, %broadcast_in_dim3A_298], %get3A_301 : memref<4x4x1x8x133xf32, #tpu.memory_space<vmem>>[vector<16xi32>, vector<16xi32>, vector<16xi32>, vector<16xi32>, vector<16xi32>], vector<16xf32>,
        %add3A_305 = arith.constant 2 : i32
        %add3A_306 = vector.broadcast %add3A_305 : i32 to vector<16xi32>
        %add3A_307 = arith.addi %shift_right_arithmetic3A_5, %add3A_306 : vector<16xi32>
        tpu.vector_store_idx %arg9[%broadcast_in_dim3A_136, %add3A_307, %broadcast_in_dim3A_3, %and3A_7, %broadcast_in_dim3A_298], %get3A_304 : memref<4x4x1x8x133xf32, #tpu.memory_space<vmem>>[vector<16xi32>, vector<16xi32>, vector<16xi32>, vector<16xi32>, vector<16xi32>], vector<16xf32>,
        %scan3A_308 = arith.constant 3 : i32
        %scan3A_309 = arith.addi %scan3A_268, %scan3A_308 : i32
        %add3A_310 = arith.constant 0 : i32
        %add3A_311 = arith.addi %add3A_310, %scan3A_309 : i32
        %broadcast_in_dim3A_312 = vector.broadcast %scan3A_309 : i32 to vector<16xi32>
        %get3A_313 = arith.index_cast %add3A_311 : i32 to index
        %get3A_314 = arith.constant 0 : index
        %get3A_315 = tpu.vector_load %arg7[%get3A_313, %get3A_314] {strides = array<i32>} : memref<512x32xf32, #tpu.memory_space<vmem>>, vector<16xf32>,
        %get3A_316 = arith.index_cast %add3A_311 : i32 to index
        %get3A_317 = arith.constant 16 : index
        %get3A_318 = tpu.vector_load %arg7[%get3A_316, %get3A_317] {strides = array<i32>} : memref<512x32xf32, #tpu.memory_space<vmem>>, vector<16xf32>,
        tpu.vector_store_idx %arg9[%broadcast_in_dim3A_136, %shift_right_arithmetic3A_5, %broadcast_in_dim3A_3, %and3A_7, %broadcast_in_dim3A_312], %get3A_315 : memref<4x4x1x8x133xf32, #tpu.memory_space<vmem>>[vector<16xi32>, vector<16xi32>, vector<16xi32>, vector<16xi32>, vector<16xi32>], vector<16xf32>,
        %add3A_319 = arith.constant 2 : i32
        %add3A_320 = vector.broadcast %add3A_319 : i32 to vector<16xi32>
        %add3A_321 = arith.addi %shift_right_arithmetic3A_5, %add3A_320 : vector<16xi32>
        tpu.vector_store_idx %arg9[%broadcast_in_dim3A_136, %add3A_321, %broadcast_in_dim3A_3, %and3A_7, %broadcast_in_dim3A_312], %get3A_318 : memref<4x4x1x8x133xf32, #tpu.memory_space<vmem>>[vector<16xi32>, vector<16xi32>, vector<16xi32>, vector<16xi32>, vector<16xi32>], vector<16xf32>,
        %scan3A_322 = arith.constant 4 : i32
        %scan3A_323 = arith.addi %scan3A_268, %scan3A_322 : i32
        %add3A_324 = arith.constant 0 : i32
        %add3A_325 = arith.addi %add3A_324, %scan3A_323 : i32
        %broadcast_in_dim3A_326 = vector.broadcast %scan3A_323 : i32 to vector<16xi32>
        %get3A_327 = arith.index_cast %add3A_325 : i32 to index
        %get3A_328 = arith.constant 0 : index
        %get3A_329 = tpu.vector_load %arg7[%get3A_327, %get3A_328] {strides = array<i32>} : memref<512x32xf32, #tpu.memory_space<vmem>>, vector<16xf32>,
        %get3A_330 = arith.index_cast %add3A_325 : i32 to index
        %get3A_331 = arith.constant 16 : index
        %get3A_332 = tpu.vector_load %arg7[%get3A_330, %get3A_331] {strides = array<i32>} : memref<512x32xf32, #tpu.memory_space<vmem>>, vector<16xf32>,
        tpu.vector_store_idx %arg9[%broadcast_in_dim3A_136, %shift_right_arithmetic3A_5, %broadcast_in_dim3A_3, %and3A_7, %broadcast_in_dim3A_326], %get3A_329 : memref<4x4x1x8x133xf32, #tpu.memory_space<vmem>>[vector<16xi32>, vector<16xi32>, vector<16xi32>, vector<16xi32>, vector<16xi32>], vector<16xf32>,
        %add3A_333 = arith.constant 2 : i32
        %add3A_334 = vector.broadcast %add3A_333 : i32 to vector<16xi32>
        %add3A_335 = arith.addi %shift_right_arithmetic3A_5, %add3A_334 : vector<16xi32>
        tpu.vector_store_idx %arg9[%broadcast_in_dim3A_136, %add3A_335, %broadcast_in_dim3A_3, %and3A_7, %broadcast_in_dim3A_326], %get3A_332 : memref<4x4x1x8x133xf32, #tpu.memory_space<vmem>>[vector<16xi32>, vector<16xi32>, vector<16xi32>, vector<16xi32>, vector<16xi32>], vector<16xf32>,
        %scan3A_336 = arith.constant 5 : i32
        %scan3A_337 = arith.addi %scan3A_268, %scan3A_336 : i32
        %add3A_338 = arith.constant 0 : i32
        %add3A_339 = arith.addi %add3A_338, %scan3A_337 : i32
        %broadcast_in_dim3A_340 = vector.broadcast %scan3A_337 : i32 to vector<16xi32>
        %get3A_341 = arith.index_cast %add3A_339 : i32 to index
        %get3A_342 = arith.constant 0 : index
        %get3A_343 = tpu.vector_load %arg7[%get3A_341, %get3A_342] {strides = array<i32>} : memref<512x32xf32, #tpu.memory_space<vmem>>, vector<16xf32>,
        %get3A_344 = arith.index_cast %add3A_339 : i32 to index
        %get3A_345 = arith.constant 16 : index
        %get3A_346 = tpu.vector_load %arg7[%get3A_344, %get3A_345] {strides = array<i32>} : memref<512x32xf32, #tpu.memory_space<vmem>>, vector<16xf32>,
        tpu.vector_store_idx %arg9[%broadcast_in_dim3A_136, %shift_right_arithmetic3A_5, %broadcast_in_dim3A_3, %and3A_7, %broadcast_in_dim3A_340], %get3A_343 : memref<4x4x1x8x133xf32, #tpu.memory_space<vmem>>[vector<16xi32>, vector<16xi32>, vector<16xi32>, vector<16xi32>, vector<16xi32>], vector<16xf32>,
        %add3A_347 = arith.constant 2 : i32
        %add3A_348 = vector.broadcast %add3A_347 : i32 to vector<16xi32>
        %add3A_349 = arith.addi %shift_right_arithmetic3A_5, %add3A_348 : vector<16xi32>
        tpu.vector_store_idx %arg9[%broadcast_in_dim3A_136, %add3A_349, %broadcast_in_dim3A_3, %and3A_7, %broadcast_in_dim3A_340], %get3A_346 : memref<4x4x1x8x133xf32, #tpu.memory_space<vmem>>[vector<16xi32>, vector<16xi32>, vector<16xi32>, vector<16xi32>, vector<16xi32>], vector<16xf32>,
        %scan3A_350 = arith.constant 6 : i32
        %scan3A_351 = arith.addi %scan3A_268, %scan3A_350 : i32
        %add3A_352 = arith.constant 0 : i32
        %add3A_353 = arith.addi %add3A_352, %scan3A_351 : i32
        %broadcast_in_dim3A_354 = vector.broadcast %scan3A_351 : i32 to vector<16xi32>
        %get3A_355 = arith.index_cast %add3A_353 : i32 to index
        %get3A_356 = arith.constant 0 : index
        %get3A_357 = tpu.vector_load %arg7[%get3A_355, %get3A_356] {strides = array<i32>} : memref<512x32xf32, #tpu.memory_space<vmem>>, vector<16xf32>,
        %get3A_358 = arith.index_cast %add3A_353 : i32 to index
        %get3A_359 = arith.constant 16 : index
        %get3A_360 = tpu.vector_load %arg7[%get3A_358, %get3A_359] {strides = array<i32>} : memref<512x32xf32, #tpu.memory_space<vmem>>, vector<16xf32>,
        tpu.vector_store_idx %arg9[%broadcast_in_dim3A_136, %shift_right_arithmetic3A_5, %broadcast_in_dim3A_3, %and3A_7, %broadcast_in_dim3A_354], %get3A_357 : memref<4x4x1x8x133xf32, #tpu.memory_space<vmem>>[vector<16xi32>, vector<16xi32>, vector<16xi32>, vector<16xi32>, vector<16xi32>], vector<16xf32>,
        %add3A_361 = arith.constant 2 : i32
        %add3A_362 = vector.broadcast %add3A_361 : i32 to vector<16xi32>
        %add3A_363 = arith.addi %shift_right_arithmetic3A_5, %add3A_362 : vector<16xi32>
        tpu.vector_store_idx %arg9[%broadcast_in_dim3A_136, %add3A_363, %broadcast_in_dim3A_3, %and3A_7, %broadcast_in_dim3A_354], %get3A_360 : memref<4x4x1x8x133xf32, #tpu.memory_space<vmem>>[vector<16xi32>, vector<16xi32>, vector<16xi32>, vector<16xi32>, vector<16xi32>], vector<16xf32>,
        %scan3A_364 = arith.constant 7 : i32
        %scan3A_365 = arith.addi %scan3A_268, %scan3A_364 : i32
        %add3A_366 = arith.constant 0 : i32
        %add3A_367 = arith.addi %add3A_366, %scan3A_365 : i32
        %broadcast_in_dim3A_368 = vector.broadcast %scan3A_365 : i32 to vector<16xi32>
        %get3A_369 = arith.index_cast %add3A_367 : i32 to index
        %get3A_370 = arith.constant 0 : index
        %get3A_371 = tpu.vector_load %arg7[%get3A_369, %get3A_370] {strides = array<i32>} : memref<512x32xf32, #tpu.memory_space<vmem>>, vector<16xf32>,
        %get3A_372 = arith.index_cast %add3A_367 : i32 to index
        %get3A_373 = arith.constant 16 : index
        %get3A_374 = tpu.vector_load %arg7[%get3A_372, %get3A_373] {strides = array<i32>} : memref<512x32xf32, #tpu.memory_space<vmem>>, vector<16xf32>,
        tpu.vector_store_idx %arg9[%broadcast_in_dim3A_136, %shift_right_arithmetic3A_5, %broadcast_in_dim3A_3, %and3A_7, %broadcast_in_dim3A_368], %get3A_371 : memref<4x4x1x8x133xf32, #tpu.memory_space<vmem>>[vector<16xi32>, vector<16xi32>, vector<16xi32>, vector<16xi32>, vector<16xi32>], vector<16xf32>,
        %add3A_375 = arith.constant 2 : i32
        %add3A_376 = vector.broadcast %add3A_375 : i32 to vector<16xi32>
        %add3A_377 = arith.addi %shift_right_arithmetic3A_5, %add3A_376 : vector<16xi32>
        tpu.vector_store_idx %arg9[%broadcast_in_dim3A_136, %add3A_377, %broadcast_in_dim3A_3, %and3A_7, %broadcast_in_dim3A_368], %get3A_374 : memref<4x4x1x8x133xf32, #tpu.memory_space<vmem>>[vector<16xi32>, vector<16xi32>, vector<16xi32>, vector<16xi32>, vector<16xi32>], vector<16xf32>,
      }
      %scan3A_142 = arith.constant 128 : i32
      %broadcast_in_dim3A_143 = arith.constant 1 : i32
      %broadcast_in_dim3A_144 = vector.broadcast %broadcast_in_dim3A_143 : i32 to vector<16xi32>
      %scan3A_145 = arith.constant 0 : i32
      %scan3A_146 = arith.constant 0 : i32
      %scan3A_147 = arith.constant 128 : i32
      %scan3A_148 = arith.addi %scan3A_146, %scan3A_147 : i32
      %scan3A_149 = arith.constant 8 : i32
      scf.for %scan3A_268 = %scan3A_146 to %scan3A_148 step %scan3A_149  : i32 {
        %add3A_269 = arith.constant 128 : i32
        %add3A_270 = arith.addi %add3A_269, %scan3A_268 : i32
        %broadcast_in_dim3A_271 = vector.broadcast %scan3A_268 : i32 to vector<16xi32>
        %get3A = arith.index_cast %add3A_270 : i32 to index
        %get3A_272 = arith.constant 0 : index
        %get3A_273 = tpu.vector_load %arg7[%get3A, %get3A_272] {strides = array<i32>} : memref<512x32xf32, #tpu.memory_space<vmem>>, vector<16xf32>,
        %get3A_274 = arith.index_cast %add3A_270 : i32 to index
        %get3A_275 = arith.constant 16 : index
        %get3A_276 = tpu.vector_load %arg7[%get3A_274, %get3A_275] {strides = array<i32>} : memref<512x32xf32, #tpu.memory_space<vmem>>, vector<16xf32>,
        tpu.vector_store_idx %arg9[%broadcast_in_dim3A_144, %shift_right_arithmetic3A_5, %broadcast_in_dim3A_3, %and3A_7, %broadcast_in_dim3A_271], %get3A_273 : memref<4x4x1x8x133xf32, #tpu.memory_space<vmem>>[vector<16xi32>, vector<16xi32>, vector<16xi32>, vector<16xi32>, vector<16xi32>], vector<16xf32>,
        %add3A_277 = arith.constant 2 : i32
        %add3A_278 = vector.broadcast %add3A_277 : i32 to vector<16xi32>
        %add3A_279 = arith.addi %shift_right_arithmetic3A_5, %add3A_278 : vector<16xi32>
        tpu.vector_store_idx %arg9[%broadcast_in_dim3A_144, %add3A_279, %broadcast_in_dim3A_3, %and3A_7, %broadcast_in_dim3A_271], %get3A_276 : memref<4x4x1x8x133xf32, #tpu.memory_space<vmem>>[vector<16xi32>, vector<16xi32>, vector<16xi32>, vector<16xi32>, vector<16xi32>], vector<16xf32>,
        %scan3A_280 = arith.constant 1 : i32
        %scan3A_281 = arith.addi %scan3A_268, %scan3A_280 : i32
        %add3A_282 = arith.constant 128 : i32
        %add3A_283 = arith.addi %add3A_282, %scan3A_281 : i32
        %broadcast_in_dim3A_284 = vector.broadcast %scan3A_281 : i32 to vector<16xi32>
        %get3A_285 = arith.index_cast %add3A_283 : i32 to index
        %get3A_286 = arith.constant 0 : index
        %get3A_287 = tpu.vector_load %arg7[%get3A_285, %get3A_286] {strides = array<i32>} : memref<512x32xf32, #tpu.memory_space<vmem>>, vector<16xf32>,
        %get3A_288 = arith.index_cast %add3A_283 : i32 to index
        %get3A_289 = arith.constant 16 : index
        %get3A_290 = tpu.vector_load %arg7[%get3A_288, %get3A_289] {strides = array<i32>} : memref<512x32xf32, #tpu.memory_space<vmem>>, vector<16xf32>,
        tpu.vector_store_idx %arg9[%broadcast_in_dim3A_144, %shift_right_arithmetic3A_5, %broadcast_in_dim3A_3, %and3A_7, %broadcast_in_dim3A_284], %get3A_287 : memref<4x4x1x8x133xf32, #tpu.memory_space<vmem>>[vector<16xi32>, vector<16xi32>, vector<16xi32>, vector<16xi32>, vector<16xi32>], vector<16xf32>,
        %add3A_291 = arith.constant 2 : i32
        %add3A_292 = vector.broadcast %add3A_291 : i32 to vector<16xi32>
        %add3A_293 = arith.addi %shift_right_arithmetic3A_5, %add3A_292 : vector<16xi32>
        tpu.vector_store_idx %arg9[%broadcast_in_dim3A_144, %add3A_293, %broadcast_in_dim3A_3, %and3A_7, %broadcast_in_dim3A_284], %get3A_290 : memref<4x4x1x8x133xf32, #tpu.memory_space<vmem>>[vector<16xi32>, vector<16xi32>, vector<16xi32>, vector<16xi32>, vector<16xi32>], vector<16xf32>,
        %scan3A_294 = arith.constant 2 : i32
        %scan3A_295 = arith.addi %scan3A_268, %scan3A_294 : i32
        %add3A_296 = arith.constant 128 : i32
        %add3A_297 = arith.addi %add3A_296, %scan3A_295 : i32
        %broadcast_in_dim3A_298 = vector.broadcast %scan3A_295 : i32 to vector<16xi32>
        %get3A_299 = arith.index_cast %add3A_297 : i32 to index
        %get3A_300 = arith.constant 0 : index
        %get3A_301 = tpu.vector_load %arg7[%get3A_299, %get3A_300] {strides = array<i32>} : memref<512x32xf32, #tpu.memory_space<vmem>>, vector<16xf32>,
        %get3A_302 = arith.index_cast %add3A_297 : i32 to index
        %get3A_303 = arith.constant 16 : index
        %get3A_304 = tpu.vector_load %arg7[%get3A_302, %get3A_303] {strides = array<i32>} : memref<512x32xf32, #tpu.memory_space<vmem>>, vector<16xf32>,
        tpu.vector_store_idx %arg9[%broadcast_in_dim3A_144, %shift_right_arithmetic3A_5, %broadcast_in_dim3A_3, %and3A_7, %broadcast_in_dim3A_298], %get3A_301 : memref<4x4x1x8x133xf32, #tpu.memory_space<vmem>>[vector<16xi32>, vector<16xi32>, vector<16xi32>, vector<16xi32>, vector<16xi32>], vector<16xf32>,
        %add3A_305 = arith.constant 2 : i32
        %add3A_306 = vector.broadcast %add3A_305 : i32 to vector<16xi32>
        %add3A_307 = arith.addi %shift_right_arithmetic3A_5, %add3A_306 : vector<16xi32>
        tpu.vector_store_idx %arg9[%broadcast_in_dim3A_144, %add3A_307, %broadcast_in_dim3A_3, %and3A_7, %broadcast_in_dim3A_298], %get3A_304 : memref<4x4x1x8x133xf32, #tpu.memory_space<vmem>>[vector<16xi32>, vector<16xi32>, vector<16xi32>, vector<16xi32>, vector<16xi32>], vector<16xf32>,
        %scan3A_308 = arith.constant 3 : i32
        %scan3A_309 = arith.addi %scan3A_268, %scan3A_308 : i32
        %add3A_310 = arith.constant 128 : i32
        %add3A_311 = arith.addi %add3A_310, %scan3A_309 : i32
        %broadcast_in_dim3A_312 = vector.broadcast %scan3A_309 : i32 to vector<16xi32>
        %get3A_313 = arith.index_cast %add3A_311 : i32 to index
        %get3A_314 = arith.constant 0 : index
        %get3A_315 = tpu.vector_load %arg7[%get3A_313, %get3A_314] {strides = array<i32>} : memref<512x32xf32, #tpu.memory_space<vmem>>, vector<16xf32>,
        %get3A_316 = arith.index_cast %add3A_311 : i32 to index
        %get3A_317 = arith.constant 16 : index
        %get3A_318 = tpu.vector_load %arg7[%get3A_316, %get3A_317] {strides = array<i32>} : memref<512x32xf32, #tpu.memory_space<vmem>>, vector<16xf32>,
        tpu.vector_store_idx %arg9[%broadcast_in_dim3A_144, %shift_right_arithmetic3A_5, %broadcast_in_dim3A_3, %and3A_7, %broadcast_in_dim3A_312], %get3A_315 : memref<4x4x1x8x133xf32, #tpu.memory_space<vmem>>[vector<16xi32>, vector<16xi32>, vector<16xi32>, vector<16xi32>, vector<16xi32>], vector<16xf32>,
        %add3A_319 = arith.constant 2 : i32
        %add3A_320 = vector.broadcast %add3A_319 : i32 to vector<16xi32>
        %add3A_321 = arith.addi %shift_right_arithmetic3A_5, %add3A_320 : vector<16xi32>
        tpu.vector_store_idx %arg9[%broadcast_in_dim3A_144, %add3A_321, %broadcast_in_dim3A_3, %and3A_7, %broadcast_in_dim3A_312], %get3A_318 : memref<4x4x1x8x133xf32, #tpu.memory_space<vmem>>[vector<16xi32>, vector<16xi32>, vector<16xi32>, vector<16xi32>, vector<16xi32>], vector<16xf32>,
        %scan3A_322 = arith.constant 4 : i32
        %scan3A_323 = arith.addi %scan3A_268, %scan3A_322 : i32
        %add3A_324 = arith.constant 128 : i32
        %add3A_325 = arith.addi %add3A_324, %scan3A_323 : i32
        %broadcast_in_dim3A_326 = vector.broadcast %scan3A_323 : i32 to vector<16xi32>
        %get3A_327 = arith.index_cast %add3A_325 : i32 to index
        %get3A_328 = arith.constant 0 : index
        %get3A_329 = tpu.vector_load %arg7[%get3A_327, %get3A_328] {strides = array<i32>} : memref<512x32xf32, #tpu.memory_space<vmem>>, vector<16xf32>,
        %get3A_330 = arith.index_cast %add3A_325 : i32 to index
        %get3A_331 = arith.constant 16 : index
        %get3A_332 = tpu.vector_load %arg7[%get3A_330, %get3A_331] {strides = array<i32>} : memref<512x32xf32, #tpu.memory_space<vmem>>, vector<16xf32>,
        tpu.vector_store_idx %arg9[%broadcast_in_dim3A_144, %shift_right_arithmetic3A_5, %broadcast_in_dim3A_3, %and3A_7, %broadcast_in_dim3A_326], %get3A_329 : memref<4x4x1x8x133xf32, #tpu.memory_space<vmem>>[vector<16xi32>, vector<16xi32>, vector<16xi32>, vector<16xi32>, vector<16xi32>], vector<16xf32>,
        %add3A_333 = arith.constant 2 : i32
        %add3A_334 = vector.broadcast %add3A_333 : i32 to vector<16xi32>
        %add3A_335 = arith.addi %shift_right_arithmetic3A_5, %add3A_334 : vector<16xi32>
        tpu.vector_store_idx %arg9[%broadcast_in_dim3A_144, %add3A_335, %broadcast_in_dim3A_3, %and3A_7, %broadcast_in_dim3A_326], %get3A_332 : memref<4x4x1x8x133xf32, #tpu.memory_space<vmem>>[vector<16xi32>, vector<16xi32>, vector<16xi32>, vector<16xi32>, vector<16xi32>], vector<16xf32>,
        %scan3A_336 = arith.constant 5 : i32
        %scan3A_337 = arith.addi %scan3A_268, %scan3A_336 : i32
        %add3A_338 = arith.constant 128 : i32
        %add3A_339 = arith.addi %add3A_338, %scan3A_337 : i32
        %broadcast_in_dim3A_340 = vector.broadcast %scan3A_337 : i32 to vector<16xi32>
        %get3A_341 = arith.index_cast %add3A_339 : i32 to index
        %get3A_342 = arith.constant 0 : index
        %get3A_343 = tpu.vector_load %arg7[%get3A_341, %get3A_342] {strides = array<i32>} : memref<512x32xf32, #tpu.memory_space<vmem>>, vector<16xf32>,
        %get3A_344 = arith.index_cast %add3A_339 : i32 to index
        %get3A_345 = arith.constant 16 : index
        %get3A_346 = tpu.vector_load %arg7[%get3A_344, %get3A_345] {strides = array<i32>} : memref<512x32xf32, #tpu.memory_space<vmem>>, vector<16xf32>,
        tpu.vector_store_idx %arg9[%broadcast_in_dim3A_144, %shift_right_arithmetic3A_5, %broadcast_in_dim3A_3, %and3A_7, %broadcast_in_dim3A_340], %get3A_343 : memref<4x4x1x8x133xf32, #tpu.memory_space<vmem>>[vector<16xi32>, vector<16xi32>, vector<16xi32>, vector<16xi32>, vector<16xi32>], vector<16xf32>,
        %add3A_347 = arith.constant 2 : i32
        %add3A_348 = vector.broadcast %add3A_347 : i32 to vector<16xi32>
        %add3A_349 = arith.addi %shift_right_arithmetic3A_5, %add3A_348 : vector<16xi32>
        tpu.vector_store_idx %arg9[%broadcast_in_dim3A_144, %add3A_349, %broadcast_in_dim3A_3, %and3A_7, %broadcast_in_dim3A_340], %get3A_346 : memref<4x4x1x8x133xf32, #tpu.memory_space<vmem>>[vector<16xi32>, vector<16xi32>, vector<16xi32>, vector<16xi32>, vector<16xi32>], vector<16xf32>,
        %scan3A_350 = arith.constant 6 : i32
        %scan3A_351 = arith.addi %scan3A_268, %scan3A_350 : i32
        %add3A_352 = arith.constant 128 : i32
        %add3A_353 = arith.addi %add3A_352, %scan3A_351 : i32
        %broadcast_in_dim3A_354 = vector.broadcast %scan3A_351 : i32 to vector<16xi32>
        %get3A_355 = arith.index_cast %add3A_353 : i32 to index
        %get3A_356 = arith.constant 0 : index
        %get3A_357 = tpu.vector_load %arg7[%get3A_355, %get3A_356] {strides = array<i32>} : memref<512x32xf32, #tpu.memory_space<vmem>>, vector<16xf32>,
        %get3A_358 = arith.index_cast %add3A_353 : i32 to index
        %get3A_359 = arith.constant 16 : index
        %get3A_360 = tpu.vector_load %arg7[%get3A_358, %get3A_359] {strides = array<i32>} : memref<512x32xf32, #tpu.memory_space<vmem>>, vector<16xf32>,
        tpu.vector_store_idx %arg9[%broadcast_in_dim3A_144, %shift_right_arithmetic3A_5, %broadcast_in_dim3A_3, %and3A_7, %broadcast_in_dim3A_354], %get3A_357 : memref<4x4x1x8x133xf32, #tpu.memory_space<vmem>>[vector<16xi32>, vector<16xi32>, vector<16xi32>, vector<16xi32>, vector<16xi32>], vector<16xf32>,
        %add3A_361 = arith.constant 2 : i32
        %add3A_362 = vector.broadcast %add3A_361 : i32 to vector<16xi32>
        %add3A_363 = arith.addi %shift_right_arithmetic3A_5, %add3A_362 : vector<16xi32>
        tpu.vector_store_idx %arg9[%broadcast_in_dim3A_144, %add3A_363, %broadcast_in_dim3A_3, %and3A_7, %broadcast_in_dim3A_354], %get3A_360 : memref<4x4x1x8x133xf32, #tpu.memory_space<vmem>>[vector<16xi32>, vector<16xi32>, vector<16xi32>, vector<16xi32>, vector<16xi32>], vector<16xf32>,
        %scan3A_364 = arith.constant 7 : i32
        %scan3A_365 = arith.addi %scan3A_268, %scan3A_364 : i32
        %add3A_366 = arith.constant 128 : i32
        %add3A_367 = arith.addi %add3A_366, %scan3A_365 : i32
        %broadcast_in_dim3A_368 = vector.broadcast %scan3A_365 : i32 to vector<16xi32>
        %get3A_369 = arith.index_cast %add3A_367 : i32 to index
        %get3A_370 = arith.constant 0 : index
        %get3A_371 = tpu.vector_load %arg7[%get3A_369, %get3A_370] {strides = array<i32>} : memref<512x32xf32, #tpu.memory_space<vmem>>, vector<16xf32>,
        %get3A_372 = arith.index_cast %add3A_367 : i32 to index
        %get3A_373 = arith.constant 16 : index
        %get3A_374 = tpu.vector_load %arg7[%get3A_372, %get3A_373] {strides = array<i32>} : memref<512x32xf32, #tpu.memory_space<vmem>>, vector<16xf32>,
        tpu.vector_store_idx %arg9[%broadcast_in_dim3A_144, %shift_right_arithmetic3A_5, %broadcast_in_dim3A_3, %and3A_7, %broadcast_in_dim3A_368], %get3A_371 : memref<4x4x1x8x133xf32, #tpu.memory_space<vmem>>[vector<16xi32>, vector<16xi32>, vector<16xi32>, vector<16xi32>, vector<16xi32>], vector<16xf32>,
        %add3A_375 = arith.constant 2 : i32
        %add3A_376 = vector.broadcast %add3A_375 : i32 to vector<16xi32>
        %add3A_377 = arith.addi %shift_right_arithmetic3A_5, %add3A_376 : vector<16xi32>
        tpu.vector_store_idx %arg9[%broadcast_in_dim3A_144, %add3A_377, %broadcast_in_dim3A_3, %and3A_7, %broadcast_in_dim3A_368], %get3A_374 : memref<4x4x1x8x133xf32, #tpu.memory_space<vmem>>[vector<16xi32>, vector<16xi32>, vector<16xi32>, vector<16xi32>, vector<16xi32>], vector<16xf32>,
      }
      %scan3A_150 = arith.constant 128 : i32
      %broadcast_in_dim3A_151 = arith.constant 2 : i32
      %broadcast_in_dim3A_152 = vector.broadcast %broadcast_in_dim3A_151 : i32 to vector<16xi32>
      %scan3A_153 = arith.constant 0 : i32
      %scan3A_154 = arith.constant 0 : i32
      %scan3A_155 = arith.constant 128 : i32
      %scan3A_156 = arith.addi %scan3A_154, %scan3A_155 : i32
      %scan3A_157 = arith.constant 8 : i32
      scf.for %scan3A_268 = %scan3A_154 to %scan3A_156 step %scan3A_157  : i32 {
        %add3A_269 = arith.constant 256 : i32
        %add3A_270 = arith.addi %add3A_269, %scan3A_268 : i32
        %broadcast_in_dim3A_271 = vector.broadcast %scan3A_268 : i32 to vector<16xi32>
        %get3A = arith.index_cast %add3A_270 : i32 to index
        %get3A_272 = arith.constant 0 : index
        %get3A_273 = tpu.vector_load %arg7[%get3A, %get3A_272] {strides = array<i32>} : memref<512x32xf32, #tpu.memory_space<vmem>>, vector<16xf32>,
        %get3A_274 = arith.index_cast %add3A_270 : i32 to index
        %get3A_275 = arith.constant 16 : index
        %get3A_276 = tpu.vector_load %arg7[%get3A_274, %get3A_275] {strides = array<i32>} : memref<512x32xf32, #tpu.memory_space<vmem>>, vector<16xf32>,
        tpu.vector_store_idx %arg9[%broadcast_in_dim3A_152, %shift_right_arithmetic3A_5, %broadcast_in_dim3A_3, %and3A_7, %broadcast_in_dim3A_271], %get3A_273 : memref<4x4x1x8x133xf32, #tpu.memory_space<vmem>>[vector<16xi32>, vector<16xi32>, vector<16xi32>, vector<16xi32>, vector<16xi32>], vector<16xf32>,
        %add3A_277 = arith.constant 2 : i32
        %add3A_278 = vector.broadcast %add3A_277 : i32 to vector<16xi32>
        %add3A_279 = arith.addi %shift_right_arithmetic3A_5, %add3A_278 : vector<16xi32>
        tpu.vector_store_idx %arg9[%broadcast_in_dim3A_152, %add3A_279, %broadcast_in_dim3A_3, %and3A_7, %broadcast_in_dim3A_271], %get3A_276 : memref<4x4x1x8x133xf32, #tpu.memory_space<vmem>>[vector<16xi32>, vector<16xi32>, vector<16xi32>, vector<16xi32>, vector<16xi32>], vector<16xf32>,
        %scan3A_280 = arith.constant 1 : i32
        %scan3A_281 = arith.addi %scan3A_268, %scan3A_280 : i32
        %add3A_282 = arith.constant 256 : i32
        %add3A_283 = arith.addi %add3A_282, %scan3A_281 : i32
        %broadcast_in_dim3A_284 = vector.broadcast %scan3A_281 : i32 to vector<16xi32>
        %get3A_285 = arith.index_cast %add3A_283 : i32 to index
        %get3A_286 = arith.constant 0 : index
        %get3A_287 = tpu.vector_load %arg7[%get3A_285, %get3A_286] {strides = array<i32>} : memref<512x32xf32, #tpu.memory_space<vmem>>, vector<16xf32>,
        %get3A_288 = arith.index_cast %add3A_283 : i32 to index
        %get3A_289 = arith.constant 16 : index
        %get3A_290 = tpu.vector_load %arg7[%get3A_288, %get3A_289] {strides = array<i32>} : memref<512x32xf32, #tpu.memory_space<vmem>>, vector<16xf32>,
        tpu.vector_store_idx %arg9[%broadcast_in_dim3A_152, %shift_right_arithmetic3A_5, %broadcast_in_dim3A_3, %and3A_7, %broadcast_in_dim3A_284], %get3A_287 : memref<4x4x1x8x133xf32, #tpu.memory_space<vmem>>[vector<16xi32>, vector<16xi32>, vector<16xi32>, vector<16xi32>, vector<16xi32>], vector<16xf32>,
        %add3A_291 = arith.constant 2 : i32
        %add3A_292 = vector.broadcast %add3A_291 : i32 to vector<16xi32>
        %add3A_293 = arith.addi %shift_right_arithmetic3A_5, %add3A_292 : vector<16xi32>
        tpu.vector_store_idx %arg9[%broadcast_in_dim3A_152, %add3A_293, %broadcast_in_dim3A_3, %and3A_7, %broadcast_in_dim3A_284], %get3A_290 : memref<4x4x1x8x133xf32, #tpu.memory_space<vmem>>[vector<16xi32>, vector<16xi32>, vector<16xi32>, vector<16xi32>, vector<16xi32>], vector<16xf32>,
        %scan3A_294 = arith.constant 2 : i32
        %scan3A_295 = arith.addi %scan3A_268, %scan3A_294 : i32
        %add3A_296 = arith.constant 256 : i32
        %add3A_297 = arith.addi %add3A_296, %scan3A_295 : i32
        %broadcast_in_dim3A_298 = vector.broadcast %scan3A_295 : i32 to vector<16xi32>
        %get3A_299 = arith.index_cast %add3A_297 : i32 to index
        %get3A_300 = arith.constant 0 : index
        %get3A_301 = tpu.vector_load %arg7[%get3A_299, %get3A_300] {strides = array<i32>} : memref<512x32xf32, #tpu.memory_space<vmem>>, vector<16xf32>,
        %get3A_302 = arith.index_cast %add3A_297 : i32 to index
        %get3A_303 = arith.constant 16 : index
        %get3A_304 = tpu.vector_load %arg7[%get3A_302, %get3A_303] {strides = array<i32>} : memref<512x32xf32, #tpu.memory_space<vmem>>, vector<16xf32>,
        tpu.vector_store_idx %arg9[%broadcast_in_dim3A_152, %shift_right_arithmetic3A_5, %broadcast_in_dim3A_3, %and3A_7, %broadcast_in_dim3A_298], %get3A_301 : memref<4x4x1x8x133xf32, #tpu.memory_space<vmem>>[vector<16xi32>, vector<16xi32>, vector<16xi32>, vector<16xi32>, vector<16xi32>], vector<16xf32>,
        %add3A_305 = arith.constant 2 : i32
        %add3A_306 = vector.broadcast %add3A_305 : i32 to vector<16xi32>
        %add3A_307 = arith.addi %shift_right_arithmetic3A_5, %add3A_306 : vector<16xi32>
        tpu.vector_store_idx %arg9[%broadcast_in_dim3A_152, %add3A_307, %broadcast_in_dim3A_3, %and3A_7, %broadcast_in_dim3A_298], %get3A_304 : memref<4x4x1x8x133xf32, #tpu.memory_space<vmem>>[vector<16xi32>, vector<16xi32>, vector<16xi32>, vector<16xi32>, vector<16xi32>], vector<16xf32>,
        %scan3A_308 = arith.constant 3 : i32
        %scan3A_309 = arith.addi %scan3A_268, %scan3A_308 : i32
        %add3A_310 = arith.constant 256 : i32
        %add3A_311 = arith.addi %add3A_310, %scan3A_309 : i32
        %broadcast_in_dim3A_312 = vector.broadcast %scan3A_309 : i32 to vector<16xi32>
        %get3A_313 = arith.index_cast %add3A_311 : i32 to index
        %get3A_314 = arith.constant 0 : index
        %get3A_315 = tpu.vector_load %arg7[%get3A_313, %get3A_314] {strides = array<i32>} : memref<512x32xf32, #tpu.memory_space<vmem>>, vector<16xf32>,
        %get3A_316 = arith.index_cast %add3A_311 : i32 to index
        %get3A_317 = arith.constant 16 : index
        %get3A_318 = tpu.vector_load %arg7[%get3A_316, %get3A_317] {strides = array<i32>} : memref<512x32xf32, #tpu.memory_space<vmem>>, vector<16xf32>,
        tpu.vector_store_idx %arg9[%broadcast_in_dim3A_152, %shift_right_arithmetic3A_5, %broadcast_in_dim3A_3, %and3A_7, %broadcast_in_dim3A_312], %get3A_315 : memref<4x4x1x8x133xf32, #tpu.memory_space<vmem>>[vector<16xi32>, vector<16xi32>, vector<16xi32>, vector<16xi32>, vector<16xi32>], vector<16xf32>,
        %add3A_319 = arith.constant 2 : i32
        %add3A_320 = vector.broadcast %add3A_319 : i32 to vector<16xi32>
        %add3A_321 = arith.addi %shift_right_arithmetic3A_5, %add3A_320 : vector<16xi32>
        tpu.vector_store_idx %arg9[%broadcast_in_dim3A_152, %add3A_321, %broadcast_in_dim3A_3, %and3A_7, %broadcast_in_dim3A_312], %get3A_318 : memref<4x4x1x8x133xf32, #tpu.memory_space<vmem>>[vector<16xi32>, vector<16xi32>, vector<16xi32>, vector<16xi32>, vector<16xi32>], vector<16xf32>,
        %scan3A_322 = arith.constant 4 : i32
        %scan3A_323 = arith.addi %scan3A_268, %scan3A_322 : i32
        %add3A_324 = arith.constant 256 : i32
        %add3A_325 = arith.addi %add3A_324, %scan3A_323 : i32
        %broadcast_in_dim3A_326 = vector.broadcast %scan3A_323 : i32 to vector<16xi32>
        %get3A_327 = arith.index_cast %add3A_325 : i32 to index
        %get3A_328 = arith.constant 0 : index
        %get3A_329 = tpu.vector_load %arg7[%get3A_327, %get3A_328] {strides = array<i32>} : memref<512x32xf32, #tpu.memory_space<vmem>>, vector<16xf32>,
        %get3A_330 = arith.index_cast %add3A_325 : i32 to index
        %get3A_331 = arith.constant 16 : index
        %get3A_332 = tpu.vector_load %arg7[%get3A_330, %get3A_331] {strides = array<i32>} : memref<512x32xf32, #tpu.memory_space<vmem>>, vector<16xf32>,
        tpu.vector_store_idx %arg9[%broadcast_in_dim3A_152, %shift_right_arithmetic3A_5, %broadcast_in_dim3A_3, %and3A_7, %broadcast_in_dim3A_326], %get3A_329 : memref<4x4x1x8x133xf32, #tpu.memory_space<vmem>>[vector<16xi32>, vector<16xi32>, vector<16xi32>, vector<16xi32>, vector<16xi32>], vector<16xf32>,
        %add3A_333 = arith.constant 2 : i32
        %add3A_334 = vector.broadcast %add3A_333 : i32 to vector<16xi32>
        %add3A_335 = arith.addi %shift_right_arithmetic3A_5, %add3A_334 : vector<16xi32>
        tpu.vector_store_idx %arg9[%broadcast_in_dim3A_152, %add3A_335, %broadcast_in_dim3A_3, %and3A_7, %broadcast_in_dim3A_326], %get3A_332 : memref<4x4x1x8x133xf32, #tpu.memory_space<vmem>>[vector<16xi32>, vector<16xi32>, vector<16xi32>, vector<16xi32>, vector<16xi32>], vector<16xf32>,
        %scan3A_336 = arith.constant 5 : i32
        %scan3A_337 = arith.addi %scan3A_268, %scan3A_336 : i32
        %add3A_338 = arith.constant 256 : i32
        %add3A_339 = arith.addi %add3A_338, %scan3A_337 : i32
        %broadcast_in_dim3A_340 = vector.broadcast %scan3A_337 : i32 to vector<16xi32>
        %get3A_341 = arith.index_cast %add3A_339 : i32 to index
        %get3A_342 = arith.constant 0 : index
        %get3A_343 = tpu.vector_load %arg7[%get3A_341, %get3A_342] {strides = array<i32>} : memref<512x32xf32, #tpu.memory_space<vmem>>, vector<16xf32>,
        %get3A_344 = arith.index_cast %add3A_339 : i32 to index
        %get3A_345 = arith.constant 16 : index
        %get3A_346 = tpu.vector_load %arg7[%get3A_344, %get3A_345] {strides = array<i32>} : memref<512x32xf32, #tpu.memory_space<vmem>>, vector<16xf32>,
        tpu.vector_store_idx %arg9[%broadcast_in_dim3A_152, %shift_right_arithmetic3A_5, %broadcast_in_dim3A_3, %and3A_7, %broadcast_in_dim3A_340], %get3A_343 : memref<4x4x1x8x133xf32, #tpu.memory_space<vmem>>[vector<16xi32>, vector<16xi32>, vector<16xi32>, vector<16xi32>, vector<16xi32>], vector<16xf32>,
        %add3A_347 = arith.constant 2 : i32
        %add3A_348 = vector.broadcast %add3A_347 : i32 to vector<16xi32>
        %add3A_349 = arith.addi %shift_right_arithmetic3A_5, %add3A_348 : vector<16xi32>
        tpu.vector_store_idx %arg9[%broadcast_in_dim3A_152, %add3A_349, %broadcast_in_dim3A_3, %and3A_7, %broadcast_in_dim3A_340], %get3A_346 : memref<4x4x1x8x133xf32, #tpu.memory_space<vmem>>[vector<16xi32>, vector<16xi32>, vector<16xi32>, vector<16xi32>, vector<16xi32>], vector<16xf32>,
        %scan3A_350 = arith.constant 6 : i32
        %scan3A_351 = arith.addi %scan3A_268, %scan3A_350 : i32
        %add3A_352 = arith.constant 256 : i32
        %add3A_353 = arith.addi %add3A_352, %scan3A_351 : i32
        %broadcast_in_dim3A_354 = vector.broadcast %scan3A_351 : i32 to vector<16xi32>
        %get3A_355 = arith.index_cast %add3A_353 : i32 to index
        %get3A_356 = arith.constant 0 : index
        %get3A_357 = tpu.vector_load %arg7[%get3A_355, %get3A_356] {strides = array<i32>} : memref<512x32xf32, #tpu.memory_space<vmem>>, vector<16xf32>,
        %get3A_358 = arith.index_cast %add3A_353 : i32 to index
        %get3A_359 = arith.constant 16 : index
        %get3A_360 = tpu.vector_load %arg7[%get3A_358, %get3A_359] {strides = array<i32>} : memref<512x32xf32, #tpu.memory_space<vmem>>, vector<16xf32>,
        tpu.vector_store_idx %arg9[%broadcast_in_dim3A_152, %shift_right_arithmetic3A_5, %broadcast_in_dim3A_3, %and3A_7, %broadcast_in_dim3A_354], %get3A_357 : memref<4x4x1x8x133xf32, #tpu.memory_space<vmem>>[vector<16xi32>, vector<16xi32>, vector<16xi32>, vector<16xi32>, vector<16xi32>], vector<16xf32>,
        %add3A_361 = arith.constant 2 : i32
        %add3A_362 = vector.broadcast %add3A_361 : i32 to vector<16xi32>
        %add3A_363 = arith.addi %shift_right_arithmetic3A_5, %add3A_362 : vector<16xi32>
        tpu.vector_store_idx %arg9[%broadcast_in_dim3A_152, %add3A_363, %broadcast_in_dim3A_3, %and3A_7, %broadcast_in_dim3A_354], %get3A_360 : memref<4x4x1x8x133xf32, #tpu.memory_space<vmem>>[vector<16xi32>, vector<16xi32>, vector<16xi32>, vector<16xi32>, vector<16xi32>], vector<16xf32>,
        %scan3A_364 = arith.constant 7 : i32
        %scan3A_365 = arith.addi %scan3A_268, %scan3A_364 : i32
        %add3A_366 = arith.constant 256 : i32
        %add3A_367 = arith.addi %add3A_366, %scan3A_365 : i32
        %broadcast_in_dim3A_368 = vector.broadcast %scan3A_365 : i32 to vector<16xi32>
        %get3A_369 = arith.index_cast %add3A_367 : i32 to index
        %get3A_370 = arith.constant 0 : index
        %get3A_371 = tpu.vector_load %arg7[%get3A_369, %get3A_370] {strides = array<i32>} : memref<512x32xf32, #tpu.memory_space<vmem>>, vector<16xf32>,
        %get3A_372 = arith.index_cast %add3A_367 : i32 to index
        %get3A_373 = arith.constant 16 : index
        %get3A_374 = tpu.vector_load %arg7[%get3A_372, %get3A_373] {strides = array<i32>} : memref<512x32xf32, #tpu.memory_space<vmem>>, vector<16xf32>,
        tpu.vector_store_idx %arg9[%broadcast_in_dim3A_152, %shift_right_arithmetic3A_5, %broadcast_in_dim3A_3, %and3A_7, %broadcast_in_dim3A_368], %get3A_371 : memref<4x4x1x8x133xf32, #tpu.memory_space<vmem>>[vector<16xi32>, vector<16xi32>, vector<16xi32>, vector<16xi32>, vector<16xi32>], vector<16xf32>,
        %add3A_375 = arith.constant 2 : i32
        %add3A_376 = vector.broadcast %add3A_375 : i32 to vector<16xi32>
        %add3A_377 = arith.addi %shift_right_arithmetic3A_5, %add3A_376 : vector<16xi32>
        tpu.vector_store_idx %arg9[%broadcast_in_dim3A_152, %add3A_377, %broadcast_in_dim3A_3, %and3A_7, %broadcast_in_dim3A_368], %get3A_374 : memref<4x4x1x8x133xf32, #tpu.memory_space<vmem>>[vector<16xi32>, vector<16xi32>, vector<16xi32>, vector<16xi32>, vector<16xi32>], vector<16xf32>,
      }
      %scan3A_158 = arith.constant 128 : i32
      %broadcast_in_dim3A_159 = arith.constant 3 : i32
      %broadcast_in_dim3A_160 = vector.broadcast %broadcast_in_dim3A_159 : i32 to vector<16xi32>
      %scan3A_161 = arith.constant 0 : i32
      %scan3A_162 = arith.constant 0 : i32
      %scan3A_163 = arith.constant 128 : i32
      %scan3A_164 = arith.addi %scan3A_162, %scan3A_163 : i32
      %scan3A_165 = arith.constant 8 : i32
      scf.for %scan3A_268 = %scan3A_162 to %scan3A_164 step %scan3A_165  : i32 {
        %add3A_269 = arith.constant 384 : i32
        %add3A_270 = arith.addi %add3A_269, %scan3A_268 : i32
        %broadcast_in_dim3A_271 = vector.broadcast %scan3A_268 : i32 to vector<16xi32>
        %get3A = arith.index_cast %add3A_270 : i32 to index
        %get3A_272 = arith.constant 0 : index
        %get3A_273 = tpu.vector_load %arg7[%get3A, %get3A_272] {strides = array<i32>} : memref<512x32xf32, #tpu.memory_space<vmem>>, vector<16xf32>,
        %get3A_274 = arith.index_cast %add3A_270 : i32 to index
        %get3A_275 = arith.constant 16 : index
        %get3A_276 = tpu.vector_load %arg7[%get3A_274, %get3A_275] {strides = array<i32>} : memref<512x32xf32, #tpu.memory_space<vmem>>, vector<16xf32>,
        tpu.vector_store_idx %arg9[%broadcast_in_dim3A_160, %shift_right_arithmetic3A_5, %broadcast_in_dim3A_3, %and3A_7, %broadcast_in_dim3A_271], %get3A_273 : memref<4x4x1x8x133xf32, #tpu.memory_space<vmem>>[vector<16xi32>, vector<16xi32>, vector<16xi32>, vector<16xi32>, vector<16xi32>], vector<16xf32>,
        %add3A_277 = arith.constant 2 : i32
        %add3A_278 = vector.broadcast %add3A_277 : i32 to vector<16xi32>
        %add3A_279 = arith.addi %shift_right_arithmetic3A_5, %add3A_278 : vector<16xi32>
        tpu.vector_store_idx %arg9[%broadcast_in_dim3A_160, %add3A_279, %broadcast_in_dim3A_3, %and3A_7, %broadcast_in_dim3A_271], %get3A_276 : memref<4x4x1x8x133xf32, #tpu.memory_space<vmem>>[vector<16xi32>, vector<16xi32>, vector<16xi32>, vector<16xi32>, vector<16xi32>], vector<16xf32>,
        %scan3A_280 = arith.constant 1 : i32
        %scan3A_281 = arith.addi %scan3A_268, %scan3A_280 : i32
        %add3A_282 = arith.constant 384 : i32
        %add3A_283 = arith.addi %add3A_282, %scan3A_281 : i32
        %broadcast_in_dim3A_284 = vector.broadcast %scan3A_281 : i32 to vector<16xi32>
        %get3A_285 = arith.index_cast %add3A_283 : i32 to index
        %get3A_286 = arith.constant 0 : index
        %get3A_287 = tpu.vector_load %arg7[%get3A_285, %get3A_286] {strides = array<i32>} : memref<512x32xf32, #tpu.memory_space<vmem>>, vector<16xf32>,
        %get3A_288 = arith.index_cast %add3A_283 : i32 to index
        %get3A_289 = arith.constant 16 : index
        %get3A_290 = tpu.vector_load %arg7[%get3A_288, %get3A_289] {strides = array<i32>} : memref<512x32xf32, #tpu.memory_space<vmem>>, vector<16xf32>,
        tpu.vector_store_idx %arg9[%broadcast_in_dim3A_160, %shift_right_arithmetic3A_5, %broadcast_in_dim3A_3, %and3A_7, %broadcast_in_dim3A_284], %get3A_287 : memref<4x4x1x8x133xf32, #tpu.memory_space<vmem>>[vector<16xi32>, vector<16xi32>, vector<16xi32>, vector<16xi32>, vector<16xi32>], vector<16xf32>,
        %add3A_291 = arith.constant 2 : i32
        %add3A_292 = vector.broadcast %add3A_291 : i32 to vector<16xi32>
        %add3A_293 = arith.addi %shift_right_arithmetic3A_5, %add3A_292 : vector<16xi32>
        tpu.vector_store_idx %arg9[%broadcast_in_dim3A_160, %add3A_293, %broadcast_in_dim3A_3, %and3A_7, %broadcast_in_dim3A_284], %get3A_290 : memref<4x4x1x8x133xf32, #tpu.memory_space<vmem>>[vector<16xi32>, vector<16xi32>, vector<16xi32>, vector<16xi32>, vector<16xi32>], vector<16xf32>,
        %scan3A_294 = arith.constant 2 : i32
        %scan3A_295 = arith.addi %scan3A_268, %scan3A_294 : i32
        %add3A_296 = arith.constant 384 : i32
        %add3A_297 = arith.addi %add3A_296, %scan3A_295 : i32
        %broadcast_in_dim3A_298 = vector.broadcast %scan3A_295 : i32 to vector<16xi32>
        %get3A_299 = arith.index_cast %add3A_297 : i32 to index
        %get3A_300 = arith.constant 0 : index
        %get3A_301 = tpu.vector_load %arg7[%get3A_299, %get3A_300] {strides = array<i32>} : memref<512x32xf32, #tpu.memory_space<vmem>>, vector<16xf32>,
        %get3A_302 = arith.index_cast %add3A_297 : i32 to index
        %get3A_303 = arith.constant 16 : index
        %get3A_304 = tpu.vector_load %arg7[%get3A_302, %get3A_303] {strides = array<i32>} : memref<512x32xf32, #tpu.memory_space<vmem>>, vector<16xf32>,
        tpu.vector_store_idx %arg9[%broadcast_in_dim3A_160, %shift_right_arithmetic3A_5, %broadcast_in_dim3A_3, %and3A_7, %broadcast_in_dim3A_298], %get3A_301 : memref<4x4x1x8x133xf32, #tpu.memory_space<vmem>>[vector<16xi32>, vector<16xi32>, vector<16xi32>, vector<16xi32>, vector<16xi32>], vector<16xf32>,
        %add3A_305 = arith.constant 2 : i32
        %add3A_306 = vector.broadcast %add3A_305 : i32 to vector<16xi32>
        %add3A_307 = arith.addi %shift_right_arithmetic3A_5, %add3A_306 : vector<16xi32>
        tpu.vector_store_idx %arg9[%broadcast_in_dim3A_160, %add3A_307, %broadcast_in_dim3A_3, %and3A_7, %broadcast_in_dim3A_298], %get3A_304 : memref<4x4x1x8x133xf32, #tpu.memory_space<vmem>>[vector<16xi32>, vector<16xi32>, vector<16xi32>, vector<16xi32>, vector<16xi32>], vector<16xf32>,
        %scan3A_308 = arith.constant 3 : i32
        %scan3A_309 = arith.addi %scan3A_268, %scan3A_308 : i32
        %add3A_310 = arith.constant 384 : i32
        %add3A_311 = arith.addi %add3A_310, %scan3A_309 : i32
        %broadcast_in_dim3A_312 = vector.broadcast %scan3A_309 : i32 to vector<16xi32>
        %get3A_313 = arith.index_cast %add3A_311 : i32 to index
        %get3A_314 = arith.constant 0 : index
        %get3A_315 = tpu.vector_load %arg7[%get3A_313, %get3A_314] {strides = array<i32>} : memref<512x32xf32, #tpu.memory_space<vmem>>, vector<16xf32>,
        %get3A_316 = arith.index_cast %add3A_311 : i32 to index
        %get3A_317 = arith.constant 16 : index
        %get3A_318 = tpu.vector_load %arg7[%get3A_316, %get3A_317] {strides = array<i32>} : memref<512x32xf32, #tpu.memory_space<vmem>>, vector<16xf32>,
        tpu.vector_store_idx %arg9[%broadcast_in_dim3A_160, %shift_right_arithmetic3A_5, %broadcast_in_dim3A_3, %and3A_7, %broadcast_in_dim3A_312], %get3A_315 : memref<4x4x1x8x133xf32, #tpu.memory_space<vmem>>[vector<16xi32>, vector<16xi32>, vector<16xi32>, vector<16xi32>, vector<16xi32>], vector<16xf32>,
        %add3A_319 = arith.constant 2 : i32
        %add3A_320 = vector.broadcast %add3A_319 : i32 to vector<16xi32>
        %add3A_321 = arith.addi %shift_right_arithmetic3A_5, %add3A_320 : vector<16xi32>
        tpu.vector_store_idx %arg9[%broadcast_in_dim3A_160, %add3A_321, %broadcast_in_dim3A_3, %and3A_7, %broadcast_in_dim3A_312], %get3A_318 : memref<4x4x1x8x133xf32, #tpu.memory_space<vmem>>[vector<16xi32>, vector<16xi32>, vector<16xi32>, vector<16xi32>, vector<16xi32>], vector<16xf32>,
        %scan3A_322 = arith.constant 4 : i32
        %scan3A_323 = arith.addi %scan3A_268, %scan3A_322 : i32
        %add3A_324 = arith.constant 384 : i32
        %add3A_325 = arith.addi %add3A_324, %scan3A_323 : i32
        %broadcast_in_dim3A_326 = vector.broadcast %scan3A_323 : i32 to vector<16xi32>
        %get3A_327 = arith.index_cast %add3A_325 : i32 to index
        %get3A_328 = arith.constant 0 : index
        %get3A_329 = tpu.vector_load %arg7[%get3A_327, %get3A_328] {strides = array<i32>} : memref<512x32xf32, #tpu.memory_space<vmem>>, vector<16xf32>,
        %get3A_330 = arith.index_cast %add3A_325 : i32 to index
        %get3A_331 = arith.constant 16 : index
        %get3A_332 = tpu.vector_load %arg7[%get3A_330, %get3A_331] {strides = array<i32>} : memref<512x32xf32, #tpu.memory_space<vmem>>, vector<16xf32>,
        tpu.vector_store_idx %arg9[%broadcast_in_dim3A_160, %shift_right_arithmetic3A_5, %broadcast_in_dim3A_3, %and3A_7, %broadcast_in_dim3A_326], %get3A_329 : memref<4x4x1x8x133xf32, #tpu.memory_space<vmem>>[vector<16xi32>, vector<16xi32>, vector<16xi32>, vector<16xi32>, vector<16xi32>], vector<16xf32>,
        %add3A_333 = arith.constant 2 : i32
        %add3A_334 = vector.broadcast %add3A_333 : i32 to vector<16xi32>
        %add3A_335 = arith.addi %shift_right_arithmetic3A_5, %add3A_334 : vector<16xi32>
        tpu.vector_store_idx %arg9[%broadcast_in_dim3A_160, %add3A_335, %broadcast_in_dim3A_3, %and3A_7, %broadcast_in_dim3A_326], %get3A_332 : memref<4x4x1x8x133xf32, #tpu.memory_space<vmem>>[vector<16xi32>, vector<16xi32>, vector<16xi32>, vector<16xi32>, vector<16xi32>], vector<16xf32>,
        %scan3A_336 = arith.constant 5 : i32
        %scan3A_337 = arith.addi %scan3A_268, %scan3A_336 : i32
        %add3A_338 = arith.constant 384 : i32
        %add3A_339 = arith.addi %add3A_338, %scan3A_337 : i32
        %broadcast_in_dim3A_340 = vector.broadcast %scan3A_337 : i32 to vector<16xi32>
        %get3A_341 = arith.index_cast %add3A_339 : i32 to index
        %get3A_342 = arith.constant 0 : index
        %get3A_343 = tpu.vector_load %arg7[%get3A_341, %get3A_342] {strides = array<i32>} : memref<512x32xf32, #tpu.memory_space<vmem>>, vector<16xf32>,
        %get3A_344 = arith.index_cast %add3A_339 : i32 to index
        %get3A_345 = arith.constant 16 : index
        %get3A_346 = tpu.vector_load %arg7[%get3A_344, %get3A_345] {strides = array<i32>} : memref<512x32xf32, #tpu.memory_space<vmem>>, vector<16xf32>,
        tpu.vector_store_idx %arg9[%broadcast_in_dim3A_160, %shift_right_arithmetic3A_5, %broadcast_in_dim3A_3, %and3A_7, %broadcast_in_dim3A_340], %get3A_343 : memref<4x4x1x8x133xf32, #tpu.memory_space<vmem>>[vector<16xi32>, vector<16xi32>, vector<16xi32>, vector<16xi32>, vector<16xi32>], vector<16xf32>,
        %add3A_347 = arith.constant 2 : i32
        %add3A_348 = vector.broadcast %add3A_347 : i32 to vector<16xi32>
        %add3A_349 = arith.addi %shift_right_arithmetic3A_5, %add3A_348 : vector<16xi32>
        tpu.vector_store_idx %arg9[%broadcast_in_dim3A_160, %add3A_349, %broadcast_in_dim3A_3, %and3A_7, %broadcast_in_dim3A_340], %get3A_346 : memref<4x4x1x8x133xf32, #tpu.memory_space<vmem>>[vector<16xi32>, vector<16xi32>, vector<16xi32>, vector<16xi32>, vector<16xi32>], vector<16xf32>,
        %scan3A_350 = arith.constant 6 : i32
        %scan3A_351 = arith.addi %scan3A_268, %scan3A_350 : i32
        %add3A_352 = arith.constant 384 : i32
        %add3A_353 = arith.addi %add3A_352, %scan3A_351 : i32
        %broadcast_in_dim3A_354 = vector.broadcast %scan3A_351 : i32 to vector<16xi32>
        %get3A_355 = arith.index_cast %add3A_353 : i32 to index
        %get3A_356 = arith.constant 0 : index
        %get3A_357 = tpu.vector_load %arg7[%get3A_355, %get3A_356] {strides = array<i32>} : memref<512x32xf32, #tpu.memory_space<vmem>>, vector<16xf32>,
        %get3A_358 = arith.index_cast %add3A_353 : i32 to index
        %get3A_359 = arith.constant 16 : index
        %get3A_360 = tpu.vector_load %arg7[%get3A_358, %get3A_359] {strides = array<i32>} : memref<512x32xf32, #tpu.memory_space<vmem>>, vector<16xf32>,
        tpu.vector_store_idx %arg9[%broadcast_in_dim3A_160, %shift_right_arithmetic3A_5, %broadcast_in_dim3A_3, %and3A_7, %broadcast_in_dim3A_354], %get3A_357 : memref<4x4x1x8x133xf32, #tpu.memory_space<vmem>>[vector<16xi32>, vector<16xi32>, vector<16xi32>, vector<16xi32>, vector<16xi32>], vector<16xf32>,
        %add3A_361 = arith.constant 2 : i32
        %add3A_362 = vector.broadcast %add3A_361 : i32 to vector<16xi32>
        %add3A_363 = arith.addi %shift_right_arithmetic3A_5, %add3A_362 : vector<16xi32>
        tpu.vector_store_idx %arg9[%broadcast_in_dim3A_160, %add3A_363, %broadcast_in_dim3A_3, %and3A_7, %broadcast_in_dim3A_354], %get3A_360 : memref<4x4x1x8x133xf32, #tpu.memory_space<vmem>>[vector<16xi32>, vector<16xi32>, vector<16xi32>, vector<16xi32>, vector<16xi32>], vector<16xf32>,
        %scan3A_364 = arith.constant 7 : i32
        %scan3A_365 = arith.addi %scan3A_268, %scan3A_364 : i32
        %add3A_366 = arith.constant 384 : i32
        %add3A_367 = arith.addi %add3A_366, %scan3A_365 : i32
        %broadcast_in_dim3A_368 = vector.broadcast %scan3A_365 : i32 to vector<16xi32>
        %get3A_369 = arith.index_cast %add3A_367 : i32 to index
        %get3A_370 = arith.constant 0 : index
        %get3A_371 = tpu.vector_load %arg7[%get3A_369, %get3A_370] {strides = array<i32>} : memref<512x32xf32, #tpu.memory_space<vmem>>, vector<16xf32>,
        %get3A_372 = arith.index_cast %add3A_367 : i32 to index
        %get3A_373 = arith.constant 16 : index
        %get3A_374 = tpu.vector_load %arg7[%get3A_372, %get3A_373] {strides = array<i32>} : memref<512x32xf32, #tpu.memory_space<vmem>>, vector<16xf32>,
        tpu.vector_store_idx %arg9[%broadcast_in_dim3A_160, %shift_right_arithmetic3A_5, %broadcast_in_dim3A_3, %and3A_7, %broadcast_in_dim3A_368], %get3A_371 : memref<4x4x1x8x133xf32, #tpu.memory_space<vmem>>[vector<16xi32>, vector<16xi32>, vector<16xi32>, vector<16xi32>, vector<16xi32>], vector<16xf32>,
        %add3A_375 = arith.constant 2 : i32
        %add3A_376 = vector.broadcast %add3A_375 : i32 to vector<16xi32>
        %add3A_377 = arith.addi %shift_right_arithmetic3A_5, %add3A_376 : vector<16xi32>
        tpu.vector_store_idx %arg9[%broadcast_in_dim3A_160, %add3A_377, %broadcast_in_dim3A_3, %and3A_7, %broadcast_in_dim3A_368], %get3A_374 : memref<4x4x1x8x133xf32, #tpu.memory_space<vmem>>[vector<16xi32>, vector<16xi32>, vector<16xi32>, vector<16xi32>, vector<16xi32>], vector<16xf32>,
      }
      %scan3A_166 = arith.constant 128 : i32
      %mul3A_167 = arith.constant 4 : i32
      %mul3A_168 = arith.muli %add3A_117, %mul3A_167 : i32
      %dma_start3A_169 = arith.constant 0 : i32
      %dma_start3A_170 = arith.constant 0 : i32
      %dma_start3A_171 = arith.constant 0 : i32
      %dma_start3A_172 = arith.constant 0 : i32
      %dma_start3A_173 = arith.constant 0 : i32
      %dma_start3A_174 = tpu.memref_slice %arg9[%dma_start3A_169, %dma_start3A_170, %dma_start3A_171, %dma_start3A_172, %dma_start3A_173] : memref<4x4x1x8x133xf32, #tpu.memory_space<vmem>> -> memref<4x4x1x8x128xf32, #tpu.memory_space<vmem>>
      %dma_start3A_175 = arith.constant 0 : i32
      %dma_start3A_176 = arith.constant 0 : i32
      %dma_start3A_177 = arith.constant 0 : i32
      %dma_start3A_178 = tpu.memref_slice %arg4[%mul3A_168, %dma_start3A_175, %add3A, %dma_start3A_176, %dma_start3A_177] : memref<200x4x32x8x128xf32, #tpu.memory_space<hbm>> -> memref<4x4x1x8x128xf32, #tpu.memory_space<hbm>>
      %dma_start3A_179 = arith.constant 0 : i32
      %dma_start3A_180 = arith.constant 0 : i32
      %dma_start3A_181 = arith.constant 0 : i32
      %dma_start3A_182 = tpu.memref_slice %arg4[%mul3A_168, %dma_start3A_179, %add3A, %dma_start3A_180, %dma_start3A_181] : memref<200x4x32x8x128xf32, #tpu.memory_space<hbm>> -> memref<4x4x1x8x128xf32, #tpu.memory_space<hbm>>
      %dma_start3A_183 = arith.constant 0 : i32
      %dma_start3A_184 = arith.constant 0 : i32
      %dma_start3A_185 = arith.constant 0 : i32
      %dma_start3A_186 = arith.constant 0 : i32
      %dma_start3A_187 = arith.constant 0 : i32
      %dma_start3A_188 = tpu.memref_slice %arg9[%dma_start3A_183, %dma_start3A_184, %dma_start3A_185, %dma_start3A_186, %dma_start3A_187] : memref<4x4x1x8x133xf32, #tpu.memory_space<vmem>> -> memref<4x4x1x8x128xf32, #tpu.memory_space<vmem>>
      tpu.enqueue_dma source(%dma_start3A_188 : memref<4x4x1x8x128xf32, #tpu.memory_space<vmem>>) target(%dma_start3A_182 : memref<4x4x1x8x128xf32, #tpu.memory_space<hbm>>) target_semaphore(%arg15 : memref<!tpu.dma_semaphore, #tpu.memory_space<semaphore_mem>>)
      %mul3A_189 = arith.constant 2 : i32
      %mul3A_190 = arith.muli %mul3A_189, %scan3A_113 : i32
      %add3A_191 = arith.constant 1 : i32
      %add3A_192 = arith.addi %mul3A_190, %add3A_191 : i32
      %dma_wait3A_193 = arith.constant 0 : i32
      %dma_wait3A_194 = arith.constant 0 : i32
      %dma_wait3A_195 = tpu.memref_slice %arg3[%dma_wait3A_193, %dma_wait3A_194] : memref<1000000x32xf32, #tpu.memory_space<hbm>> -> memref<512x32xf32, #tpu.memory_space<hbm>>
      %dma_wait3A_196 = arith.constant 0 : i32
      %dma_wait3A_197 = arith.constant 0 : i32
      %dma_wait3A_198 = tpu.memref_slice %arg3[%dma_wait3A_196, %dma_wait3A_197] : memref<1000000x32xf32, #tpu.memory_space<hbm>> -> memref<512x32xf32, #tpu.memory_space<hbm>>
      tpu.wait_dma2 semaphore(%arg14 : memref<!tpu.dma_semaphore, #tpu.memory_space<semaphore_mem>>) src(%dma_wait3A_198 : memref<512x32xf32, #tpu.memory_space<hbm>>) dst(%arg8 : memref<512x32xf32, #tpu.memory_space<vmem>>)
      %lt3A_199 = arith.constant 49 : i32
      %lt3A_200 = arith.cmpi slt, %add3A_192, %lt3A_199 : i32
      %convert_element_type3A_201 = arith.extui %lt3A_200 : i1 to i32
      %cond3A_202 = arith.constant 0 : i32
      %cond3A_203 = arith.cmpi ne, %convert_element_type3A_201, %cond3A_202 : i32
      scf.if %cond3A_203 {
        %dma_wait3A_268 = arith.constant 0 : i32
        %dma_wait3A_269 = arith.constant 0 : i32
        %dma_wait3A_270 = tpu.memref_slice %arg2[%dma_wait3A_268, %dma_wait3A_269] : memref<200x4096xi32, #tpu.memory_space<hbm>> -> memref<4x128xi32, #tpu.memory_space<hbm>>
        %dma_wait3A_271 = arith.constant 0 : i32
        %dma_wait3A_272 = arith.constant 0 : i32
        %dma_wait3A_273 = tpu.memref_slice %arg2[%dma_wait3A_271, %dma_wait3A_272] : memref<200x4096xi32, #tpu.memory_space<hbm>> -> memref<4x128xi32, #tpu.memory_space<hbm>>
        tpu.wait_dma2 semaphore(%arg11 : memref<!tpu.dma_semaphore, #tpu.memory_space<semaphore_mem>>) src(%dma_wait3A_273 : memref<4x128xi32, #tpu.memory_space<hbm>>) dst(%arg5 : memref<4x128xi32, #tpu.memory_space<vmem>>)
        %dma_start3A_274 = arith.constant 0 : i32
        %dma_start3A_275 = arith.constant 0 : i32
        %dma_start3A_276 = arith.constant 0 : i32
        %dma_start3A_277 = tpu.memref_slice %arg7[%dma_start3A_275, %dma_start3A_276] : memref<512x32xf32, #tpu.memory_space<vmem>> -> memref<128x32xf32, #tpu.memory_space<vmem>>
        %dma_start3A_278 = arith.constant 0 : i32
        %dma_start3A_279 = tpu.memref_slice %arg5[%dma_start3A_274, %dma_start3A_278] : memref<4x128xi32, #tpu.memory_space<vmem>> -> memref<1x128xi32, #tpu.memory_space<vmem>>
        %dma_start3A_280 = tpu.memref_squeeze %dma_start3A_279 : memref<1x128xi32, #tpu.memory_space<vmem>> -> memref<128xi32, #tpu.memory_space<vmem>>
        %dma_start3A_281 = arith.constant 0 : i32
        %dma_start3A_282 = arith.constant 0 : i32
        %dma_start3A_283 = tpu.memref_slice %arg3[%dma_start3A_281, %dma_start3A_282] : memref<1000000x32xf32, #tpu.memory_space<hbm>> -> memref<1000000x32xf32, #tpu.memory_space<hbm>>
        tpu.enqueue_indirect_dma source(%dma_start3A_283 : memref<1000000x32xf32, #tpu.memory_space<hbm>>) target(%dma_start3A_277 : memref<128x32xf32, #tpu.memory_space<vmem>>) offsets(%dma_start3A_280 : memref<128xi32, #tpu.memory_space<vmem>>) semaphore(%arg13 : memref<!tpu.dma_semaphore, #tpu.memory_space<semaphore_mem>>)
        %dma_start3A_284 = arith.constant 1 : i32
        %dma_start3A_285 = arith.constant 128 : i32
        %dma_start3A_286 = arith.constant 0 : i32
        %dma_start3A_287 = tpu.memref_slice %arg7[%dma_start3A_285, %dma_start3A_286] : memref<512x32xf32, #tpu.memory_space<vmem>> -> memref<128x32xf32, #tpu.memory_space<vmem>>
        %dma_start3A_288 = arith.constant 0 : i32
        %dma_start3A_289 = tpu.memref_slice %arg5[%dma_start3A_284, %dma_start3A_288] : memref<4x128xi32, #tpu.memory_space<vmem>> -> memref<1x128xi32, #tpu.memory_space<vmem>>
        %dma_start3A_290 = tpu.memref_squeeze %dma_start3A_289 : memref<1x128xi32, #tpu.memory_space<vmem>> -> memref<128xi32, #tpu.memory_space<vmem>>
        %dma_start3A_291 = arith.constant 0 : i32
        %dma_start3A_292 = arith.constant 0 : i32
        %dma_start3A_293 = tpu.memref_slice %arg3[%dma_start3A_291, %dma_start3A_292] : memref<1000000x32xf32, #tpu.memory_space<hbm>> -> memref<1000000x32xf32, #tpu.memory_space<hbm>>
        tpu.enqueue_indirect_dma source(%dma_start3A_293 : memref<1000000x32xf32, #tpu.memory_space<hbm>>) target(%dma_start3A_287 : memref<128x32xf32, #tpu.memory_space<vmem>>) offsets(%dma_start3A_290 : memref<128xi32, #tpu.memory_space<vmem>>) semaphore(%arg13 : memref<!tpu.dma_semaphore, #tpu.memory_space<semaphore_mem>>)
        %dma_start3A_294 = arith.constant 2 : i32
        %dma_start3A_295 = arith.constant 256 : i32
        %dma_start3A_296 = arith.constant 0 : i32
        %dma_start3A_297 = tpu.memref_slice %arg7[%dma_start3A_295, %dma_start3A_296] : memref<512x32xf32, #tpu.memory_space<vmem>> -> memref<128x32xf32, #tpu.memory_space<vmem>>
        %dma_start3A_298 = arith.constant 0 : i32
        %dma_start3A_299 = tpu.memref_slice %arg5[%dma_start3A_294, %dma_start3A_298] : memref<4x128xi32, #tpu.memory_space<vmem>> -> memref<1x128xi32, #tpu.memory_space<vmem>>
        %dma_start3A_300 = tpu.memref_squeeze %dma_start3A_299 : memref<1x128xi32, #tpu.memory_space<vmem>> -> memref<128xi32, #tpu.memory_space<vmem>>
        %dma_start3A_301 = arith.constant 0 : i32
        %dma_start3A_302 = arith.constant 0 : i32
        %dma_start3A_303 = tpu.memref_slice %arg3[%dma_start3A_301, %dma_start3A_302] : memref<1000000x32xf32, #tpu.memory_space<hbm>> -> memref<1000000x32xf32, #tpu.memory_space<hbm>>
        tpu.enqueue_indirect_dma source(%dma_start3A_303 : memref<1000000x32xf32, #tpu.memory_space<hbm>>) target(%dma_start3A_297 : memref<128x32xf32, #tpu.memory_space<vmem>>) offsets(%dma_start3A_300 : memref<128xi32, #tpu.memory_space<vmem>>) semaphore(%arg13 : memref<!tpu.dma_semaphore, #tpu.memory_space<semaphore_mem>>)
        %dma_start3A_304 = arith.constant 3 : i32
        %dma_start3A_305 = arith.constant 384 : i32
        %dma_start3A_306 = arith.constant 0 : i32
        %dma_start3A_307 = tpu.memref_slice %arg7[%dma_start3A_305, %dma_start3A_306] : memref<512x32xf32, #tpu.memory_space<vmem>> -> memref<128x32xf32, #tpu.memory_space<vmem>>
        %dma_start3A_308 = arith.constant 0 : i32
        %dma_start3A_309 = tpu.memref_slice %arg5[%dma_start3A_304, %dma_start3A_308] : memref<4x128xi32, #tpu.memory_space<vmem>> -> memref<1x128xi32, #tpu.memory_space<vmem>>
        %dma_start3A_310 = tpu.memref_squeeze %dma_start3A_309 : memref<1x128xi32, #tpu.memory_space<vmem>> -> memref<128xi32, #tpu.memory_space<vmem>>
        %dma_start3A_311 = arith.constant 0 : i32
        %dma_start3A_312 = arith.constant 0 : i32
        %dma_start3A_313 = tpu.memref_slice %arg3[%dma_start3A_311, %dma_start3A_312] : memref<1000000x32xf32, #tpu.memory_space<hbm>> -> memref<1000000x32xf32, #tpu.memory_space<hbm>>
        tpu.enqueue_indirect_dma source(%dma_start3A_313 : memref<1000000x32xf32, #tpu.memory_space<hbm>>) target(%dma_start3A_307 : memref<128x32xf32, #tpu.memory_space<vmem>>) offsets(%dma_start3A_310 : memref<128xi32, #tpu.memory_space<vmem>>) semaphore(%arg13 : memref<!tpu.dma_semaphore, #tpu.memory_space<semaphore_mem>>)
      } else {
      }
      %lt3A_204 = arith.constant 48 : i32
      %lt3A_205 = arith.cmpi slt, %add3A_192, %lt3A_204 : i32
      %convert_element_type3A_206 = arith.extui %lt3A_205 : i1 to i32
      %cond3A_207 = arith.constant 0 : i32
      %cond3A_208 = arith.cmpi ne, %convert_element_type3A_206, %cond3A_207 : i32
      scf.if %cond3A_208 {
        %add3A_268 = arith.constant 2 : i32
        %add3A_269 = arith.addi %add3A_192, %add3A_268 : i32
        %mul3A_270 = arith.constant 4 : i32
        %mul3A_271 = arith.muli %add3A_269, %mul3A_270 : i32
        %dma_start3A_272 = tpu.memref_slice %arg2[%mul3A_271, %mul3A_2] : memref<200x4096xi32, #tpu.memory_space<hbm>> -> memref<4x128xi32, #tpu.memory_space<hbm>>
        %dma_start3A_273 = tpu.memref_slice %arg2[%mul3A_271, %mul3A_2] : memref<200x4096xi32, #tpu.memory_space<hbm>> -> memref<4x128xi32, #tpu.memory_space<hbm>>
        tpu.enqueue_dma source(%dma_start3A_273 : memref<4x128xi32, #tpu.memory_space<hbm>>) target(%arg6 : memref<4x128xi32, #tpu.memory_space<vmem>>) target_semaphore(%arg12 : memref<!tpu.dma_semaphore, #tpu.memory_space<semaphore_mem>>)
      } else {
      }
      %ge3A_209 = arith.constant 2 : i32
      %ge3A_210 = arith.cmpi sge, %add3A_192, %ge3A_209 : i32
      %convert_element_type3A_211 = arith.extui %ge3A_210 : i1 to i32
      %cond3A_212 = arith.constant 0 : i32
      %cond3A_213 = arith.cmpi ne, %convert_element_type3A_211, %cond3A_212 : i32
      scf.if %cond3A_213 {
        %dma_wait3A_268 = arith.constant 0 : i32
        %dma_wait3A_269 = arith.constant 0 : i32
        %dma_wait3A_270 = arith.constant 0 : i32
        %dma_wait3A_271 = arith.constant 0 : i32
        %dma_wait3A_272 = arith.constant 0 : i32
        %dma_wait3A_273 = tpu.memref_slice %arg10[%dma_wait3A_268, %dma_wait3A_269, %dma_wait3A_270, %dma_wait3A_271, %dma_wait3A_272] : memref<4x4x1x8x133xf32, #tpu.memory_space<vmem>> -> memref<4x4x1x8x128xf32, #tpu.memory_space<vmem>>
        %dma_wait3A_274 = arith.constant 0 : i32
        %dma_wait3A_275 = arith.constant 0 : i32
        %dma_wait3A_276 = arith.constant 0 : i32
        %dma_wait3A_277 = arith.constant 0 : i32
        %dma_wait3A_278 = arith.constant 0 : i32
        %dma_wait3A_279 = tpu.memref_slice %arg4[%dma_wait3A_274, %dma_wait3A_275, %dma_wait3A_276, %dma_wait3A_277, %dma_wait3A_278] : memref<200x4x32x8x128xf32, #tpu.memory_space<hbm>> -> memref<4x4x1x8x128xf32, #tpu.memory_space<hbm>>
        %dma_wait3A_280 = arith.constant 0 : i32
        %dma_wait3A_281 = arith.constant 0 : i32
        %dma_wait3A_282 = arith.constant 0 : i32
        %dma_wait3A_283 = arith.constant 0 : i32
        %dma_wait3A_284 = arith.constant 0 : i32
        %dma_wait3A_285 = tpu.memref_slice %arg4[%dma_wait3A_280, %dma_wait3A_281, %dma_wait3A_282, %dma_wait3A_283, %dma_wait3A_284] : memref<200x4x32x8x128xf32, #tpu.memory_space<hbm>> -> memref<4x4x1x8x128xf32, #tpu.memory_space<hbm>>
        %dma_wait3A_286 = arith.constant 0 : i32
        %dma_wait3A_287 = arith.constant 0 : i32
        %dma_wait3A_288 = arith.constant 0 : i32
        %dma_wait3A_289 = arith.constant 0 : i32
        %dma_wait3A_290 = arith.constant 0 : i32
        %dma_wait3A_291 = tpu.memref_slice %arg10[%dma_wait3A_286, %dma_wait3A_287, %dma_wait3A_288, %dma_wait3A_289, %dma_wait3A_290] : memref<4x4x1x8x133xf32, #tpu.memory_space<vmem>> -> memref<4x4x1x8x128xf32, #tpu.memory_space<vmem>>
        tpu.wait_dma2 semaphore(%arg16 : memref<!tpu.dma_semaphore, #tpu.memory_space<semaphore_mem>>) src(%dma_wait3A_291 : memref<4x4x1x8x128xf32, #tpu.memory_space<vmem>>) dst(%dma_wait3A_285 : memref<4x4x1x8x128xf32, #tpu.memory_space<hbm>>)
      } else {
      }
      %broadcast_in_dim3A_214 = arith.constant 0 : i32
      %broadcast_in_dim3A_215 = vector.broadcast %broadcast_in_dim3A_214 : i32 to vector<16xi32>
      %scan3A_216 = arith.constant 0 : i32
      %scan3A_217 = arith.constant 0 : i32
      %scan3A_218 = arith.constant 128 : i32
      %scan3A_219 = arith.addi %scan3A_217, %scan3A_218 : i32
      %scan3A_220 = arith.constant 8 : i32
      scf.for %scan3A_268 = %scan3A_217 to %scan3A_219 step %scan3A_220  : i32 {
        %add3A_269 = arith.constant 0 : i32
        %add3A_270 = arith.addi %add3A_269, %scan3A_268 : i32
        %broadcast_in_dim3A_271 = vector.broadcast %scan3A_268 : i32 to vector<16xi32>
        %get3A = arith.index_cast %add3A_270 : i32 to index
        %get3A_272 = arith.constant 0 : index
        %get3A_273 = tpu.vector_load %arg8[%get3A, %get3A_272] {strides = array<i32>} : memref<512x32xf32, #tpu.memory_space<vmem>>, vector<16xf32>,
        %get3A_274 = arith.index_cast %add3A_270 : i32 to index
        %get3A_275 = arith.constant 16 : index
        %get3A_276 = tpu.vector_load %arg8[%get3A_274, %get3A_275] {strides = array<i32>} : memref<512x32xf32, #tpu.memory_space<vmem>>, vector<16xf32>,
        tpu.vector_store_idx %arg10[%broadcast_in_dim3A_215, %shift_right_arithmetic3A_5, %broadcast_in_dim3A_3, %and3A_7, %broadcast_in_dim3A_271], %get3A_273 : memref<4x4x1x8x133xf32, #tpu.memory_space<vmem>>[vector<16xi32>, vector<16xi32>, vector<16xi32>, vector<16xi32>, vector<16xi32>], vector<16xf32>,
        %add3A_277 = arith.constant 2 : i32
        %add3A_278 = vector.broadcast %add3A_277 : i32 to vector<16xi32>
        %add3A_279 = arith.addi %shift_right_arithmetic3A_5, %add3A_278 : vector<16xi32>
        tpu.vector_store_idx %arg10[%broadcast_in_dim3A_215, %add3A_279, %broadcast_in_dim3A_3, %and3A_7, %broadcast_in_dim3A_271], %get3A_276 : memref<4x4x1x8x133xf32, #tpu.memory_space<vmem>>[vector<16xi32>, vector<16xi32>, vector<16xi32>, vector<16xi32>, vector<16xi32>], vector<16xf32>,
        %scan3A_280 = arith.constant 1 : i32
        %scan3A_281 = arith.addi %scan3A_268, %scan3A_280 : i32
        %add3A_282 = arith.constant 0 : i32
        %add3A_283 = arith.addi %add3A_282, %scan3A_281 : i32
        %broadcast_in_dim3A_284 = vector.broadcast %scan3A_281 : i32 to vector<16xi32>
        %get3A_285 = arith.index_cast %add3A_283 : i32 to index
        %get3A_286 = arith.constant 0 : index
        %get3A_287 = tpu.vector_load %arg8[%get3A_285, %get3A_286] {strides = array<i32>} : memref<512x32xf32, #tpu.memory_space<vmem>>, vector<16xf32>,
        %get3A_288 = arith.index_cast %add3A_283 : i32 to index
        %get3A_289 = arith.constant 16 : index
        %get3A_290 = tpu.vector_load %arg8[%get3A_288, %get3A_289] {strides = array<i32>} : memref<512x32xf32, #tpu.memory_space<vmem>>, vector<16xf32>,
        tpu.vector_store_idx %arg10[%broadcast_in_dim3A_215, %shift_right_arithmetic3A_5, %broadcast_in_dim3A_3, %and3A_7, %broadcast_in_dim3A_284], %get3A_287 : memref<4x4x1x8x133xf32, #tpu.memory_space<vmem>>[vector<16xi32>, vector<16xi32>, vector<16xi32>, vector<16xi32>, vector<16xi32>], vector<16xf32>,
        %add3A_291 = arith.constant 2 : i32
        %add3A_292 = vector.broadcast %add3A_291 : i32 to vector<16xi32>
        %add3A_293 = arith.addi %shift_right_arithmetic3A_5, %add3A_292 : vector<16xi32>
        tpu.vector_store_idx %arg10[%broadcast_in_dim3A_215, %add3A_293, %broadcast_in_dim3A_3, %and3A_7, %broadcast_in_dim3A_284], %get3A_290 : memref<4x4x1x8x133xf32, #tpu.memory_space<vmem>>[vector<16xi32>, vector<16xi32>, vector<16xi32>, vector<16xi32>, vector<16xi32>], vector<16xf32>,
        %scan3A_294 = arith.constant 2 : i32
        %scan3A_295 = arith.addi %scan3A_268, %scan3A_294 : i32
        %add3A_296 = arith.constant 0 : i32
        %add3A_297 = arith.addi %add3A_296, %scan3A_295 : i32
        %broadcast_in_dim3A_298 = vector.broadcast %scan3A_295 : i32 to vector<16xi32>
        %get3A_299 = arith.index_cast %add3A_297 : i32 to index
        %get3A_300 = arith.constant 0 : index
        %get3A_301 = tpu.vector_load %arg8[%get3A_299, %get3A_300] {strides = array<i32>} : memref<512x32xf32, #tpu.memory_space<vmem>>, vector<16xf32>,
        %get3A_302 = arith.index_cast %add3A_297 : i32 to index
        %get3A_303 = arith.constant 16 : index
        %get3A_304 = tpu.vector_load %arg8[%get3A_302, %get3A_303] {strides = array<i32>} : memref<512x32xf32, #tpu.memory_space<vmem>>, vector<16xf32>,
        tpu.vector_store_idx %arg10[%broadcast_in_dim3A_215, %shift_right_arithmetic3A_5, %broadcast_in_dim3A_3, %and3A_7, %broadcast_in_dim3A_298], %get3A_301 : memref<4x4x1x8x133xf32, #tpu.memory_space<vmem>>[vector<16xi32>, vector<16xi32>, vector<16xi32>, vector<16xi32>, vector<16xi32>], vector<16xf32>,
        %add3A_305 = arith.constant 2 : i32
        %add3A_306 = vector.broadcast %add3A_305 : i32 to vector<16xi32>
        %add3A_307 = arith.addi %shift_right_arithmetic3A_5, %add3A_306 : vector<16xi32>
        tpu.vector_store_idx %arg10[%broadcast_in_dim3A_215, %add3A_307, %broadcast_in_dim3A_3, %and3A_7, %broadcast_in_dim3A_298], %get3A_304 : memref<4x4x1x8x133xf32, #tpu.memory_space<vmem>>[vector<16xi32>, vector<16xi32>, vector<16xi32>, vector<16xi32>, vector<16xi32>], vector<16xf32>,
        %scan3A_308 = arith.constant 3 : i32
        %scan3A_309 = arith.addi %scan3A_268, %scan3A_308 : i32
        %add3A_310 = arith.constant 0 : i32
        %add3A_311 = arith.addi %add3A_310, %scan3A_309 : i32
        %broadcast_in_dim3A_312 = vector.broadcast %scan3A_309 : i32 to vector<16xi32>
        %get3A_313 = arith.index_cast %add3A_311 : i32 to index
        %get3A_314 = arith.constant 0 : index
        %get3A_315 = tpu.vector_load %arg8[%get3A_313, %get3A_314] {strides = array<i32>} : memref<512x32xf32, #tpu.memory_space<vmem>>, vector<16xf32>,
        %get3A_316 = arith.index_cast %add3A_311 : i32 to index
        %get3A_317 = arith.constant 16 : index
        %get3A_318 = tpu.vector_load %arg8[%get3A_316, %get3A_317] {strides = array<i32>} : memref<512x32xf32, #tpu.memory_space<vmem>>, vector<16xf32>,
        tpu.vector_store_idx %arg10[%broadcast_in_dim3A_215, %shift_right_arithmetic3A_5, %broadcast_in_dim3A_3, %and3A_7, %broadcast_in_dim3A_312], %get3A_315 : memref<4x4x1x8x133xf32, #tpu.memory_space<vmem>>[vector<16xi32>, vector<16xi32>, vector<16xi32>, vector<16xi32>, vector<16xi32>], vector<16xf32>,
        %add3A_319 = arith.constant 2 : i32
        %add3A_320 = vector.broadcast %add3A_319 : i32 to vector<16xi32>
        %add3A_321 = arith.addi %shift_right_arithmetic3A_5, %add3A_320 : vector<16xi32>
        tpu.vector_store_idx %arg10[%broadcast_in_dim3A_215, %add3A_321, %broadcast_in_dim3A_3, %and3A_7, %broadcast_in_dim3A_312], %get3A_318 : memref<4x4x1x8x133xf32, #tpu.memory_space<vmem>>[vector<16xi32>, vector<16xi32>, vector<16xi32>, vector<16xi32>, vector<16xi32>], vector<16xf32>,
        %scan3A_322 = arith.constant 4 : i32
        %scan3A_323 = arith.addi %scan3A_268, %scan3A_322 : i32
        %add3A_324 = arith.constant 0 : i32
        %add3A_325 = arith.addi %add3A_324, %scan3A_323 : i32
        %broadcast_in_dim3A_326 = vector.broadcast %scan3A_323 : i32 to vector<16xi32>
        %get3A_327 = arith.index_cast %add3A_325 : i32 to index
        %get3A_328 = arith.constant 0 : index
        %get3A_329 = tpu.vector_load %arg8[%get3A_327, %get3A_328] {strides = array<i32>} : memref<512x32xf32, #tpu.memory_space<vmem>>, vector<16xf32>,
        %get3A_330 = arith.index_cast %add3A_325 : i32 to index
        %get3A_331 = arith.constant 16 : index
        %get3A_332 = tpu.vector_load %arg8[%get3A_330, %get3A_331] {strides = array<i32>} : memref<512x32xf32, #tpu.memory_space<vmem>>, vector<16xf32>,
        tpu.vector_store_idx %arg10[%broadcast_in_dim3A_215, %shift_right_arithmetic3A_5, %broadcast_in_dim3A_3, %and3A_7, %broadcast_in_dim3A_326], %get3A_329 : memref<4x4x1x8x133xf32, #tpu.memory_space<vmem>>[vector<16xi32>, vector<16xi32>, vector<16xi32>, vector<16xi32>, vector<16xi32>], vector<16xf32>,
        %add3A_333 = arith.constant 2 : i32
        %add3A_334 = vector.broadcast %add3A_333 : i32 to vector<16xi32>
        %add3A_335 = arith.addi %shift_right_arithmetic3A_5, %add3A_334 : vector<16xi32>
        tpu.vector_store_idx %arg10[%broadcast_in_dim3A_215, %add3A_335, %broadcast_in_dim3A_3, %and3A_7, %broadcast_in_dim3A_326], %get3A_332 : memref<4x4x1x8x133xf32, #tpu.memory_space<vmem>>[vector<16xi32>, vector<16xi32>, vector<16xi32>, vector<16xi32>, vector<16xi32>], vector<16xf32>,
        %scan3A_336 = arith.constant 5 : i32
        %scan3A_337 = arith.addi %scan3A_268, %scan3A_336 : i32
        %add3A_338 = arith.constant 0 : i32
        %add3A_339 = arith.addi %add3A_338, %scan3A_337 : i32
        %broadcast_in_dim3A_340 = vector.broadcast %scan3A_337 : i32 to vector<16xi32>
        %get3A_341 = arith.index_cast %add3A_339 : i32 to index
        %get3A_342 = arith.constant 0 : index
        %get3A_343 = tpu.vector_load %arg8[%get3A_341, %get3A_342] {strides = array<i32>} : memref<512x32xf32, #tpu.memory_space<vmem>>, vector<16xf32>,
        %get3A_344 = arith.index_cast %add3A_339 : i32 to index
        %get3A_345 = arith.constant 16 : index
        %get3A_346 = tpu.vector_load %arg8[%get3A_344, %get3A_345] {strides = array<i32>} : memref<512x32xf32, #tpu.memory_space<vmem>>, vector<16xf32>,
        tpu.vector_store_idx %arg10[%broadcast_in_dim3A_215, %shift_right_arithmetic3A_5, %broadcast_in_dim3A_3, %and3A_7, %broadcast_in_dim3A_340], %get3A_343 : memref<4x4x1x8x133xf32, #tpu.memory_space<vmem>>[vector<16xi32>, vector<16xi32>, vector<16xi32>, vector<16xi32>, vector<16xi32>], vector<16xf32>,
        %add3A_347 = arith.constant 2 : i32
        %add3A_348 = vector.broadcast %add3A_347 : i32 to vector<16xi32>
        %add3A_349 = arith.addi %shift_right_arithmetic3A_5, %add3A_348 : vector<16xi32>
        tpu.vector_store_idx %arg10[%broadcast_in_dim3A_215, %add3A_349, %broadcast_in_dim3A_3, %and3A_7, %broadcast_in_dim3A_340], %get3A_346 : memref<4x4x1x8x133xf32, #tpu.memory_space<vmem>>[vector<16xi32>, vector<16xi32>, vector<16xi32>, vector<16xi32>, vector<16xi32>], vector<16xf32>,
        %scan3A_350 = arith.constant 6 : i32
        %scan3A_351 = arith.addi %scan3A_268, %scan3A_350 : i32
        %add3A_352 = arith.constant 0 : i32
        %add3A_353 = arith.addi %add3A_352, %scan3A_351 : i32
        %broadcast_in_dim3A_354 = vector.broadcast %scan3A_351 : i32 to vector<16xi32>
        %get3A_355 = arith.index_cast %add3A_353 : i32 to index
        %get3A_356 = arith.constant 0 : index
        %get3A_357 = tpu.vector_load %arg8[%get3A_355, %get3A_356] {strides = array<i32>} : memref<512x32xf32, #tpu.memory_space<vmem>>, vector<16xf32>,
        %get3A_358 = arith.index_cast %add3A_353 : i32 to index
        %get3A_359 = arith.constant 16 : index
        %get3A_360 = tpu.vector_load %arg8[%get3A_358, %get3A_359] {strides = array<i32>} : memref<512x32xf32, #tpu.memory_space<vmem>>, vector<16xf32>,
        tpu.vector_store_idx %arg10[%broadcast_in_dim3A_215, %shift_right_arithmetic3A_5, %broadcast_in_dim3A_3, %and3A_7, %broadcast_in_dim3A_354], %get3A_357 : memref<4x4x1x8x133xf32, #tpu.memory_space<vmem>>[vector<16xi32>, vector<16xi32>, vector<16xi32>, vector<16xi32>, vector<16xi32>], vector<16xf32>,
        %add3A_361 = arith.constant 2 : i32
        %add3A_362 = vector.broadcast %add3A_361 : i32 to vector<16xi32>
        %add3A_363 = arith.addi %shift_right_arithmetic3A_5, %add3A_362 : vector<16xi32>
        tpu.vector_store_idx %arg10[%broadcast_in_dim3A_215, %add3A_363, %broadcast_in_dim3A_3, %and3A_7, %broadcast_in_dim3A_354], %get3A_360 : memref<4x4x1x8x133xf32, #tpu.memory_space<vmem>>[vector<16xi32>, vector<16xi32>, vector<16xi32>, vector<16xi32>, vector<16xi32>], vector<16xf32>,
        %scan3A_364 = arith.constant 7 : i32
        %scan3A_365 = arith.addi %scan3A_268, %scan3A_364 : i32
        %add3A_366 = arith.constant 0 : i32
        %add3A_367 = arith.addi %add3A_366, %scan3A_365 : i32
        %broadcast_in_dim3A_368 = vector.broadcast %scan3A_365 : i32 to vector<16xi32>
        %get3A_369 = arith.index_cast %add3A_367 : i32 to index
        %get3A_370 = arith.constant 0 : index
        %get3A_371 = tpu.vector_load %arg8[%get3A_369, %get3A_370] {strides = array<i32>} : memref<512x32xf32, #tpu.memory_space<vmem>>, vector<16xf32>,
        %get3A_372 = arith.index_cast %add3A_367 : i32 to index
        %get3A_373 = arith.constant 16 : index
        %get3A_374 = tpu.vector_load %arg8[%get3A_372, %get3A_373] {strides = array<i32>} : memref<512x32xf32, #tpu.memory_space<vmem>>, vector<16xf32>,
        tpu.vector_store_idx %arg10[%broadcast_in_dim3A_215, %shift_right_arithmetic3A_5, %broadcast_in_dim3A_3, %and3A_7, %broadcast_in_dim3A_368], %get3A_371 : memref<4x4x1x8x133xf32, #tpu.memory_space<vmem>>[vector<16xi32>, vector<16xi32>, vector<16xi32>, vector<16xi32>, vector<16xi32>], vector<16xf32>,
        %add3A_375 = arith.constant 2 : i32
        %add3A_376 = vector.broadcast %add3A_375 : i32 to vector<16xi32>
        %add3A_377 = arith.addi %shift_right_arithmetic3A_5, %add3A_376 : vector<16xi32>
        tpu.vector_store_idx %arg10[%broadcast_in_dim3A_215, %add3A_377, %broadcast_in_dim3A_3, %and3A_7, %broadcast_in_dim3A_368], %get3A_374 : memref<4x4x1x8x133xf32, #tpu.memory_space<vmem>>[vector<16xi32>, vector<16xi32>, vector<16xi32>, vector<16xi32>, vector<16xi32>], vector<16xf32>,
      }
      %scan3A_221 = arith.constant 128 : i32
      %broadcast_in_dim3A_222 = arith.constant 1 : i32
      %broadcast_in_dim3A_223 = vector.broadcast %broadcast_in_dim3A_222 : i32 to vector<16xi32>
      %scan3A_224 = arith.constant 0 : i32
      %scan3A_225 = arith.constant 0 : i32
      %scan3A_226 = arith.constant 128 : i32
      %scan3A_227 = arith.addi %scan3A_225, %scan3A_226 : i32
      %scan3A_228 = arith.constant 8 : i32
      scf.for %scan3A_268 = %scan3A_225 to %scan3A_227 step %scan3A_228  : i32 {
        %add3A_269 = arith.constant 128 : i32
        %add3A_270 = arith.addi %add3A_269, %scan3A_268 : i32
        %broadcast_in_dim3A_271 = vector.broadcast %scan3A_268 : i32 to vector<16xi32>
        %get3A = arith.index_cast %add3A_270 : i32 to index
        %get3A_272 = arith.constant 0 : index
        %get3A_273 = tpu.vector_load %arg8[%get3A, %get3A_272] {strides = array<i32>} : memref<512x32xf32, #tpu.memory_space<vmem>>, vector<16xf32>,
        %get3A_274 = arith.index_cast %add3A_270 : i32 to index
        %get3A_275 = arith.constant 16 : index
        %get3A_276 = tpu.vector_load %arg8[%get3A_274, %get3A_275] {strides = array<i32>} : memref<512x32xf32, #tpu.memory_space<vmem>>, vector<16xf32>,
        tpu.vector_store_idx %arg10[%broadcast_in_dim3A_223, %shift_right_arithmetic3A_5, %broadcast_in_dim3A_3, %and3A_7, %broadcast_in_dim3A_271], %get3A_273 : memref<4x4x1x8x133xf32, #tpu.memory_space<vmem>>[vector<16xi32>, vector<16xi32>, vector<16xi32>, vector<16xi32>, vector<16xi32>], vector<16xf32>,
        %add3A_277 = arith.constant 2 : i32
        %add3A_278 = vector.broadcast %add3A_277 : i32 to vector<16xi32>
        %add3A_279 = arith.addi %shift_right_arithmetic3A_5, %add3A_278 : vector<16xi32>
        tpu.vector_store_idx %arg10[%broadcast_in_dim3A_223, %add3A_279, %broadcast_in_dim3A_3, %and3A_7, %broadcast_in_dim3A_271], %get3A_276 : memref<4x4x1x8x133xf32, #tpu.memory_space<vmem>>[vector<16xi32>, vector<16xi32>, vector<16xi32>, vector<16xi32>, vector<16xi32>], vector<16xf32>,
        %scan3A_280 = arith.constant 1 : i32
        %scan3A_281 = arith.addi %scan3A_268, %scan3A_280 : i32
        %add3A_282 = arith.constant 128 : i32
        %add3A_283 = arith.addi %add3A_282, %scan3A_281 : i32
        %broadcast_in_dim3A_284 = vector.broadcast %scan3A_281 : i32 to vector<16xi32>
        %get3A_285 = arith.index_cast %add3A_283 : i32 to index
        %get3A_286 = arith.constant 0 : index
        %get3A_287 = tpu.vector_load %arg8[%get3A_285, %get3A_286] {strides = array<i32>} : memref<512x32xf32, #tpu.memory_space<vmem>>, vector<16xf32>,
        %get3A_288 = arith.index_cast %add3A_283 : i32 to index
        %get3A_289 = arith.constant 16 : index
        %get3A_290 = tpu.vector_load %arg8[%get3A_288, %get3A_289] {strides = array<i32>} : memref<512x32xf32, #tpu.memory_space<vmem>>, vector<16xf32>,
        tpu.vector_store_idx %arg10[%broadcast_in_dim3A_223, %shift_right_arithmetic3A_5, %broadcast_in_dim3A_3, %and3A_7, %broadcast_in_dim3A_284], %get3A_287 : memref<4x4x1x8x133xf32, #tpu.memory_space<vmem>>[vector<16xi32>, vector<16xi32>, vector<16xi32>, vector<16xi32>, vector<16xi32>], vector<16xf32>,
        %add3A_291 = arith.constant 2 : i32
        %add3A_292 = vector.broadcast %add3A_291 : i32 to vector<16xi32>
        %add3A_293 = arith.addi %shift_right_arithmetic3A_5, %add3A_292 : vector<16xi32>
        tpu.vector_store_idx %arg10[%broadcast_in_dim3A_223, %add3A_293, %broadcast_in_dim3A_3, %and3A_7, %broadcast_in_dim3A_284], %get3A_290 : memref<4x4x1x8x133xf32, #tpu.memory_space<vmem>>[vector<16xi32>, vector<16xi32>, vector<16xi32>, vector<16xi32>, vector<16xi32>], vector<16xf32>,
        %scan3A_294 = arith.constant 2 : i32
        %scan3A_295 = arith.addi %scan3A_268, %scan3A_294 : i32
        %add3A_296 = arith.constant 128 : i32
        %add3A_297 = arith.addi %add3A_296, %scan3A_295 : i32
        %broadcast_in_dim3A_298 = vector.broadcast %scan3A_295 : i32 to vector<16xi32>
        %get3A_299 = arith.index_cast %add3A_297 : i32 to index
        %get3A_300 = arith.constant 0 : index
        %get3A_301 = tpu.vector_load %arg8[%get3A_299, %get3A_300] {strides = array<i32>} : memref<512x32xf32, #tpu.memory_space<vmem>>, vector<16xf32>,
        %get3A_302 = arith.index_cast %add3A_297 : i32 to index
        %get3A_303 = arith.constant 16 : index
        %get3A_304 = tpu.vector_load %arg8[%get3A_302, %get3A_303] {strides = array<i32>} : memref<512x32xf32, #tpu.memory_space<vmem>>, vector<16xf32>,
        tpu.vector_store_idx %arg10[%broadcast_in_dim3A_223, %shift_right_arithmetic3A_5, %broadcast_in_dim3A_3, %and3A_7, %broadcast_in_dim3A_298], %get3A_301 : memref<4x4x1x8x133xf32, #tpu.memory_space<vmem>>[vector<16xi32>, vector<16xi32>, vector<16xi32>, vector<16xi32>, vector<16xi32>], vector<16xf32>,
        %add3A_305 = arith.constant 2 : i32
        %add3A_306 = vector.broadcast %add3A_305 : i32 to vector<16xi32>
        %add3A_307 = arith.addi %shift_right_arithmetic3A_5, %add3A_306 : vector<16xi32>
        tpu.vector_store_idx %arg10[%broadcast_in_dim3A_223, %add3A_307, %broadcast_in_dim3A_3, %and3A_7, %broadcast_in_dim3A_298], %get3A_304 : memref<4x4x1x8x133xf32, #tpu.memory_space<vmem>>[vector<16xi32>, vector<16xi32>, vector<16xi32>, vector<16xi32>, vector<16xi32>], vector<16xf32>,
        %scan3A_308 = arith.constant 3 : i32
        %scan3A_309 = arith.addi %scan3A_268, %scan3A_308 : i32
        %add3A_310 = arith.constant 128 : i32
        %add3A_311 = arith.addi %add3A_310, %scan3A_309 : i32
        %broadcast_in_dim3A_312 = vector.broadcast %scan3A_309 : i32 to vector<16xi32>
        %get3A_313 = arith.index_cast %add3A_311 : i32 to index
        %get3A_314 = arith.constant 0 : index
        %get3A_315 = tpu.vector_load %arg8[%get3A_313, %get3A_314] {strides = array<i32>} : memref<512x32xf32, #tpu.memory_space<vmem>>, vector<16xf32>,
        %get3A_316 = arith.index_cast %add3A_311 : i32 to index
        %get3A_317 = arith.constant 16 : index
        %get3A_318 = tpu.vector_load %arg8[%get3A_316, %get3A_317] {strides = array<i32>} : memref<512x32xf32, #tpu.memory_space<vmem>>, vector<16xf32>,
        tpu.vector_store_idx %arg10[%broadcast_in_dim3A_223, %shift_right_arithmetic3A_5, %broadcast_in_dim3A_3, %and3A_7, %broadcast_in_dim3A_312], %get3A_315 : memref<4x4x1x8x133xf32, #tpu.memory_space<vmem>>[vector<16xi32>, vector<16xi32>, vector<16xi32>, vector<16xi32>, vector<16xi32>], vector<16xf32>,
        %add3A_319 = arith.constant 2 : i32
        %add3A_320 = vector.broadcast %add3A_319 : i32 to vector<16xi32>
        %add3A_321 = arith.addi %shift_right_arithmetic3A_5, %add3A_320 : vector<16xi32>
        tpu.vector_store_idx %arg10[%broadcast_in_dim3A_223, %add3A_321, %broadcast_in_dim3A_3, %and3A_7, %broadcast_in_dim3A_312], %get3A_318 : memref<4x4x1x8x133xf32, #tpu.memory_space<vmem>>[vector<16xi32>, vector<16xi32>, vector<16xi32>, vector<16xi32>, vector<16xi32>], vector<16xf32>,
        %scan3A_322 = arith.constant 4 : i32
        %scan3A_323 = arith.addi %scan3A_268, %scan3A_322 : i32
        %add3A_324 = arith.constant 128 : i32
        %add3A_325 = arith.addi %add3A_324, %scan3A_323 : i32
        %broadcast_in_dim3A_326 = vector.broadcast %scan3A_323 : i32 to vector<16xi32>
        %get3A_327 = arith.index_cast %add3A_325 : i32 to index
        %get3A_328 = arith.constant 0 : index
        %get3A_329 = tpu.vector_load %arg8[%get3A_327, %get3A_328] {strides = array<i32>} : memref<512x32xf32, #tpu.memory_space<vmem>>, vector<16xf32>,
        %get3A_330 = arith.index_cast %add3A_325 : i32 to index
        %get3A_331 = arith.constant 16 : index
        %get3A_332 = tpu.vector_load %arg8[%get3A_330, %get3A_331] {strides = array<i32>} : memref<512x32xf32, #tpu.memory_space<vmem>>, vector<16xf32>,
        tpu.vector_store_idx %arg10[%broadcast_in_dim3A_223, %shift_right_arithmetic3A_5, %broadcast_in_dim3A_3, %and3A_7, %broadcast_in_dim3A_326], %get3A_329 : memref<4x4x1x8x133xf32, #tpu.memory_space<vmem>>[vector<16xi32>, vector<16xi32>, vector<16xi32>, vector<16xi32>, vector<16xi32>], vector<16xf32>,
        %add3A_333 = arith.constant 2 : i32
        %add3A_334 = vector.broadcast %add3A_333 : i32 to vector<16xi32>
        %add3A_335 = arith.addi %shift_right_arithmetic3A_5, %add3A_334 : vector<16xi32>
        tpu.vector_store_idx %arg10[%broadcast_in_dim3A_223, %add3A_335, %broadcast_in_dim3A_3, %and3A_7, %broadcast_in_dim3A_326], %get3A_332 : memref<4x4x1x8x133xf32, #tpu.memory_space<vmem>>[vector<16xi32>, vector<16xi32>, vector<16xi32>, vector<16xi32>, vector<16xi32>], vector<16xf32>,
        %scan3A_336 = arith.constant 5 : i32
        %scan3A_337 = arith.addi %scan3A_268, %scan3A_336 : i32
        %add3A_338 = arith.constant 128 : i32
        %add3A_339 = arith.addi %add3A_338, %scan3A_337 : i32
        %broadcast_in_dim3A_340 = vector.broadcast %scan3A_337 : i32 to vector<16xi32>
        %get3A_341 = arith.index_cast %add3A_339 : i32 to index
        %get3A_342 = arith.constant 0 : index
        %get3A_343 = tpu.vector_load %arg8[%get3A_341, %get3A_342] {strides = array<i32>} : memref<512x32xf32, #tpu.memory_space<vmem>>, vector<16xf32>,
        %get3A_344 = arith.index_cast %add3A_339 : i32 to index
        %get3A_345 = arith.constant 16 : index
        %get3A_346 = tpu.vector_load %arg8[%get3A_344, %get3A_345] {strides = array<i32>} : memref<512x32xf32, #tpu.memory_space<vmem>>, vector<16xf32>,
        tpu.vector_store_idx %arg10[%broadcast_in_dim3A_223, %shift_right_arithmetic3A_5, %broadcast_in_dim3A_3, %and3A_7, %broadcast_in_dim3A_340], %get3A_343 : memref<4x4x1x8x133xf32, #tpu.memory_space<vmem>>[vector<16xi32>, vector<16xi32>, vector<16xi32>, vector<16xi32>, vector<16xi32>], vector<16xf32>,
        %add3A_347 = arith.constant 2 : i32
        %add3A_348 = vector.broadcast %add3A_347 : i32 to vector<16xi32>
        %add3A_349 = arith.addi %shift_right_arithmetic3A_5, %add3A_348 : vector<16xi32>
        tpu.vector_store_idx %arg10[%broadcast_in_dim3A_223, %add3A_349, %broadcast_in_dim3A_3, %and3A_7, %broadcast_in_dim3A_340], %get3A_346 : memref<4x4x1x8x133xf32, #tpu.memory_space<vmem>>[vector<16xi32>, vector<16xi32>, vector<16xi32>, vector<16xi32>, vector<16xi32>], vector<16xf32>,
        %scan3A_350 = arith.constant 6 : i32
        %scan3A_351 = arith.addi %scan3A_268, %scan3A_350 : i32
        %add3A_352 = arith.constant 128 : i32
        %add3A_353 = arith.addi %add3A_352, %scan3A_351 : i32
        %broadcast_in_dim3A_354 = vector.broadcast %scan3A_351 : i32 to vector<16xi32>
        %get3A_355 = arith.index_cast %add3A_353 : i32 to index
        %get3A_356 = arith.constant 0 : index
        %get3A_357 = tpu.vector_load %arg8[%get3A_355, %get3A_356] {strides = array<i32>} : memref<512x32xf32, #tpu.memory_space<vmem>>, vector<16xf32>,
        %get3A_358 = arith.index_cast %add3A_353 : i32 to index
        %get3A_359 = arith.constant 16 : index
        %get3A_360 = tpu.vector_load %arg8[%get3A_358, %get3A_359] {strides = array<i32>} : memref<512x32xf32, #tpu.memory_space<vmem>>, vector<16xf32>,
        tpu.vector_store_idx %arg10[%broadcast_in_dim3A_223, %shift_right_arithmetic3A_5, %broadcast_in_dim3A_3, %and3A_7, %broadcast_in_dim3A_354], %get3A_357 : memref<4x4x1x8x133xf32, #tpu.memory_space<vmem>>[vector<16xi32>, vector<16xi32>, vector<16xi32>, vector<16xi32>, vector<16xi32>], vector<16xf32>,
        %add3A_361 = arith.constant 2 : i32
        %add3A_362 = vector.broadcast %add3A_361 : i32 to vector<16xi32>
        %add3A_363 = arith.addi %shift_right_arithmetic3A_5, %add3A_362 : vector<16xi32>
        tpu.vector_store_idx %arg10[%broadcast_in_dim3A_223, %add3A_363, %broadcast_in_dim3A_3, %and3A_7, %broadcast_in_dim3A_354], %get3A_360 : memref<4x4x1x8x133xf32, #tpu.memory_space<vmem>>[vector<16xi32>, vector<16xi32>, vector<16xi32>, vector<16xi32>, vector<16xi32>], vector<16xf32>,
        %scan3A_364 = arith.constant 7 : i32
        %scan3A_365 = arith.addi %scan3A_268, %scan3A_364 : i32
        %add3A_366 = arith.constant 128 : i32
        %add3A_367 = arith.addi %add3A_366, %scan3A_365 : i32
        %broadcast_in_dim3A_368 = vector.broadcast %scan3A_365 : i32 to vector<16xi32>
        %get3A_369 = arith.index_cast %add3A_367 : i32 to index
        %get3A_370 = arith.constant 0 : index
        %get3A_371 = tpu.vector_load %arg8[%get3A_369, %get3A_370] {strides = array<i32>} : memref<512x32xf32, #tpu.memory_space<vmem>>, vector<16xf32>,
        %get3A_372 = arith.index_cast %add3A_367 : i32 to index
        %get3A_373 = arith.constant 16 : index
        %get3A_374 = tpu.vector_load %arg8[%get3A_372, %get3A_373] {strides = array<i32>} : memref<512x32xf32, #tpu.memory_space<vmem>>, vector<16xf32>,
        tpu.vector_store_idx %arg10[%broadcast_in_dim3A_223, %shift_right_arithmetic3A_5, %broadcast_in_dim3A_3, %and3A_7, %broadcast_in_dim3A_368], %get3A_371 : memref<4x4x1x8x133xf32, #tpu.memory_space<vmem>>[vector<16xi32>, vector<16xi32>, vector<16xi32>, vector<16xi32>, vector<16xi32>], vector<16xf32>,
        %add3A_375 = arith.constant 2 : i32
        %add3A_376 = vector.broadcast %add3A_375 : i32 to vector<16xi32>
        %add3A_377 = arith.addi %shift_right_arithmetic3A_5, %add3A_376 : vector<16xi32>
        tpu.vector_store_idx %arg10[%broadcast_in_dim3A_223, %add3A_377, %broadcast_in_dim3A_3, %and3A_7, %broadcast_in_dim3A_368], %get3A_374 : memref<4x4x1x8x133xf32, #tpu.memory_space<vmem>>[vector<16xi32>, vector<16xi32>, vector<16xi32>, vector<16xi32>, vector<16xi32>], vector<16xf32>,
      }
      %scan3A_229 = arith.constant 128 : i32
      %broadcast_in_dim3A_230 = arith.constant 2 : i32
      %broadcast_in_dim3A_231 = vector.broadcast %broadcast_in_dim3A_230 : i32 to vector<16xi32>
      %scan3A_232 = arith.constant 0 : i32
      %scan3A_233 = arith.constant 0 : i32
      %scan3A_234 = arith.constant 128 : i32
      %scan3A_235 = arith.addi %scan3A_233, %scan3A_234 : i32
      %scan3A_236 = arith.constant 8 : i32
      scf.for %scan3A_268 = %scan3A_233 to %scan3A_235 step %scan3A_236  : i32 {
        %add3A_269 = arith.constant 256 : i32
        %add3A_270 = arith.addi %add3A_269, %scan3A_268 : i32
        %broadcast_in_dim3A_271 = vector.broadcast %scan3A_268 : i32 to vector<16xi32>
        %get3A = arith.index_cast %add3A_270 : i32 to index
        %get3A_272 = arith.constant 0 : index
        %get3A_273 = tpu.vector_load %arg8[%get3A, %get3A_272] {strides = array<i32>} : memref<512x32xf32, #tpu.memory_space<vmem>>, vector<16xf32>,
        %get3A_274 = arith.index_cast %add3A_270 : i32 to index
        %get3A_275 = arith.constant 16 : index
        %get3A_276 = tpu.vector_load %arg8[%get3A_274, %get3A_275] {strides = array<i32>} : memref<512x32xf32, #tpu.memory_space<vmem>>, vector<16xf32>,
        tpu.vector_store_idx %arg10[%broadcast_in_dim3A_231, %shift_right_arithmetic3A_5, %broadcast_in_dim3A_3, %and3A_7, %broadcast_in_dim3A_271], %get3A_273 : memref<4x4x1x8x133xf32, #tpu.memory_space<vmem>>[vector<16xi32>, vector<16xi32>, vector<16xi32>, vector<16xi32>, vector<16xi32>], vector<16xf32>,
        %add3A_277 = arith.constant 2 : i32
        %add3A_278 = vector.broadcast %add3A_277 : i32 to vector<16xi32>
        %add3A_279 = arith.addi %shift_right_arithmetic3A_5, %add3A_278 : vector<16xi32>
        tpu.vector_store_idx %arg10[%broadcast_in_dim3A_231, %add3A_279, %broadcast_in_dim3A_3, %and3A_7, %broadcast_in_dim3A_271], %get3A_276 : memref<4x4x1x8x133xf32, #tpu.memory_space<vmem>>[vector<16xi32>, vector<16xi32>, vector<16xi32>, vector<16xi32>, vector<16xi32>], vector<16xf32>,
        %scan3A_280 = arith.constant 1 : i32
        %scan3A_281 = arith.addi %scan3A_268, %scan3A_280 : i32
        %add3A_282 = arith.constant 256 : i32
        %add3A_283 = arith.addi %add3A_282, %scan3A_281 : i32
        %broadcast_in_dim3A_284 = vector.broadcast %scan3A_281 : i32 to vector<16xi32>
        %get3A_285 = arith.index_cast %add3A_283 : i32 to index
        %get3A_286 = arith.constant 0 : index
        %get3A_287 = tpu.vector_load %arg8[%get3A_285, %get3A_286] {strides = array<i32>} : memref<512x32xf32, #tpu.memory_space<vmem>>, vector<16xf32>,
        %get3A_288 = arith.index_cast %add3A_283 : i32 to index
        %get3A_289 = arith.constant 16 : index
        %get3A_290 = tpu.vector_load %arg8[%get3A_288, %get3A_289] {strides = array<i32>} : memref<512x32xf32, #tpu.memory_space<vmem>>, vector<16xf32>,
        tpu.vector_store_idx %arg10[%broadcast_in_dim3A_231, %shift_right_arithmetic3A_5, %broadcast_in_dim3A_3, %and3A_7, %broadcast_in_dim3A_284], %get3A_287 : memref<4x4x1x8x133xf32, #tpu.memory_space<vmem>>[vector<16xi32>, vector<16xi32>, vector<16xi32>, vector<16xi32>, vector<16xi32>], vector<16xf32>,
        %add3A_291 = arith.constant 2 : i32
        %add3A_292 = vector.broadcast %add3A_291 : i32 to vector<16xi32>
        %add3A_293 = arith.addi %shift_right_arithmetic3A_5, %add3A_292 : vector<16xi32>
        tpu.vector_store_idx %arg10[%broadcast_in_dim3A_231, %add3A_293, %broadcast_in_dim3A_3, %and3A_7, %broadcast_in_dim3A_284], %get3A_290 : memref<4x4x1x8x133xf32, #tpu.memory_space<vmem>>[vector<16xi32>, vector<16xi32>, vector<16xi32>, vector<16xi32>, vector<16xi32>], vector<16xf32>,
        %scan3A_294 = arith.constant 2 : i32
        %scan3A_295 = arith.addi %scan3A_268, %scan3A_294 : i32
        %add3A_296 = arith.constant 256 : i32
        %add3A_297 = arith.addi %add3A_296, %scan3A_295 : i32
        %broadcast_in_dim3A_298 = vector.broadcast %scan3A_295 : i32 to vector<16xi32>
        %get3A_299 = arith.index_cast %add3A_297 : i32 to index
        %get3A_300 = arith.constant 0 : index
        %get3A_301 = tpu.vector_load %arg8[%get3A_299, %get3A_300] {strides = array<i32>} : memref<512x32xf32, #tpu.memory_space<vmem>>, vector<16xf32>,
        %get3A_302 = arith.index_cast %add3A_297 : i32 to index
        %get3A_303 = arith.constant 16 : index
        %get3A_304 = tpu.vector_load %arg8[%get3A_302, %get3A_303] {strides = array<i32>} : memref<512x32xf32, #tpu.memory_space<vmem>>, vector<16xf32>,
        tpu.vector_store_idx %arg10[%broadcast_in_dim3A_231, %shift_right_arithmetic3A_5, %broadcast_in_dim3A_3, %and3A_7, %broadcast_in_dim3A_298], %get3A_301 : memref<4x4x1x8x133xf32, #tpu.memory_space<vmem>>[vector<16xi32>, vector<16xi32>, vector<16xi32>, vector<16xi32>, vector<16xi32>], vector<16xf32>,
        %add3A_305 = arith.constant 2 : i32
        %add3A_306 = vector.broadcast %add3A_305 : i32 to vector<16xi32>
        %add3A_307 = arith.addi %shift_right_arithmetic3A_5, %add3A_306 : vector<16xi32>
        tpu.vector_store_idx %arg10[%broadcast_in_dim3A_231, %add3A_307, %broadcast_in_dim3A_3, %and3A_7, %broadcast_in_dim3A_298], %get3A_304 : memref<4x4x1x8x133xf32, #tpu.memory_space<vmem>>[vector<16xi32>, vector<16xi32>, vector<16xi32>, vector<16xi32>, vector<16xi32>], vector<16xf32>,
        %scan3A_308 = arith.constant 3 : i32
        %scan3A_309 = arith.addi %scan3A_268, %scan3A_308 : i32
        %add3A_310 = arith.constant 256 : i32
        %add3A_311 = arith.addi %add3A_310, %scan3A_309 : i32
        %broadcast_in_dim3A_312 = vector.broadcast %scan3A_309 : i32 to vector<16xi32>
        %get3A_313 = arith.index_cast %add3A_311 : i32 to index
        %get3A_314 = arith.constant 0 : index
        %get3A_315 = tpu.vector_load %arg8[%get3A_313, %get3A_314] {strides = array<i32>} : memref<512x32xf32, #tpu.memory_space<vmem>>, vector<16xf32>,
        %get3A_316 = arith.index_cast %add3A_311 : i32 to index
        %get3A_317 = arith.constant 16 : index
        %get3A_318 = tpu.vector_load %arg8[%get3A_316, %get3A_317] {strides = array<i32>} : memref<512x32xf32, #tpu.memory_space<vmem>>, vector<16xf32>,
        tpu.vector_store_idx %arg10[%broadcast_in_dim3A_231, %shift_right_arithmetic3A_5, %broadcast_in_dim3A_3, %and3A_7, %broadcast_in_dim3A_312], %get3A_315 : memref<4x4x1x8x133xf32, #tpu.memory_space<vmem>>[vector<16xi32>, vector<16xi32>, vector<16xi32>, vector<16xi32>, vector<16xi32>], vector<16xf32>,
        %add3A_319 = arith.constant 2 : i32
        %add3A_320 = vector.broadcast %add3A_319 : i32 to vector<16xi32>
        %add3A_321 = arith.addi %shift_right_arithmetic3A_5, %add3A_320 : vector<16xi32>
        tpu.vector_store_idx %arg10[%broadcast_in_dim3A_231, %add3A_321, %broadcast_in_dim3A_3, %and3A_7, %broadcast_in_dim3A_312], %get3A_318 : memref<4x4x1x8x133xf32, #tpu.memory_space<vmem>>[vector<16xi32>, vector<16xi32>, vector<16xi32>, vector<16xi32>, vector<16xi32>], vector<16xf32>,
        %scan3A_322 = arith.constant 4 : i32
        %scan3A_323 = arith.addi %scan3A_268, %scan3A_322 : i32
        %add3A_324 = arith.constant 256 : i32
        %add3A_325 = arith.addi %add3A_324, %scan3A_323 : i32
        %broadcast_in_dim3A_326 = vector.broadcast %scan3A_323 : i32 to vector<16xi32>
        %get3A_327 = arith.index_cast %add3A_325 : i32 to index
        %get3A_328 = arith.constant 0 : index
        %get3A_329 = tpu.vector_load %arg8[%get3A_327, %get3A_328] {strides = array<i32>} : memref<512x32xf32, #tpu.memory_space<vmem>>, vector<16xf32>,
        %get3A_330 = arith.index_cast %add3A_325 : i32 to index
        %get3A_331 = arith.constant 16 : index
        %get3A_332 = tpu.vector_load %arg8[%get3A_330, %get3A_331] {strides = array<i32>} : memref<512x32xf32, #tpu.memory_space<vmem>>, vector<16xf32>,
        tpu.vector_store_idx %arg10[%broadcast_in_dim3A_231, %shift_right_arithmetic3A_5, %broadcast_in_dim3A_3, %and3A_7, %broadcast_in_dim3A_326], %get3A_329 : memref<4x4x1x8x133xf32, #tpu.memory_space<vmem>>[vector<16xi32>, vector<16xi32>, vector<16xi32>, vector<16xi32>, vector<16xi32>], vector<16xf32>,
        %add3A_333 = arith.constant 2 : i32
        %add3A_334 = vector.broadcast %add3A_333 : i32 to vector<16xi32>
        %add3A_335 = arith.addi %shift_right_arithmetic3A_5, %add3A_334 : vector<16xi32>
        tpu.vector_store_idx %arg10[%broadcast_in_dim3A_231, %add3A_335, %broadcast_in_dim3A_3, %and3A_7, %broadcast_in_dim3A_326], %get3A_332 : memref<4x4x1x8x133xf32, #tpu.memory_space<vmem>>[vector<16xi32>, vector<16xi32>, vector<16xi32>, vector<16xi32>, vector<16xi32>], vector<16xf32>,
        %scan3A_336 = arith.constant 5 : i32
        %scan3A_337 = arith.addi %scan3A_268, %scan3A_336 : i32
        %add3A_338 = arith.constant 256 : i32
        %add3A_339 = arith.addi %add3A_338, %scan3A_337 : i32
        %broadcast_in_dim3A_340 = vector.broadcast %scan3A_337 : i32 to vector<16xi32>
        %get3A_341 = arith.index_cast %add3A_339 : i32 to index
        %get3A_342 = arith.constant 0 : index
        %get3A_343 = tpu.vector_load %arg8[%get3A_341, %get3A_342] {strides = array<i32>} : memref<512x32xf32, #tpu.memory_space<vmem>>, vector<16xf32>,
        %get3A_344 = arith.index_cast %add3A_339 : i32 to index
        %get3A_345 = arith.constant 16 : index
        %get3A_346 = tpu.vector_load %arg8[%get3A_344, %get3A_345] {strides = array<i32>} : memref<512x32xf32, #tpu.memory_space<vmem>>, vector<16xf32>,
        tpu.vector_store_idx %arg10[%broadcast_in_dim3A_231, %shift_right_arithmetic3A_5, %broadcast_in_dim3A_3, %and3A_7, %broadcast_in_dim3A_340], %get3A_343 : memref<4x4x1x8x133xf32, #tpu.memory_space<vmem>>[vector<16xi32>, vector<16xi32>, vector<16xi32>, vector<16xi32>, vector<16xi32>], vector<16xf32>,
        %add3A_347 = arith.constant 2 : i32
        %add3A_348 = vector.broadcast %add3A_347 : i32 to vector<16xi32>
        %add3A_349 = arith.addi %shift_right_arithmetic3A_5, %add3A_348 : vector<16xi32>
        tpu.vector_store_idx %arg10[%broadcast_in_dim3A_231, %add3A_349, %broadcast_in_dim3A_3, %and3A_7, %broadcast_in_dim3A_340], %get3A_346 : memref<4x4x1x8x133xf32, #tpu.memory_space<vmem>>[vector<16xi32>, vector<16xi32>, vector<16xi32>, vector<16xi32>, vector<16xi32>], vector<16xf32>,
        %scan3A_350 = arith.constant 6 : i32
        %scan3A_351 = arith.addi %scan3A_268, %scan3A_350 : i32
        %add3A_352 = arith.constant 256 : i32
        %add3A_353 = arith.addi %add3A_352, %scan3A_351 : i32
        %broadcast_in_dim3A_354 = vector.broadcast %scan3A_351 : i32 to vector<16xi32>
        %get3A_355 = arith.index_cast %add3A_353 : i32 to index
        %get3A_356 = arith.constant 0 : index
        %get3A_357 = tpu.vector_load %arg8[%get3A_355, %get3A_356] {strides = array<i32>} : memref<512x32xf32, #tpu.memory_space<vmem>>, vector<16xf32>,
        %get3A_358 = arith.index_cast %add3A_353 : i32 to index
        %get3A_359 = arith.constant 16 : index
        %get3A_360 = tpu.vector_load %arg8[%get3A_358, %get3A_359] {strides = array<i32>} : memref<512x32xf32, #tpu.memory_space<vmem>>, vector<16xf32>,
        tpu.vector_store_idx %arg10[%broadcast_in_dim3A_231, %shift_right_arithmetic3A_5, %broadcast_in_dim3A_3, %and3A_7, %broadcast_in_dim3A_354], %get3A_357 : memref<4x4x1x8x133xf32, #tpu.memory_space<vmem>>[vector<16xi32>, vector<16xi32>, vector<16xi32>, vector<16xi32>, vector<16xi32>], vector<16xf32>,
        %add3A_361 = arith.constant 2 : i32
        %add3A_362 = vector.broadcast %add3A_361 : i32 to vector<16xi32>
        %add3A_363 = arith.addi %shift_right_arithmetic3A_5, %add3A_362 : vector<16xi32>
        tpu.vector_store_idx %arg10[%broadcast_in_dim3A_231, %add3A_363, %broadcast_in_dim3A_3, %and3A_7, %broadcast_in_dim3A_354], %get3A_360 : memref<4x4x1x8x133xf32, #tpu.memory_space<vmem>>[vector<16xi32>, vector<16xi32>, vector<16xi32>, vector<16xi32>, vector<16xi32>], vector<16xf32>,
        %scan3A_364 = arith.constant 7 : i32
        %scan3A_365 = arith.addi %scan3A_268, %scan3A_364 : i32
        %add3A_366 = arith.constant 256 : i32
        %add3A_367 = arith.addi %add3A_366, %scan3A_365 : i32
        %broadcast_in_dim3A_368 = vector.broadcast %scan3A_365 : i32 to vector<16xi32>
        %get3A_369 = arith.index_cast %add3A_367 : i32 to index
        %get3A_370 = arith.constant 0 : index
        %get3A_371 = tpu.vector_load %arg8[%get3A_369, %get3A_370] {strides = array<i32>} : memref<512x32xf32, #tpu.memory_space<vmem>>, vector<16xf32>,
        %get3A_372 = arith.index_cast %add3A_367 : i32 to index
        %get3A_373 = arith.constant 16 : index
        %get3A_374 = tpu.vector_load %arg8[%get3A_372, %get3A_373] {strides = array<i32>} : memref<512x32xf32, #tpu.memory_space<vmem>>, vector<16xf32>,
        tpu.vector_store_idx %arg10[%broadcast_in_dim3A_231, %shift_right_arithmetic3A_5, %broadcast_in_dim3A_3, %and3A_7, %broadcast_in_dim3A_368], %get3A_371 : memref<4x4x1x8x133xf32, #tpu.memory_space<vmem>>[vector<16xi32>, vector<16xi32>, vector<16xi32>, vector<16xi32>, vector<16xi32>], vector<16xf32>,
        %add3A_375 = arith.constant 2 : i32
        %add3A_376 = vector.broadcast %add3A_375 : i32 to vector<16xi32>
        %add3A_377 = arith.addi %shift_right_arithmetic3A_5, %add3A_376 : vector<16xi32>
        tpu.vector_store_idx %arg10[%broadcast_in_dim3A_231, %add3A_377, %broadcast_in_dim3A_3, %and3A_7, %broadcast_in_dim3A_368], %get3A_374 : memref<4x4x1x8x133xf32, #tpu.memory_space<vmem>>[vector<16xi32>, vector<16xi32>, vector<16xi32>, vector<16xi32>, vector<16xi32>], vector<16xf32>,
      }
      %scan3A_237 = arith.constant 128 : i32
      %broadcast_in_dim3A_238 = arith.constant 3 : i32
      %broadcast_in_dim3A_239 = vector.broadcast %broadcast_in_dim3A_238 : i32 to vector<16xi32>
      %scan3A_240 = arith.constant 0 : i32
      %scan3A_241 = arith.constant 0 : i32
      %scan3A_242 = arith.constant 128 : i32
      %scan3A_243 = arith.addi %scan3A_241, %scan3A_242 : i32
      %scan3A_244 = arith.constant 8 : i32
      scf.for %scan3A_268 = %scan3A_241 to %scan3A_243 step %scan3A_244  : i32 {
        %add3A_269 = arith.constant 384 : i32
        %add3A_270 = arith.addi %add3A_269, %scan3A_268 : i32
        %broadcast_in_dim3A_271 = vector.broadcast %scan3A_268 : i32 to vector<16xi32>
        %get3A = arith.index_cast %add3A_270 : i32 to index
        %get3A_272 = arith.constant 0 : index
        %get3A_273 = tpu.vector_load %arg8[%get3A, %get3A_272] {strides = array<i32>} : memref<512x32xf32, #tpu.memory_space<vmem>>, vector<16xf32>,
        %get3A_274 = arith.index_cast %add3A_270 : i32 to index
        %get3A_275 = arith.constant 16 : index
        %get3A_276 = tpu.vector_load %arg8[%get3A_274, %get3A_275] {strides = array<i32>} : memref<512x32xf32, #tpu.memory_space<vmem>>, vector<16xf32>,
        tpu.vector_store_idx %arg10[%broadcast_in_dim3A_239, %shift_right_arithmetic3A_5, %broadcast_in_dim3A_3, %and3A_7, %broadcast_in_dim3A_271], %get3A_273 : memref<4x4x1x8x133xf32, #tpu.memory_space<vmem>>[vector<16xi32>, vector<16xi32>, vector<16xi32>, vector<16xi32>, vector<16xi32>], vector<16xf32>,
        %add3A_277 = arith.constant 2 : i32
        %add3A_278 = vector.broadcast %add3A_277 : i32 to vector<16xi32>
        %add3A_279 = arith.addi %shift_right_arithmetic3A_5, %add3A_278 : vector<16xi32>
        tpu.vector_store_idx %arg10[%broadcast_in_dim3A_239, %add3A_279, %broadcast_in_dim3A_3, %and3A_7, %broadcast_in_dim3A_271], %get3A_276 : memref<4x4x1x8x133xf32, #tpu.memory_space<vmem>>[vector<16xi32>, vector<16xi32>, vector<16xi32>, vector<16xi32>, vector<16xi32>], vector<16xf32>,
        %scan3A_280 = arith.constant 1 : i32
        %scan3A_281 = arith.addi %scan3A_268, %scan3A_280 : i32
        %add3A_282 = arith.constant 384 : i32
        %add3A_283 = arith.addi %add3A_282, %scan3A_281 : i32
        %broadcast_in_dim3A_284 = vector.broadcast %scan3A_281 : i32 to vector<16xi32>
        %get3A_285 = arith.index_cast %add3A_283 : i32 to index
        %get3A_286 = arith.constant 0 : index
        %get3A_287 = tpu.vector_load %arg8[%get3A_285, %get3A_286] {strides = array<i32>} : memref<512x32xf32, #tpu.memory_space<vmem>>, vector<16xf32>,
        %get3A_288 = arith.index_cast %add3A_283 : i32 to index
        %get3A_289 = arith.constant 16 : index
        %get3A_290 = tpu.vector_load %arg8[%get3A_288, %get3A_289] {strides = array<i32>} : memref<512x32xf32, #tpu.memory_space<vmem>>, vector<16xf32>,
        tpu.vector_store_idx %arg10[%broadcast_in_dim3A_239, %shift_right_arithmetic3A_5, %broadcast_in_dim3A_3, %and3A_7, %broadcast_in_dim3A_284], %get3A_287 : memref<4x4x1x8x133xf32, #tpu.memory_space<vmem>>[vector<16xi32>, vector<16xi32>, vector<16xi32>, vector<16xi32>, vector<16xi32>], vector<16xf32>,
        %add3A_291 = arith.constant 2 : i32
        %add3A_292 = vector.broadcast %add3A_291 : i32 to vector<16xi32>
        %add3A_293 = arith.addi %shift_right_arithmetic3A_5, %add3A_292 : vector<16xi32>
        tpu.vector_store_idx %arg10[%broadcast_in_dim3A_239, %add3A_293, %broadcast_in_dim3A_3, %and3A_7, %broadcast_in_dim3A_284], %get3A_290 : memref<4x4x1x8x133xf32, #tpu.memory_space<vmem>>[vector<16xi32>, vector<16xi32>, vector<16xi32>, vector<16xi32>, vector<16xi32>], vector<16xf32>,
        %scan3A_294 = arith.constant 2 : i32
        %scan3A_295 = arith.addi %scan3A_268, %scan3A_294 : i32
        %add3A_296 = arith.constant 384 : i32
        %add3A_297 = arith.addi %add3A_296, %scan3A_295 : i32
        %broadcast_in_dim3A_298 = vector.broadcast %scan3A_295 : i32 to vector<16xi32>
        %get3A_299 = arith.index_cast %add3A_297 : i32 to index
        %get3A_300 = arith.constant 0 : index
        %get3A_301 = tpu.vector_load %arg8[%get3A_299, %get3A_300] {strides = array<i32>} : memref<512x32xf32, #tpu.memory_space<vmem>>, vector<16xf32>,
        %get3A_302 = arith.index_cast %add3A_297 : i32 to index
        %get3A_303 = arith.constant 16 : index
        %get3A_304 = tpu.vector_load %arg8[%get3A_302, %get3A_303] {strides = array<i32>} : memref<512x32xf32, #tpu.memory_space<vmem>>, vector<16xf32>,
        tpu.vector_store_idx %arg10[%broadcast_in_dim3A_239, %shift_right_arithmetic3A_5, %broadcast_in_dim3A_3, %and3A_7, %broadcast_in_dim3A_298], %get3A_301 : memref<4x4x1x8x133xf32, #tpu.memory_space<vmem>>[vector<16xi32>, vector<16xi32>, vector<16xi32>, vector<16xi32>, vector<16xi32>], vector<16xf32>,
        %add3A_305 = arith.constant 2 : i32
        %add3A_306 = vector.broadcast %add3A_305 : i32 to vector<16xi32>
        %add3A_307 = arith.addi %shift_right_arithmetic3A_5, %add3A_306 : vector<16xi32>
        tpu.vector_store_idx %arg10[%broadcast_in_dim3A_239, %add3A_307, %broadcast_in_dim3A_3, %and3A_7, %broadcast_in_dim3A_298], %get3A_304 : memref<4x4x1x8x133xf32, #tpu.memory_space<vmem>>[vector<16xi32>, vector<16xi32>, vector<16xi32>, vector<16xi32>, vector<16xi32>], vector<16xf32>,
        %scan3A_308 = arith.constant 3 : i32
        %scan3A_309 = arith.addi %scan3A_268, %scan3A_308 : i32
        %add3A_310 = arith.constant 384 : i32
        %add3A_311 = arith.addi %add3A_310, %scan3A_309 : i32
        %broadcast_in_dim3A_312 = vector.broadcast %scan3A_309 : i32 to vector<16xi32>
        %get3A_313 = arith.index_cast %add3A_311 : i32 to index
        %get3A_314 = arith.constant 0 : index
        %get3A_315 = tpu.vector_load %arg8[%get3A_313, %get3A_314] {strides = array<i32>} : memref<512x32xf32, #tpu.memory_space<vmem>>, vector<16xf32>,
        %get3A_316 = arith.index_cast %add3A_311 : i32 to index
        %get3A_317 = arith.constant 16 : index
        %get3A_318 = tpu.vector_load %arg8[%get3A_316, %get3A_317] {strides = array<i32>} : memref<512x32xf32, #tpu.memory_space<vmem>>, vector<16xf32>,
        tpu.vector_store_idx %arg10[%broadcast_in_dim3A_239, %shift_right_arithmetic3A_5, %broadcast_in_dim3A_3, %and3A_7, %broadcast_in_dim3A_312], %get3A_315 : memref<4x4x1x8x133xf32, #tpu.memory_space<vmem>>[vector<16xi32>, vector<16xi32>, vector<16xi32>, vector<16xi32>, vector<16xi32>], vector<16xf32>,
        %add3A_319 = arith.constant 2 : i32
        %add3A_320 = vector.broadcast %add3A_319 : i32 to vector<16xi32>
        %add3A_321 = arith.addi %shift_right_arithmetic3A_5, %add3A_320 : vector<16xi32>
        tpu.vector_store_idx %arg10[%broadcast_in_dim3A_239, %add3A_321, %broadcast_in_dim3A_3, %and3A_7, %broadcast_in_dim3A_312], %get3A_318 : memref<4x4x1x8x133xf32, #tpu.memory_space<vmem>>[vector<16xi32>, vector<16xi32>, vector<16xi32>, vector<16xi32>, vector<16xi32>], vector<16xf32>,
        %scan3A_322 = arith.constant 4 : i32
        %scan3A_323 = arith.addi %scan3A_268, %scan3A_322 : i32
        %add3A_324 = arith.constant 384 : i32
        %add3A_325 = arith.addi %add3A_324, %scan3A_323 : i32
        %broadcast_in_dim3A_326 = vector.broadcast %scan3A_323 : i32 to vector<16xi32>
        %get3A_327 = arith.index_cast %add3A_325 : i32 to index
        %get3A_328 = arith.constant 0 : index
        %get3A_329 = tpu.vector_load %arg8[%get3A_327, %get3A_328] {strides = array<i32>} : memref<512x32xf32, #tpu.memory_space<vmem>>, vector<16xf32>,
        %get3A_330 = arith.index_cast %add3A_325 : i32 to index
        %get3A_331 = arith.constant 16 : index
        %get3A_332 = tpu.vector_load %arg8[%get3A_330, %get3A_331] {strides = array<i32>} : memref<512x32xf32, #tpu.memory_space<vmem>>, vector<16xf32>,
        tpu.vector_store_idx %arg10[%broadcast_in_dim3A_239, %shift_right_arithmetic3A_5, %broadcast_in_dim3A_3, %and3A_7, %broadcast_in_dim3A_326], %get3A_329 : memref<4x4x1x8x133xf32, #tpu.memory_space<vmem>>[vector<16xi32>, vector<16xi32>, vector<16xi32>, vector<16xi32>, vector<16xi32>], vector<16xf32>,
        %add3A_333 = arith.constant 2 : i32
        %add3A_334 = vector.broadcast %add3A_333 : i32 to vector<16xi32>
        %add3A_335 = arith.addi %shift_right_arithmetic3A_5, %add3A_334 : vector<16xi32>
        tpu.vector_store_idx %arg10[%broadcast_in_dim3A_239, %add3A_335, %broadcast_in_dim3A_3, %and3A_7, %broadcast_in_dim3A_326], %get3A_332 : memref<4x4x1x8x133xf32, #tpu.memory_space<vmem>>[vector<16xi32>, vector<16xi32>, vector<16xi32>, vector<16xi32>, vector<16xi32>], vector<16xf32>,
        %scan3A_336 = arith.constant 5 : i32
        %scan3A_337 = arith.addi %scan3A_268, %scan3A_336 : i32
        %add3A_338 = arith.constant 384 : i32
        %add3A_339 = arith.addi %add3A_338, %scan3A_337 : i32
        %broadcast_in_dim3A_340 = vector.broadcast %scan3A_337 : i32 to vector<16xi32>
        %get3A_341 = arith.index_cast %add3A_339 : i32 to index
        %get3A_342 = arith.constant 0 : index
        %get3A_343 = tpu.vector_load %arg8[%get3A_341, %get3A_342] {strides = array<i32>} : memref<512x32xf32, #tpu.memory_space<vmem>>, vector<16xf32>,
        %get3A_344 = arith.index_cast %add3A_339 : i32 to index
        %get3A_345 = arith.constant 16 : index
        %get3A_346 = tpu.vector_load %arg8[%get3A_344, %get3A_345] {strides = array<i32>} : memref<512x32xf32, #tpu.memory_space<vmem>>, vector<16xf32>,
        tpu.vector_store_idx %arg10[%broadcast_in_dim3A_239, %shift_right_arithmetic3A_5, %broadcast_in_dim3A_3, %and3A_7, %broadcast_in_dim3A_340], %get3A_343 : memref<4x4x1x8x133xf32, #tpu.memory_space<vmem>>[vector<16xi32>, vector<16xi32>, vector<16xi32>, vector<16xi32>, vector<16xi32>], vector<16xf32>,
        %add3A_347 = arith.constant 2 : i32
        %add3A_348 = vector.broadcast %add3A_347 : i32 to vector<16xi32>
        %add3A_349 = arith.addi %shift_right_arithmetic3A_5, %add3A_348 : vector<16xi32>
        tpu.vector_store_idx %arg10[%broadcast_in_dim3A_239, %add3A_349, %broadcast_in_dim3A_3, %and3A_7, %broadcast_in_dim3A_340], %get3A_346 : memref<4x4x1x8x133xf32, #tpu.memory_space<vmem>>[vector<16xi32>, vector<16xi32>, vector<16xi32>, vector<16xi32>, vector<16xi32>], vector<16xf32>,
        %scan3A_350 = arith.constant 6 : i32
        %scan3A_351 = arith.addi %scan3A_268, %scan3A_350 : i32
        %add3A_352 = arith.constant 384 : i32
        %add3A_353 = arith.addi %add3A_352, %scan3A_351 : i32
        %broadcast_in_dim3A_354 = vector.broadcast %scan3A_351 : i32 to vector<16xi32>
        %get3A_355 = arith.index_cast %add3A_353 : i32 to index
        %get3A_356 = arith.constant 0 : index
        %get3A_357 = tpu.vector_load %arg8[%get3A_355, %get3A_356] {strides = array<i32>} : memref<512x32xf32, #tpu.memory_space<vmem>>, vector<16xf32>,
        %get3A_358 = arith.index_cast %add3A_353 : i32 to index
        %get3A_359 = arith.constant 16 : index
        %get3A_360 = tpu.vector_load %arg8[%get3A_358, %get3A_359] {strides = array<i32>} : memref<512x32xf32, #tpu.memory_space<vmem>>, vector<16xf32>,
        tpu.vector_store_idx %arg10[%broadcast_in_dim3A_239, %shift_right_arithmetic3A_5, %broadcast_in_dim3A_3, %and3A_7, %broadcast_in_dim3A_354], %get3A_357 : memref<4x4x1x8x133xf32, #tpu.memory_space<vmem>>[vector<16xi32>, vector<16xi32>, vector<16xi32>, vector<16xi32>, vector<16xi32>], vector<16xf32>,
        %add3A_361 = arith.constant 2 : i32
        %add3A_362 = vector.broadcast %add3A_361 : i32 to vector<16xi32>
        %add3A_363 = arith.addi %shift_right_arithmetic3A_5, %add3A_362 : vector<16xi32>
        tpu.vector_store_idx %arg10[%broadcast_in_dim3A_239, %add3A_363, %broadcast_in_dim3A_3, %and3A_7, %broadcast_in_dim3A_354], %get3A_360 : memref<4x4x1x8x133xf32, #tpu.memory_space<vmem>>[vector<16xi32>, vector<16xi32>, vector<16xi32>, vector<16xi32>, vector<16xi32>], vector<16xf32>,
        %scan3A_364 = arith.constant 7 : i32
        %scan3A_365 = arith.addi %scan3A_268, %scan3A_364 : i32
        %add3A_366 = arith.constant 384 : i32
        %add3A_367 = arith.addi %add3A_366, %scan3A_365 : i32
        %broadcast_in_dim3A_368 = vector.broadcast %scan3A_365 : i32 to vector<16xi32>
        %get3A_369 = arith.index_cast %add3A_367 : i32 to index
        %get3A_370 = arith.constant 0 : index
        %get3A_371 = tpu.vector_load %arg8[%get3A_369, %get3A_370] {strides = array<i32>} : memref<512x32xf32, #tpu.memory_space<vmem>>, vector<16xf32>,
        %get3A_372 = arith.index_cast %add3A_367 : i32 to index
        %get3A_373 = arith.constant 16 : index
        %get3A_374 = tpu.vector_load %arg8[%get3A_372, %get3A_373] {strides = array<i32>} : memref<512x32xf32, #tpu.memory_space<vmem>>, vector<16xf32>,
        tpu.vector_store_idx %arg10[%broadcast_in_dim3A_239, %shift_right_arithmetic3A_5, %broadcast_in_dim3A_3, %and3A_7, %broadcast_in_dim3A_368], %get3A_371 : memref<4x4x1x8x133xf32, #tpu.memory_space<vmem>>[vector<16xi32>, vector<16xi32>, vector<16xi32>, vector<16xi32>, vector<16xi32>], vector<16xf32>,
        %add3A_375 = arith.constant 2 : i32
        %add3A_376 = vector.broadcast %add3A_375 : i32 to vector<16xi32>
        %add3A_377 = arith.addi %shift_right_arithmetic3A_5, %add3A_376 : vector<16xi32>
        tpu.vector_store_idx %arg10[%broadcast_in_dim3A_239, %add3A_377, %broadcast_in_dim3A_3, %and3A_7, %broadcast_in_dim3A_368], %get3A_374 : memref<4x4x1x8x133xf32, #tpu.memory_space<vmem>>[vector<16xi32>, vector<16xi32>, vector<16xi32>, vector<16xi32>, vector<16xi32>], vector<16xf32>,
      }
      %scan3A_245 = arith.constant 128 : i32
      %mul3A_246 = arith.constant 4 : i32
      %mul3A_247 = arith.muli %add3A_192, %mul3A_246 : i32
      %dma_start3A_248 = arith.constant 0 : i32
      %dma_start3A_249 = arith.constant 0 : i32
      %dma_start3A_250 = arith.constant 0 : i32
      %dma_start3A_251 = arith.constant 0 : i32
      %dma_start3A_252 = arith.constant 0 : i32
      %dma_start3A_253 = tpu.memref_slice %arg10[%dma_start3A_248, %dma_start3A_249, %dma_start3A_250, %dma_start3A_251, %dma_start3A_252] : memref<4x4x1x8x133xf32, #tpu.memory_space<vmem>> -> memref<4x4x1x8x128xf32, #tpu.memory_space<vmem>>
      %dma_start3A_254 = arith.constant 0 : i32
      %dma_start3A_255 = arith.constant 0 : i32
      %dma_start3A_256 = arith.constant 0 : i32
      %dma_start3A_257 = tpu.memref_slice %arg4[%mul3A_247, %dma_start3A_254, %add3A, %dma_start3A_255, %dma_start3A_256] : memref<200x4x32x8x128xf32, #tpu.memory_space<hbm>> -> memref<4x4x1x8x128xf32, #tpu.memory_space<hbm>>
      %dma_start3A_258 = arith.constant 0 : i32
      %dma_start3A_259 = arith.constant 0 : i32
      %dma_start3A_260 = arith.constant 0 : i32
      %dma_start3A_261 = tpu.memref_slice %arg4[%mul3A_247, %dma_start3A_258, %add3A, %dma_start3A_259, %dma_start3A_260] : memref<200x4x32x8x128xf32, #tpu.memory_space<hbm>> -> memref<4x4x1x8x128xf32, #tpu.memory_space<hbm>>
      %dma_start3A_262 = arith.constant 0 : i32
      %dma_start3A_263 = arith.constant 0 : i32
      %dma_start3A_264 = arith.constant 0 : i32
      %dma_start3A_265 = arith.constant 0 : i32
      %dma_start3A_266 = arith.constant 0 : i32
      %dma_start3A_267 = tpu.memref_slice %arg10[%dma_start3A_262, %dma_start3A_263, %dma_start3A_264, %dma_start3A_265, %dma_start3A_266] : memref<4x4x1x8x133xf32, #tpu.memory_space<vmem>> -> memref<4x4x1x8x128xf32, #tpu.memory_space<vmem>>
      tpu.enqueue_dma source(%dma_start3A_267 : memref<4x4x1x8x128xf32, #tpu.memory_space<vmem>>) target(%dma_start3A_261 : memref<4x4x1x8x128xf32, #tpu.memory_space<hbm>>) target_semaphore(%arg16 : memref<!tpu.dma_semaphore, #tpu.memory_space<semaphore_mem>>)
    }
    %scan3A_64 = arith.constant 25 : i32
    %dma_wait3A_65 = arith.constant 0 : i32
    %dma_wait3A_66 = arith.constant 0 : i32
    %dma_wait3A_67 = arith.constant 0 : i32
    %dma_wait3A_68 = arith.constant 0 : i32
    %dma_wait3A_69 = arith.constant 0 : i32
    %dma_wait3A_70 = tpu.memref_slice %arg9[%dma_wait3A_65, %dma_wait3A_66, %dma_wait3A_67, %dma_wait3A_68, %dma_wait3A_69] : memref<4x4x1x8x133xf32, #tpu.memory_space<vmem>> -> memref<4x4x1x8x128xf32, #tpu.memory_space<vmem>>
    %dma_wait3A_71 = arith.constant 0 : i32
    %dma_wait3A_72 = arith.constant 0 : i32
    %dma_wait3A_73 = arith.constant 0 : i32
    %dma_wait3A_74 = arith.constant 0 : i32
    %dma_wait3A_75 = arith.constant 0 : i32
    %dma_wait3A_76 = tpu.memref_slice %arg4[%dma_wait3A_71, %dma_wait3A_72, %dma_wait3A_73, %dma_wait3A_74, %dma_wait3A_75] : memref<200x4x32x8x128xf32, #tpu.memory_space<hbm>> -> memref<4x4x1x8x128xf32, #tpu.memory_space<hbm>>
    %dma_wait3A_77 = arith.constant 0 : i32
    %dma_wait3A_78 = arith.constant 0 : i32
    %dma_wait3A_79 = arith.constant 0 : i32
    %dma_wait3A_80 = arith.constant 0 : i32
    %dma_wait3A_81 = arith.constant 0 : i32
    %dma_wait3A_82 = tpu.memref_slice %arg4[%dma_wait3A_77, %dma_wait3A_78, %dma_wait3A_79, %dma_wait3A_80, %dma_wait3A_81] : memref<200x4x32x8x128xf32, #tpu.memory_space<hbm>> -> memref<4x4x1x8x128xf32, #tpu.memory_space<hbm>>
    %dma_wait3A_83 = arith.constant 0 : i32
    %dma_wait3A_84 = arith.constant 0 : i32
    %dma_wait3A_85 = arith.constant 0 : i32
    %dma_wait3A_86 = arith.constant 0 : i32
    %dma_wait3A_87 = arith.constant 0 : i32
    %dma_wait3A_88 = tpu.memref_slice %arg9[%dma_wait3A_83, %dma_wait3A_84, %dma_wait3A_85, %dma_wait3A_86, %dma_wait3A_87] : memref<4x4x1x8x133xf32, #tpu.memory_space<vmem>> -> memref<4x4x1x8x128xf32, #tpu.memory_space<vmem>>
    tpu.wait_dma2 semaphore(%arg15 : memref<!tpu.dma_semaphore, #tpu.memory_space<semaphore_mem>>) src(%dma_wait3A_88 : memref<4x4x1x8x128xf32, #tpu.memory_space<vmem>>) dst(%dma_wait3A_82 : memref<4x4x1x8x128xf32, #tpu.memory_space<hbm>>)
    %dma_wait3A_89 = arith.constant 0 : i32
    %dma_wait3A_90 = arith.constant 0 : i32
    %dma_wait3A_91 = arith.constant 0 : i32
    %dma_wait3A_92 = arith.constant 0 : i32
    %dma_wait3A_93 = arith.constant 0 : i32
    %dma_wait3A_94 = tpu.memref_slice %arg10[%dma_wait3A_89, %dma_wait3A_90, %dma_wait3A_91, %dma_wait3A_92, %dma_wait3A_93] : memref<4x4x1x8x133xf32, #tpu.memory_space<vmem>> -> memref<4x4x1x8x128xf32, #tpu.memory_space<vmem>>
    %dma_wait3A_95 = arith.constant 0 : i32
    %dma_wait3A_96 = arith.constant 0 : i32
    %dma_wait3A_97 = arith.constant 0 : i32
    %dma_wait3A_98 = arith.constant 0 : i32
    %dma_wait3A_99 = arith.constant 0 : i32
    %dma_wait3A_100 = tpu.memref_slice %arg4[%dma_wait3A_95, %dma_wait3A_96, %dma_wait3A_97, %dma_wait3A_98, %dma_wait3A_99] : memref<200x4x32x8x128xf32, #tpu.memory_space<hbm>> -> memref<4x4x1x8x128xf32, #tpu.memory_space<hbm>>
    %dma_wait3A_101 = arith.constant 0 : i32
    %dma_wait3A_102 = arith.constant 0 : i32
    %dma_wait3A_103 = arith.constant 0 : i32
    %dma_wait3A_104 = arith.constant 0 : i32
    %dma_wait3A_105 = arith.constant 0 : i32
    %dma_wait3A_106 = tpu.memref_slice %arg4[%dma_wait3A_101, %dma_wait3A_102, %dma_wait3A_103, %dma_wait3A_104, %dma_wait3A_105] : memref<200x4x32x8x128xf32, #tpu.memory_space<hbm>> -> memref<4x4x1x8x128xf32, #tpu.memory_space<hbm>>
    %dma_wait3A_107 = arith.constant 0 : i32
    %dma_wait3A_108 = arith.constant 0 : i32
    %dma_wait3A_109 = arith.constant 0 : i32
    %dma_wait3A_110 = arith.constant 0 : i32
    %dma_wait3A_111 = arith.constant 0 : i32
    %dma_wait3A_112 = tpu.memref_slice %arg10[%dma_wait3A_107, %dma_wait3A_108, %dma_wait3A_109, %dma_wait3A_110, %dma_wait3A_111] : memref<4x4x1x8x133xf32, #tpu.memory_space<vmem>> -> memref<4x4x1x8x128xf32, #tpu.memory_space<vmem>>
    tpu.wait_dma2 semaphore(%arg16 : memref<!tpu.dma_semaphore, #tpu.memory_space<semaphore_mem>>) src(%dma_wait3A_112 : memref<4x4x1x8x128xf32, #tpu.memory_space<vmem>>) dst(%dma_wait3A_106 : memref<4x4x1x8x128xf32, #tpu.memory_space<hbm>>)
    return
  }
}

</mosaic_0001>

<sc_bundles>
// kernel: _gather_sc.3.cloned.1.call-start
scs
__scs_entry_jumppad:
0x0: {  	(pc) =	sbr.rel $0x88, $3  }
0x1: {  	(tag) =	ssettag $0x0;
	lr =	simm.s32 $0x1  }
0x2: {  	[smem:$0x3F9F] =	sst lr;
	_ =	strace $0xD0000000  }
0x3: {  	_ = 	snop  }
0x4: {  	_ = 	snop  }
0x5: {  	_ = 	snop  }
0x6: {  	_ = 	snop  }
0x7: {  	_ = 	snop  }
__scs_overlays_trampoline_lowered:
0x8: {  	[smem:$0x3FAE] =	sst s0  }
0x9: {  	[smem:$0x3FAF] =	sst s1  }
0xa: {  	[smem:$0x3FB0] =	sst s2  }
0xb: {  	[smem:$0x3FB1] =	sst s3  }
0xc: {  	[smem:$0x3FB2] =	sst s4  }
0xd: {  	[smem:$0x3FB3] =	sst s5  }
0xe: {  	[smem:$0x3FB4] =	sst s6  }
0xf: {  	[smem:$0x3FB5] =	sst s7  }
0x10: {  	[smem:$0x3FB6] =	sst s8  }
0x11: {  	[smem:$0x3FB7] =	sst s9;
	s0 =	simm.s32 @!p0 $0x0  }
0x12: {  	s1 =	sld [smem:$0x3F9D];
	s0 =	simm.s32 @p0 $0x1  }
0x13: {  	[smem:$0x3FB8] =	sst s0;
	s0 =	simm.s32 @!p1 $0x0  }
0x14: {  	s2 =	sld [smem:$0x3F9C];
	s0 =	simm.s32 @p1 $0x1  }
0x15: {  	[smem:$0x3FB9] =	sst s0;
	s0 =	simm.s32 @!p2 $0x0  }
0x16: {  	s3 =	sld [smem:$0x3FDB];
	s0 =	simm.s32 @p2 $0x1  }
0x17: {  	s4 =	simm.s32 $0x1BF5;
	[smem:$0x3FBB] =	sst s0  }
0x18: {  	s0 =	sld [smem:$0x3F9E];
	_ =	swait.ge [sflag:s4], $0x0  }
0x19: {  	s7 =	sld [smem:$0x3F9F]  }
0x1a: {  	s8 =	sadd.s32 $0xFFFFE003, lr  }
0x1b: {  	s9 =	sadd.s32 $0xFFFFFEF7, lr;
	s5 =	simm.s32 $0xFFFFFFFF;
	p2 =	slt.u32 s8, $0xFFFFF086  }
0x1c: {  	p1 =	slt.u32 s9, $0xF7A;
	s5 =	simm.s32 @!p2 $0x0  }
0x1d: {  	s5 =	simm.s32 @p1 $0x1;
	p0 =	seq.s32 s7, s2  }
0x1e: {  	s7 =	smul.u32 @!p0 $0xF7A, s2;
	p2 =	seq.s32 @!p0 s5, $0x0  }
0x1f: {  	s9 =	smul.u32 $0xF7A, s1;
	s8 =	simm.s32 @!p0 $0x1BF5;
	p2 =	por !p2, p0  }
0x20: {  	[sflag:s8] =	ssyncset.s32 @!p0 $0xFFFFF086;
	s6 =	sadd.s32 @!p0 s3, s7;
	s7 =	simm.s32 @!p0 $0x108  }
0x21: {  	s3 =	sadd.s32 s3, s9;
	s6 =	sadd.s32 @!p0 $0x88, s6;
	s7 =	simm.s32 @p2 $0x1082  }
0x22: {  	[simem:s7], [sflag:s8] =	dma.local @!p0 [hbm:s6], $0xF7A  }
0x23: {  	s9 =	sor.u32 $0xD0000000, s2;
	s6 =	simm.s32 $0x108;
	_ =	swait.ge @!p0 [sflag:s8], $0x0  }
0x24: {  	s3 =	sadd.s32 $0x88, s3;
	s6 =	simm.s32 @!p1 $0x1082;
	[sflag:s4] =	ssyncset.s32 $0xFFFFF086  }
0x25: {  	[simem:s6], [sflag:s4] =	dma.local [hbm:s3], $0xF7A  }
0x26: {  	[smem:$0x3F9F] =	sst s1;
	(tag) =	ssettag s2;
	_ =	strace s9  }
0x27: {  	s1 =	sld [smem:$0x3FAF]  }
0x28: {  	s2 =	sld [smem:$0x3FB0]  }
0x29: {  	s4 =	sld [smem:$0x3FB2]  }
0x2a: {  	p0 =	seq.s32 s5, $0x0;
	s5 =	sld [smem:$0x3FB3]  }
0x2b: {  	s6 =	sld [smem:$0x3FB4]  }
0x2c: {  	s7 =	sld [smem:$0x3FB5]  }
0x2d: {  	s3 =	simm.s32 $0x108;
	s8 =	sld [smem:$0x3FB6]  }
0x2e: {  	s3 =	simm.s32 @!p0 $0x1082;
	s9 =	sld [smem:$0x3FB7]  }
0x2f: {  	lr =	sadd.s32 s0, s3;
	s0 =	sld [smem:$0x3FAE]  }
0x30: {  	s3 =	sld [smem:$0x3FB1]  }
0x31: {  	[smem:$0x3FBA] =	sst s10  }
0x32: {  	s10 =	sld [smem:$0x3FB8];
	_ =	sdelay $0x3  }
0x33: {  	p0 =	seq.s32 s10, $0x1;
	s10 =	sld [smem:$0x3FBA];
	_ =	sdelay $0x3  }
0x34: {  	[smem:$0x3FBA] =	sst s10  }
0x35: {  	s10 =	sld [smem:$0x3FB9];
	_ =	sdelay $0x3  }
0x36: {  	p1 =	seq.s32 s10, $0x1;
	s10 =	sld [smem:$0x3FBA];
	_ =	sdelay $0x3  }
0x37: {  	[smem:$0x3FBA] =	sst s10  }
0x38: {  	s10 =	sld [smem:$0x3FBB]  }
0x39: {  	_ = 	snop;
	(pc) =	sbr.ind lr, $3  }
0x3a: {  	_ = 	snop  }
0x3b: {  	_ = 	snop  }
0x3c: {  	p2 =	seq.s32 s10, $0x1;
	s10 =	sld [smem:$0x3FBA]  }
0x3d: {  	_ =	shalt  }
0x3e: {  	_ =	shalt  }
0x3f: {  	_ =	shalt  }
0x40: {  	_ =	shalt  }
0x41: {  	_ =	shalt  }
0x42: {  	_ =	shalt  }
0x43: {  	_ =	shalt  }
0x44: {  	_ =	shalt  }
0x45: {  	_ =	shalt  }
0x46: {  	_ =	shalt  }
0x47: {  	_ =	shalt  }
0x48: {  	_ =	shalt  }
0x49: {  	_ =	shalt  }
0x4a: {  	_ =	shalt  }
0x4b: {  	_ =	shalt  }
0x4c: {  	_ =	shalt  }
0x4d: {  	_ =	shalt  }
0x4e: {  	_ =	shalt  }
0x4f: {  	_ =	shalt  }
0x50: {  	_ =	shalt  }
0x51: {  	_ =	shalt  }
0x52: {  	_ =	shalt  }
0x53: {  	_ =	shalt  }
0x54: {  	_ =	shalt  }
0x55: {  	_ =	shalt  }
0x56: {  	_ =	shalt  }
0x57: {  	_ =	shalt  }
0x58: {  	_ =	shalt  }
0x59: {  	_ =	shalt  }
0x5a: {  	_ =	shalt  }
0x5b: {  	_ =	shalt  }
0x5c: {  	_ =	shalt  }
0x5d: {  	_ =	shalt  }
0x5e: {  	_ =	shalt  }
0x5f: {  	_ =	shalt  }
0x60: {  	_ =	shalt  }
0x61: {  	_ =	shalt  }
0x62: {  	_ =	shalt  }
0x63: {  	_ =	shalt  }
0x64: {  	_ =	shalt  }
0x65: {  	_ =	shalt  }
0x66: {  	_ =	shalt  }
0x67: {  	_ =	shalt  }
0x68: {  	_ =	shalt  }
0x69: {  	_ =	shalt  }
0x6a: {  	_ =	shalt  }
0x6b: {  	_ =	shalt  }
0x6c: {  	_ =	shalt  }
0x6d: {  	_ =	shalt  }
0x6e: {  	_ =	shalt  }
0x6f: {  	_ =	shalt  }
0x70: {  	_ =	shalt  }
0x71: {  	_ =	shalt  }
0x72: {  	_ =	shalt  }
0x73: {  	_ =	shalt  }
0x74: {  	_ =	shalt  }
0x75: {  	_ =	shalt  }
0x76: {  	_ =	shalt  }
0x77: {  	_ =	shalt  }
0x78: {  	_ =	shalt  }
0x79: {  	_ =	shalt  }
0x7a: {  	_ =	shalt  }
0x7b: {  	_ =	shalt  }
0x7c: {  	_ =	shalt  }
0x7d: {  	_ =	shalt  }
0x7e: {  	_ =	shalt  }
0x7f: {  	_ =	shalt  }
0x80: {  	_ =	shalt  }
0x81: {  	_ =	shalt  }
0x82: {  	_ =	shalt  }
0x83: {  	_ =	shalt  }
0x84: {  	_ =	shalt  }
0x85: {  	_ =	shalt  }
0x86: {  	_ =	shalt  }
0x87: {  	_ =	shalt  }
.Lfunc_end0:
.L_simem_size_0:
called_computation_lowered:
.L_overlay_start_0:
0x88: {  	s2 =	sld [smem:$0x3FD9]  }
0x89: {  	s3 =	sld [smem:$0x3FFE];
	_ =	sdelay $0x1  }
0x8a: {  	s1 =	srdreg.scid  }
0x8b: {  	s0 =	sand.u32 $0x1, s1  }
0x8c: {  	s17 =	sshll.u32 s0, $0xA;
	s2 =	sadd.s32 s3, s2  }
0x8d: {  	s2 =	sadd.s32 s2, s17  }
0x8e: {  	[smem:$0x3FC6] =	sst s2  }
0x8f: {  	_ = 	snop  }
0x90: {  	s2 =	sld [smem:$0x3FD0];
	(tm) =	ssettm $0x1  }
0x91: {  	s18 =	sld [smem:$0x3FFB];
	_ =	sdelay $0x3  }
0x92: {  	_ =	strace s18  }
0x93: {  	s3 =	sld [smem:$0x3FFC];
	_ =	sdelay $0x3  }
0x94: {  	_ =	strace s3  }
0x95: {  	s3 =	sld [smem:$0x3FFD];
	_ =	sdelay $0x3  }
0x96: {  	_ =	strace s3  }
0x97: {  	_ =	strace $0x8FFFFFFF  }
0x98: {  	s19 =	sld [smem:$0x3FDB];
	_ =	sdelay $0x1  }
0x99: {  	s4 =	simm.s32 $_scs_section_size  }
0x9a: {  	s5 =	simm.s32 $_size__tile_overlayer_lowered;
	s6 =	simm.s32 $_tile_overlayer_lowered  }
0x9b: {  	s22 =	simm.s32 $0x1BFF;
	s21 =	sshll.u32 s6, $0x1;
	s3 =	sadd.s32 s4, s19  }
0x9c: {  	s7 =	simm.s32 $0x0;
	s20 =	sshll.u32 s5, $0x1;
	s5 =	sadd.s32 s21, s3  }
0x9d: {  	[timem:s7], [sflag:s22] =	dma.local [hbm:s5], s20  }
0x9e: {  	_ =	swait.ge [sflag:s22], s20  }
0x9f: {  	s4 =	ssub.s32 $0x0, s20;
	[sflag:s22] =	ssyncset.done $0x0  }
0xa0: {  	[sflag:s22] =	ssyncadd.s32 s4;
	_ =	sdelay $0x1  }
0xa1: {  	s23 =	simm.s32 $0x1B8B  }
0xa2: {  	_ =	swait.ge [sflag:s23], $0x1  }
0xa3: {  	[sflag:s23] =	ssyncset.done $0x0  }
0xa4: {  	s25 =	simm.s32 $0x1B8E;
	s24 =	sld [smem:$0x3FFE];
	[sflag:s23] =	ssyncadd.s32 $0xFFFFFFFF  }
0xa5: {  	s26 =	simm.s32 $execute0_lowered;
	[smem:$0x3FD2] =	sst s25  }
0xa6: {  	s5 =	sshll.u32 s26, $0x1;
	_ =	strace $0x80000046;
	[dreg:$0x1] =	wrdreg $0xFFFFFFFF  }
0xa7: {  	s28 =	simm.s32 $_size_execute0_lowered;
	s3 =	sadd.s32 s3, s5;
	[dreg:$0x0] =	wrdreg $0x0  }
0xa8: {  	s5 =	sshll.u32 s28, $0x1;
	[dreg:$0x2] =	wrdreg s3  }
0xa9: {  	[dreg:$0x3] =	wrdreg s5  }
0xaa: {  	[dreg:$0x4] =	wrdreg $0xC0  }
0xab: {  	_ =	task [dreg:s7], $0x5FFFF  }
0xac: {  	[dreg:$0x1] =	wrdreg $0xFFFFFFFF  }
0xad: {  	[dreg:$0x0] =	wrdreg $0x60  }
0xae: {  	[dreg:$0x2] =	wrdreg s24  }
0xaf: {  	[dreg:$0x3] =	wrdreg s2  }
0xb0: {  	[dreg:$0x4] =	wrdreg $0x9  }
0xb1: {  	_ =	task.clear_ibuf [dreg:s7], $0x5FFFF;
	_ =	strace $0x90000046  }
0xb2: {  	s29 =	simm.s32 $0x9;
	_ =	strace $0x80000048  }
0xb3: {  	_ =	swait.ge [sflag:s29], $0x1  }
0xb4: {  	[sflag:s29] =	ssyncadd.s32 $0xFFFFFFFF  }
0xb5: {  	_ =	strace $0x90000048  }
0xb6: {  	_ =	sfence  }
0xb7: {  	s30 =	sld [smem:$0x0];
	_ =	sdelay $0x2  }
0xb8: {  	s31 =	sshll.u32 s1, $0xD;
	s1 =	sshrl.u32 s1, $0x2  }
0xb9: {  	s3 =	sand.u32 $0x4000, s31;
	s1 =	sadd.s32 s1, s30  }
0xba: {  	s0 =	sor.u32 s3, s0;
	s1 =	sshll.u32 s1, $0x11  }
0xbb: {  	s0 =	sor.u32 s1, s0  }
0xbc: {  	s0 =	sadd.s32 $0x8F2B, s0  }
0xbd: {  	[sflag:s0] =	ssyncadd.remote.s32 $0x1  }
0xbe: {  	_ =	sfence.sel $0xFFFF  }
0xbf: {  	[dreg:$0x0] =	wrdreg $0xFFFFFFFF;
	(pc) =	sbr.abs _section_cstart, $3  }
0xc0: {  	[dreg:$0x1] =	wrdreg $0xFFFFFFFF  }
0xc1: {  	_ =	task.clear_ibuf [dreg:s7], $0x2FFFF;
	_ =	strace $0x9FFFFFFF  }
0xc2: {  	(tm) =	ssettm $0x7FFFFFFF  }
0xc3: {  	_ =	shalt  }
tec
execute0_lowered:
.L_overlay_start_1:
0x0: {  	(tag) =	ssettag $0x1  }
0x1: {  	v0 =	vlaneseq.u32  }
0x2: {  	v7 =	vmul.u32 $0x88, v0  }
0x3: {  	vm0 =	vcmask $0x300;
	v0 =	vimm.s32 $0x0  }
0x4: {  	v1 =	vsel vm0, $0x3, v0;
	v6 =	vadd.s32 $0x880, v7;
	v0 =	vor.u32 $0x3, v7  }
0x5: {  	v8 =	vor.u32 $0x1, v7;
	v9 =	vadd.s32 $0x881, v7;
	[tilespmem:$0x1FEC0] =	vst v0;
	v0 =	vor.u32 $0x4, v7  }
0x6: {  	v16 =	vor.u32 $0x2, v7;
	v11 =	vadd.s32 $0x882, v7;
	[tilespmem:$0x1FED0] =	vst v0;
	v0 =	vor.u32 $0x5, v7  }
0x7: {  	v13 =	vadd.s32 $0x883, v7;
	v14 =	vadd.s32 $0x884, v7;
	[tilespmem:$0x1FEE0] =	vst v0;
	v0 =	vor.u32 $0x6, v7  }
0x8: {  	s0 =	rddreg [dreg:$0x0];
	s2 =	simm.s32 $0x0;
	v15 =	vadd.s32 $0x885, v7;
	v19 =	vadd.s32 $0x886, v7;
	[tilespmem:$0x1FEF0] =	vst v0;
	v0 =	vadd.s32 $0x1980, v7  }
0x9: {  	[smem:$0x7FF] =	sst s2;
	v20 =	vor.u32 $0x7, v7;
	v21 =	vadd.s32 $0x887, v7;
	v22 =	vadd.s32 $0x1100, v7;
	[tilespmem:$0x1FF00] =	vst v0  }
0xa: {  	s1 =	rddreg [dreg:$0x1];
	v10 =	vadd.s32 $0x1101, v7;
	v12 =	vadd.s32 $0x1981, v7;
	v17 =	vadd.s32 $0x1102, v7;
	_ =	strace $0x80000047;
	[tilespmem:$0x1FF10] =	vst v7  }
0xb: {  	v18 =	vadd.s32 $0x1982, v7;
	v23 =	vadd.s32 $0x1103, v7;
	v24 =	vadd.s32 $0x1983, v7;
	[tilespmem:$0x1FF20] =	vst v6  }
0xc: {  	s3 =	srdreg.scid;
	s4 =	stileid.u32;
	v25 =	vadd.s32 $0x1104, v7;
	v26 =	vadd.s32 $0x1984, v7;
	v27 =	vadd.s32 $0x1105, v7;
	[tilespmem:$0x1FF30] =	vst v9  }
0xd: {  	s12 =	simm.s32 $0x80;
	s21 =	simm.s32 $0x200;
	s28 =	simm.s32 $0x300;
	v28 =	vadd.s32 $0x1985, v7;
	v29 =	vadd.s32 $0x1106, v7;
	v30 =	vadd.s32 $0x1986, v7;
	[tilespmem:$0x1FF40] =	vst v11  }
0xe: {  	s22 =	simm.s32 $0x3;
	s29 =	simm.s32 $0x6400;
	s30 =	simm.s32 $0x380;
	v31 =	vadd.s32 $0x1107, v7;
	v32 =	vadd.s32 $0x1987, v7;
	v33 =	vadd.s32 $0x2200, v7;
	[tilespmem:$0x1FF50] =	vst v13  }
0xf: {  	s23 =	simm.s32 $0x2;
	s31 =	simm.s32 $0x7400;
	s15 =	simm.s32 $0xC800;
	v34 =	vadd.s32 $0x2A80, v7;
	v35 =	vadd.s32 $0x2201, v7;
	v36 =	vadd.s32 $0x2A81, v7;
	[tilespmem:$0x1FF60] =	vst v14  }
0x10: {  	s16 =	simm.s32 $0x5;
	s17 =	simm.s32 $0x6;
	s3 =	sand.u32 $0x1, s3;
	v37 =	vadd.s32 $0x2202, v7;
	v38 =	vadd.s32 $0x2A82, v7;
	v39 =	vadd.s32 $0x2203, v7;
	[tilespmem:$0x1FF70] =	vst v15  }
0x11: {  	s5 =	sshll.u32 s4, $0x1;
	s4 =	sadd.s32 $0x600, s0;
	s6 =	ssub.s32 $0x2, s3;
	v40 =	vadd.s32 $0x2A83, v7;
	v41 =	vadd.s32 $0x2204, v7;
	v42 =	vadd.s32 $0x2A84, v7;
	[tilespmem:$0x1FF80] =	vst v19  }
0x12: {  	s3 =	sor.u32 s3, s5;
	s5 =	sadd.s32 $0xF42A00, s0;
	s25 =	sshrl.u32 s6, $0x1;
	v43 =	vadd.s32 $0x2205, v7;
	v44 =	vadd.s32 $0x2A85, v7;
	v45 =	vadd.s32 $0x2206, v7;
	[tilespmem:$0x1FF90] =	vst v21  }
0x13: {  	s7 =	sshll.u32 s3, $0x4;
	s26 =	sshll.u32 s3, $0x7;
	s10 =	sshll.u32 s3, $0xA;
	v46 =	vadd.s32 $0x2A86, v7;
	v47 =	vadd.s32 $0x2207, v7;
	v48 =	vadd.s32 $0x2A87, v7;
	[tilespmem:$0x1FFA0] =	vst v22  }
.Ltmp0:
0x14: {  	v49 =	vadd.s32 $0x3300, v7;
	v50 =	vadd.s32 $0x3B80, v7;
	v51 =	vadd.s32 $0x3301, v7;
	s3 =	simm.s32 $0x4;
	s0 =	ssub.s32 s6, s25;
	[tilespmem:$0x1FFB0] =	vst v10;
	(pc) =	sbr.rel .LBB2_1-.Ltmp0, $4  }
0x15: {  	v52 =	vadd.s32 $0x3B81, v7;
	v53 =	vadd.s32 $0x3302, v7;
	v54 =	vadd.s32 $0x3B82, v7;
	s7 =	sadd.s32 s4, s7;
	s8 =	sor.u32 $0x8000, s26;
	s9 =	sor.u32 $0xC000, s26;
	[tilespmem:$0x1FFC0] =	vst v12  }
0x16: {  	v55 =	vadd.s32 $0x3303, v7;
	v56 =	vadd.s32 $0x3B83, v7;
	v57 =	vadd.s32 $0x3304, v7;
	s25 =	simm.s32 $0x280;
	s0 =	smax.u32 s0, $0x1;
	[dreg:$0x3] =	wrdreg s7;
	[tilespmem:$0x1FFD0] =	vst v17  }
0x17: {  	v58 =	vadd.s32 $0x3B84, v7;
	v59 =	vadd.s32 $0x3305, v7;
	v60 =	vadd.s32 $0x3B85, v7;
	s26 =	simm.s32 $0x5400;
	s7 =	sadd.s32 $0x800, s7;
	[dreg:$0x5] =	wrdreg s0;
	[tilespmem:$0x1FFE0] =	vst v18  }
0x18: {  	v61 =	vadd.s32 $0x3306, v7;
	v62 =	vadd.s32 $0x3B86, v7;
	v63 =	vadd.s32 $0x3307, v7;
	s0 =	simm.s32 $0x8400;
	[tilespmem:$0x1FFF0] =	vst v16;
	[dreg:$0x4] =	wrdreg s7;
	s7 =	simm.s32 $0x0  }
.LBB2_28:
0x19: {  	_ =	swait.ge [sflag:s16], $0x4000  }
0x1a: {  	[sflag:s16] =	ssyncset.done $0x0  }
0x1b: {  	[sflag:s16] =	ssyncadd.s32 $0xFFFFC000  }
0x1c: {  	_ =	swait.ge [sflag:s17], $0x4000  }
0x1d: {  	s7 =	rddreg [dreg:$0x6]  }
0x1e: {  	s6 =	rddreg [dreg:$0x5];
	s7 =	sadd.s32 $0x1, s7  }
0x1f: {  	p0 =	sne.s32 s7, s6  }
.Ltmp1:
0x20: {  	_ = 	snop;
	(pc) =	sbr.rel @!p0 .LBB2_29-.Ltmp1, $3  }
0x21: {  	_ =	sdelay $0x1  }
0x22: {  	[sflag:s17] =	ssyncset.done $0x0  }
0x23: {  	[sflag:s17] =	ssyncadd.s32 $0xFFFFC000  }
.LBB2_1:
0x24: {  	[dreg:$0x6] =	wrdreg s7  }
0x25: {  	s6 =	rddreg [dreg:$0x3];
	s7 =	simm.s32 $0x1000;
	s11 =	simm.s32 $0x1  }
0x26: {  	[tilespmem:s2], [sflag:$0x1] =	stream.strided.gather [hbm4b:s6+s12], $0x200, s7, s12, $0x38;
	[tilespmem:$0x10C00] =	vst v63  }
0x27: {  	_ =	swait.ge [sflag:s11], $0x200  }
0x28: {  	[sflag:s11] =	ssyncset.done $0x0  }
0x29: {  	s13 =	simm.s32 $0x400;
	[sflag:s11] =	ssyncadd.s32 $0xFFFFFE00  }
0x2a: {  	[tilespmem:s13], [sflag:$0x3] =	stream.indirect.gather [hbm4b:s5+s12], $0x20, s2, s12, $0xb8;
	[tilespmem:$0x10C00] =	vst v63  }
0x2b: {  	s14 =	simm.s32 $0x1400  }
0x2c: {  	[tilespmem:s14], [sflag:$0x3] =	stream.indirect.gather [hbm4b:s5+s12], $0x20, s12, s12, $0xb8;
	[tilespmem:$0x10C00] =	vst v63  }
0x2d: {  	s18 =	simm.s32 $0x100;
	s11 =	simm.s32 $0x2400  }
0x2e: {  	[tilespmem:s11], [sflag:$0x3] =	stream.indirect.gather [hbm4b:s5+s12], $0x20, s18, s12, $0xb8;
	[tilespmem:$0x10C00] =	vst v63  }
0x2f: {  	s19 =	simm.s32 $0x180;
	s20 =	simm.s32 $0x3400  }
0x30: {  	[tilespmem:s20], [sflag:$0x3] =	stream.indirect.gather [hbm4b:s5+s12], $0x20, s19, s12, $0xb8;
	[tilespmem:$0x10C00] =	vst v63  }
0x31: {  	s24 =	rddreg [dreg:$0x4];
	s19 =	simm.s32 $0x0  }
0x32: {  	[tilespmem:s21], [sflag:$0x2] =	stream.strided.gather [hbm4b:s24+s12], $0x200, s7, s12, $0x38;
	[tilespmem:$0x10C00] =	vst v63  }
.LBB2_2:
0x33: {  	_ =	swait.ge [sflag:s22], $0x4000  }
0x34: {  	[sflag:s22] =	ssyncset.done $0x0  }
0x35: {  	[sflag:s22] =	ssyncadd.s32 $0xFFFFC000  }
0x36: {  	_ =	swait.ge [sflag:s23], $0x200  }
0x37: {  	[sflag:s23] =	ssyncset.done $0x0  }
0x38: {  	s6 =	simm.s32 $0x4400;
	p0 =	seq.s32 s19, $0x18;
	[sflag:s23] =	ssyncadd.s32 $0xFFFFFE00  }
0x39: {  	[tilespmem:s6], [sflag:$0x4] =	stream.indirect.gather [hbm4b:s5+s12], $0x20, s21, s12, $0xb8;
	[tilespmem:$0x10C00] =	vst v63  }
0x3a: {  	s20 =	sshll.u32 @!p0 s19, $0xF  }
0x3b: {  	[tilespmem:s26], [sflag:$0x4] =	stream.indirect.gather [hbm4b:s5+s12], $0x20, s25, s12, $0xb8;
	[tilespmem:$0x10C00] =	vst v63  }
0x3c: {  	s14 =	simm.s32 $0x0;
	s7 =	simm.s32 @!p0 $0x80;
	s6 =	sadd.s32 @!p0 s8, s20  }
0x3d: {  	[tilespmem:s29], [sflag:$0x4] =	stream.indirect.gather [hbm4b:s5+s12], $0x20, s28, s12, $0xb8;
	[tilespmem:$0x10C00] =	vst v63  }
0x3e: {  	s11 =	simm.s32 @!p0 $0x1000;
	p1 =	seq.s32 @!p0 s19, $0x0;
	s6 =	sshrl.u32 @!p0 s6, $0x3  }
0x3f: {  	[tilespmem:s31], [sflag:$0x4] =	stream.indirect.gather [hbm4b:s5+s12], $0x20, s30, s12, $0xb8;
	[tilespmem:$0x10C00] =	vst v63  }
0x40: {  	s13 =	simm.s32 @!p0 $0x0;
	v0 =	vmov s14;
	p1 =	por p0, !p1;
	s6 =	sadd.s32 @!p0 s4, s6  }
0x41: {  	v0 =	vshrl.u32 v0, $0x3;
	[tilespmem:s13], [sflag:$0x1] =	stream.strided.gather @!p0 [hbm4b:s6+s7], $0x200, s11, s7, $0x38;
	[tilespmem:$0x10C00] =	vst v63  }
0x42: {  	v0 =	vshll.u32 v0, v1;
	_ =	swait.ge @p1 [sflag:s16], $0x4000  }
0x43: {  	v0 =	vbroadcast v0, $0x0;
	[sflag:s16] =	ssyncset.done @p1 $0x0  }
0x44: {  	s7 =	simm.s32 $0x480;
	[sflag:s16] =	ssyncadd.s32 @p1 $0xFFFFC000  }
0x45: {  	v3 =	vadd.s32 v7, v0;
	v5 =	vld [tilespmem:s7+$0xFFFFFF80]  }
0x46: {  	s18 =	simm.s32 $0x1;
	v0 =	vadd.s32 v6, v0;
	v4 =	vld [tilespmem:s7+$0xFFFFFF90]  }
0x47: {  	v2 =	vmov s18  }
0x48: {  	v2 =	vshrl.u32 v2, $0x3  }
0x49: {  	v2 =	vshll.u32 v2, v1  }
0x4a: {  	v2 =	vbroadcast v2, $0x0;
	[tilespmem:v3+s0+$0x0] =	vst.idx.msk $0xffff, v5  }
0x4b: {  	[tilespmem:v0+s0+$0x0] =	vst.idx.msk $0xffff, v4  }
0x4c: {  	v3 =	vadd.s32 v8, v2;
	v5 =	vld [tilespmem:s7+$0xFFFFFFA0]  }
0x4d: {  	s24 =	simm.s32 $0x2;
	v2 =	vadd.s32 v9, v2;
	v4 =	vld [tilespmem:s7+$0xFFFFFFB0]  }
0x4e: {  	v0 =	vmov s24  }
0x4f: {  	v0 =	vshrl.u32 v0, $0x3  }
0x50: {  	v0 =	vshll.u32 v0, v1  }
0x51: {  	v0 =	vbroadcast v0, $0x0;
	[tilespmem:v3+s0+$0x0] =	vst.idx.msk $0xffff, v5  }
0x52: {  	[tilespmem:v2+s0+$0x0] =	vst.idx.msk $0xffff, v4  }
0x53: {  	v3 =	vadd.s32 v16, v0;
	v5 =	vld [tilespmem:s7+$0xFFFFFFC0]  }
0x54: {  	s11 =	simm.s32 $0x3;
	v0 =	vadd.s32 v11, v0;
	v4 =	vld [tilespmem:s7+$0xFFFFFFD0]  }
0x55: {  	v10 =	vld [tilespmem:$0x1FEC0];
	v2 =	vmov s11  }
0x56: {  	v2 =	vshrl.u32 v2, $0x3  }
0x57: {  	v2 =	vshll.u32 v2, v1  }
0x58: {  	v2 =	vbroadcast v2, $0x0;
	[tilespmem:v3+s0+$0x0] =	vst.idx.msk $0xffff, v5  }
0x59: {  	[tilespmem:v0+s0+$0x0] =	vst.idx.msk $0xffff, v4  }
0x5a: {  	v3 =	vadd.s32 v10, v2;
	v5 =	vld [tilespmem:s7+$0xFFFFFFE0]  }
0x5b: {  	s13 =	simm.s32 $0x4;
	v2 =	vadd.s32 v13, v2;
	v4 =	vld [tilespmem:s7+$0xFFFFFFF0]  }
0x5c: {  	v12 =	vld [tilespmem:$0x1FED0];
	v0 =	vmov s13  }
0x5d: {  	v0 =	vshrl.u32 v0, $0x3  }
0x5e: {  	v0 =	vshll.u32 v0, v1  }
0x5f: {  	v0 =	vbroadcast v0, $0x0;
	[tilespmem:v3+s0+$0x0] =	vst.idx.msk $0xffff, v5  }
0x60: {  	[tilespmem:v2+s0+$0x0] =	vst.idx.msk $0xffff, v4  }
0x61: {  	v3 =	vadd.s32 v12, v0;
	v5 =	vld [tilespmem:s7+$0x0]  }
0x62: {  	s14 =	simm.s32 $0x5;
	v0 =	vadd.s32 v14, v0;
	v4 =	vld [tilespmem:s7+$0x10]  }
0x63: {  	v17 =	vld [tilespmem:$0x1FEE0];
	v2 =	vmov s14  }
0x64: {  	v2 =	vshrl.u32 v2, $0x3  }
0x65: {  	v2 =	vshll.u32 v2, v1  }
0x66: {  	v2 =	vbroadcast v2, $0x0;
	[tilespmem:v3+s0+$0x0] =	vst.idx.msk $0xffff, v5  }
0x67: {  	[tilespmem:v0+s0+$0x0] =	vst.idx.msk $0xffff, v4  }
0x68: {  	v3 =	vadd.s32 v17, v2;
	v5 =	vld [tilespmem:s7+$0x20]  }
0x69: {  	s18 =	simm.s32 $0x6;
	v2 =	vadd.s32 v15, v2;
	v4 =	vld [tilespmem:s7+$0x30]  }
0x6a: {  	v18 =	vld [tilespmem:$0x1FEF0];
	v0 =	vmov s18  }
0x6b: {  	v0 =	vshrl.u32 v0, $0x3  }
0x6c: {  	v0 =	vshll.u32 v0, v1  }
0x6d: {  	v0 =	vbroadcast v0, $0x0;
	[tilespmem:v3+s0+$0x0] =	vst.idx.msk $0xffff, v5  }
0x6e: {  	[tilespmem:v2+s0+$0x0] =	vst.idx.msk $0xffff, v4  }
0x6f: {  	s24 =	simm.s32 $0x7;
	v3 =	vadd.s32 v18, v0;
	v5 =	vld [tilespmem:s7+$0x40]  }
0x70: {  	v0 =	vadd.s32 v19, v0;
	v2 =	vmov s24;
	v4 =	vld [tilespmem:s7+$0x50]  }
0x71: {  	v2 =	vshrl.u32 v2, $0x3  }
0x72: {  	v2 =	vshll.u32 v2, v1  }
0x73: {  	v2 =	vbroadcast v2, $0x0  }
0x74: {  	[tilespmem:v3+s0+$0x0] =	vst.idx.msk $0xffff, v5  }
0x75: {  	s11 =	simm.s32 $0x8;
	[tilespmem:v0+s0+$0x0] =	vst.idx.msk $0xffff, v4;
	v0 =	vadd.s32 v20, v2  }
0x76: {  	[tilespmem:$0x1FEB0] =	vst v0;
	v0 =	vmov s11  }
0x77: {  	v3 =	vshrl.u32 v0, $0x3  }
0x78: {  	v4 =	vshll.u32 v3, v1  }
0x79: {  	v3 =	vadd.s32 v21, v2;
	v2 =	vbroadcast v4, $0x0;
	v4 =	vld [tilespmem:$0x1FEB0];
	_ =	sdelay $0x2  }
0x7a: {  	v5 =	vld [tilespmem:s7+$0x60];
	_ =	sdelay $0x1  }
0x7b: {  	v0 =	vld [tilespmem:s7+$0x70];
	_ =	sdelay $0x2  }
0x7c: {  	s6 =	simm.s32 $0x10;
	s13 =	sshll.u32 s19, $0x1;
	[tilespmem:v4+s0+$0x0] =	vst.idx.msk $0xffff, v5  }
.LBB2_3:
0x7d: {  	p2 =	slt.u32 s6, $0x78  }
0x7e: {  	[tilespmem:v3+s0+$0x0] =	vst.idx.msk $0xffff, v0;
	s7 =	sadd.s32 $0x100, s7;
	s14 =	smov.u32 s6;
	s6 =	sadd.s32 $0x8, s6  }
0x7f: {  	v0 =	vld [tilespmem:s7+$0xFFFFFF80];
	v3 =	vadd.s32 v7, v2  }
0x80: {  	s18 =	sadd.s32 $0x1, s11;
	v2 =	vadd.s32 v6, v2;
	v4 =	vld [tilespmem:s7+$0xFFFFFF90]  }
0x81: {  	v5 =	vmov s18  }
0x82: {  	v5 =	vshrl.u32 v5, $0x3  }
0x83: {  	v5 =	vshll.u32 v5, v1  }
0x84: {  	[tilespmem:v3+s0+$0x0] =	vst.idx.msk $0xffff, v0;
	v0 =	vbroadcast v5, $0x0  }
0x85: {  	[tilespmem:v2+s0+$0x0] =	vst.idx.msk $0xffff, v4  }
0x86: {  	v2 =	vld [tilespmem:s7+$0xFFFFFFA0];
	v3 =	vadd.s32 v8, v0  }
0x87: {  	s18 =	sadd.s32 $0x2, s11;
	v0 =	vadd.s32 v9, v0;
	v4 =	vld [tilespmem:s7+$0xFFFFFFB0]  }
0x88: {  	v5 =	vmov s18  }
0x89: {  	v5 =	vshrl.u32 v5, $0x3  }
0x8a: {  	v5 =	vshll.u32 v5, v1  }
0x8b: {  	[tilespmem:v3+s0+$0x0] =	vst.idx.msk $0xffff, v2;
	v2 =	vbroadcast v5, $0x0  }
0x8c: {  	[tilespmem:v0+s0+$0x0] =	vst.idx.msk $0xffff, v4  }
0x8d: {  	v0 =	vld [tilespmem:s7+$0xFFFFFFC0];
	v3 =	vadd.s32 v16, v2  }
0x8e: {  	s18 =	sadd.s32 $0x3, s11;
	v2 =	vadd.s32 v11, v2;
	v4 =	vld [tilespmem:s7+$0xFFFFFFD0]  }
0x8f: {  	v5 =	vmov s18  }
0x90: {  	v5 =	vshrl.u32 v5, $0x3  }
0x91: {  	v5 =	vshll.u32 v5, v1  }
0x92: {  	[tilespmem:v3+s0+$0x0] =	vst.idx.msk $0xffff, v0;
	v0 =	vbroadcast v5, $0x0  }
0x93: {  	[tilespmem:v2+s0+$0x0] =	vst.idx.msk $0xffff, v4  }
0x94: {  	v2 =	vld [tilespmem:s7+$0xFFFFFFE0];
	v3 =	vadd.s32 v10, v0  }
0x95: {  	s18 =	sadd.s32 $0x4, s11;
	v0 =	vadd.s32 v13, v0;
	v4 =	vld [tilespmem:s7+$0xFFFFFFF0]  }
0x96: {  	v5 =	vmov s18  }
0x97: {  	v5 =	vshrl.u32 v5, $0x3  }
0x98: {  	v5 =	vshll.u32 v5, v1  }
0x99: {  	[tilespmem:v3+s0+$0x0] =	vst.idx.msk $0xffff, v2;
	v2 =	vbroadcast v5, $0x0  }
0x9a: {  	[tilespmem:v0+s0+$0x0] =	vst.idx.msk $0xffff, v4  }
0x9b: {  	v0 =	vld [tilespmem:s7+$0x0];
	v3 =	vadd.s32 v12, v2  }
0x9c: {  	s18 =	sadd.s32 $0x5, s11;
	v2 =	vadd.s32 v14, v2;
	v4 =	vld [tilespmem:s7+$0x10]  }
0x9d: {  	v5 =	vmov s18  }
0x9e: {  	v5 =	vshrl.u32 v5, $0x3  }
0x9f: {  	v5 =	vshll.u32 v5, v1  }
0xa0: {  	[tilespmem:v3+s0+$0x0] =	vst.idx.msk $0xffff, v0;
	v0 =	vbroadcast v5, $0x0  }
0xa1: {  	[tilespmem:v2+s0+$0x0] =	vst.idx.msk $0xffff, v4  }
0xa2: {  	v2 =	vld [tilespmem:s7+$0x20];
	v3 =	vadd.s32 v17, v0  }
0xa3: {  	s18 =	sadd.s32 $0x6, s11;
	v0 =	vadd.s32 v15, v0;
	v4 =	vld [tilespmem:s7+$0x30]  }
0xa4: {  	v5 =	vmov s18  }
0xa5: {  	v5 =	vshrl.u32 v5, $0x3  }
0xa6: {  	v5 =	vshll.u32 v5, v1  }
0xa7: {  	[tilespmem:v3+s0+$0x0] =	vst.idx.msk $0xffff, v2;
	v2 =	vbroadcast v5, $0x0  }
0xa8: {  	[tilespmem:v0+s0+$0x0] =	vst.idx.msk $0xffff, v4  }
0xa9: {  	v0 =	vld [tilespmem:s7+$0x40];
	v3 =	vadd.s32 v18, v2  }
0xaa: {  	s18 =	sadd.s32 $0x7, s11;
	s11 =	smov.u32 s14;
	v2 =	vadd.s32 v19, v2;
	v4 =	vld [tilespmem:s7+$0x50]  }
0xab: {  	v5 =	vmov s18  }
0xac: {  	v5 =	vshrl.u32 v5, $0x3  }
0xad: {  	v5 =	vshll.u32 v5, v1  }
0xae: {  	[tilespmem:v3+s0+$0x0] =	vst.idx.msk $0xffff, v0;
	v3 =	vbroadcast v5, $0x0  }
0xaf: {  	[tilespmem:v2+s0+$0x0] =	vst.idx.msk $0xffff, v4  }
0xb0: {  	v4 =	vld [tilespmem:s7+$0x60];
	v5 =	vadd.s32 v20, v3  }
.Ltmp2:
0xb1: {  	v3 =	vadd.s32 v21, v3;
	v0 =	vld [tilespmem:s7+$0x70];
	(pc) =	sbr.rel @p2 .LBB2_3-.Ltmp2, $4  }
0xb2: {  	v2 =	vmov s11  }
0xb3: {  	v2 =	vshrl.u32 v2, $0x3  }
0xb4: {  	v2 =	vshll.u32 v2, v1  }
0xb5: {  	v2 =	vbroadcast v2, $0x0;
	[tilespmem:v5+s0+$0x0] =	vst.idx.msk $0xffff, v4  }
0xb6: {  	_ =	sdelay $0x3  }
0xb7: {  	[tilespmem:v3+s0+$0x0] =	vst.idx.msk $0xffff, v0;
	s6 =	sadd.s32 $0x100, s7  }
0xb8: {  	v0 =	vld [tilespmem:s6+$0xFFFFFF80];
	v3 =	vadd.s32 v7, v2  }
0xb9: {  	s18 =	sadd.s32 $0x1, s11;
	v4 =	vld [tilespmem:s6+$0xFFFFFF90];
	v2 =	vadd.s32 v6, v2  }
0xba: {  	v5 =	vmov s18  }
0xbb: {  	v5 =	vshrl.u32 v5, $0x3  }
0xbc: {  	v5 =	vshll.u32 v5, v1  }
0xbd: {  	[tilespmem:v3+s0+$0x0] =	vst.idx.msk $0xffff, v0;
	v0 =	vbroadcast v5, $0x0  }
0xbe: {  	[tilespmem:v2+s0+$0x0] =	vst.idx.msk $0xffff, v4  }
0xbf: {  	v2 =	vld [tilespmem:s6+$0xFFFFFFA0];
	v3 =	vadd.s32 v8, v0  }
0xc0: {  	s24 =	sadd.s32 $0x2, s11;
	v4 =	vld [tilespmem:s6+$0xFFFFFFB0];
	v0 =	vadd.s32 v9, v0  }
0xc1: {  	v5 =	vmov s24  }
0xc2: {  	v5 =	vshrl.u32 v5, $0x3  }
0xc3: {  	v5 =	vshll.u32 v5, v1  }
0xc4: {  	[tilespmem:v3+s0+$0x0] =	vst.idx.msk $0xffff, v2;
	v2 =	vbroadcast v5, $0x0  }
0xc5: {  	[tilespmem:v0+s0+$0x0] =	vst.idx.msk $0xffff, v4  }
0xc6: {  	v0 =	vld [tilespmem:s6+$0xFFFFFFC0];
	v3 =	vadd.s32 v16, v2  }
0xc7: {  	s14 =	sadd.s32 $0x3, s11;
	v4 =	vld [tilespmem:s6+$0xFFFFFFD0];
	v2 =	vadd.s32 v11, v2  }
0xc8: {  	v5 =	vmov s14  }
0xc9: {  	v5 =	vshrl.u32 v5, $0x3  }
0xca: {  	v5 =	vshll.u32 v5, v1  }
0xcb: {  	[tilespmem:v3+s0+$0x0] =	vst.idx.msk $0xffff, v0;
	v0 =	vbroadcast v5, $0x0  }
0xcc: {  	[tilespmem:v2+s0+$0x0] =	vst.idx.msk $0xffff, v4  }
0xcd: {  	v2 =	vld [tilespmem:s6+$0xFFFFFFE0];
	v3 =	vadd.s32 v10, v0  }
0xce: {  	s18 =	sadd.s32 $0x4, s11;
	v4 =	vld [tilespmem:s6+$0xFFFFFFF0];
	v0 =	vadd.s32 v13, v0  }
0xcf: {  	v5 =	vmov s18  }
0xd0: {  	v5 =	vshrl.u32 v5, $0x3  }
0xd1: {  	v5 =	vshll.u32 v5, v1  }
0xd2: {  	[tilespmem:v3+s0+$0x0] =	vst.idx.msk $0xffff, v2;
	v2 =	vbroadcast v5, $0x0  }
0xd3: {  	[tilespmem:v0+s0+$0x0] =	vst.idx.msk $0xffff, v4  }
0xd4: {  	v0 =	vld [tilespmem:s6+$0x0];
	v3 =	vadd.s32 v12, v2  }
0xd5: {  	s24 =	sadd.s32 $0x5, s11;
	v4 =	vld [tilespmem:s6+$0x10];
	v2 =	vadd.s32 v14, v2  }
0xd6: {  	v5 =	vmov s24  }
0xd7: {  	v5 =	vshrl.u32 v5, $0x3  }
0xd8: {  	v5 =	vshll.u32 v5, v1  }
0xd9: {  	[tilespmem:v3+s0+$0x0] =	vst.idx.msk $0xffff, v0;
	v0 =	vbroadcast v5, $0x0  }
0xda: {  	[tilespmem:v2+s0+$0x0] =	vst.idx.msk $0xffff, v4  }
0xdb: {  	v2 =	vld [tilespmem:s6+$0x20];
	v3 =	vadd.s32 v17, v0  }
0xdc: {  	s14 =	sadd.s32 $0x6, s11;
	v4 =	vld [tilespmem:s6+$0x30];
	v0 =	vadd.s32 v15, v0  }
0xdd: {  	v5 =	vmov s14  }
0xde: {  	v5 =	vshrl.u32 v5, $0x3  }
0xdf: {  	v5 =	vshll.u32 v5, v1  }
0xe0: {  	[tilespmem:v3+s0+$0x0] =	vst.idx.msk $0xffff, v2;
	v2 =	vbroadcast v5, $0x0  }
0xe1: {  	[tilespmem:v0+s0+$0x0] =	vst.idx.msk $0xffff, v4  }
0xe2: {  	v0 =	vld [tilespmem:s6+$0x40];
	v3 =	vadd.s32 v18, v2  }
0xe3: {  	s18 =	sadd.s32 $0x7, s11;
	v4 =	vld [tilespmem:s6+$0x50];
	v2 =	vadd.s32 v19, v2  }
0xe4: {  	v5 =	vmov s18  }
0xe5: {  	v5 =	vshrl.u32 v5, $0x3  }
0xe6: {  	v5 =	vshll.u32 v5, v1  }
0xe7: {  	[tilespmem:v3+s0+$0x0] =	vst.idx.msk $0xffff, v0;
	v0 =	vbroadcast v5, $0x0  }
0xe8: {  	[tilespmem:v2+s0+$0x0] =	vst.idx.msk $0xffff, v4  }
0xe9: {  	v2 =	vld [tilespmem:s6+$0x60];
	v3 =	vadd.s32 v20, v0  }
0xea: {  	s24 =	simm.s32 $0x0;
	v4 =	vld [tilespmem:s6+$0x70];
	v0 =	vadd.s32 v21, v0  }
0xeb: {  	v5 =	vmov s24  }
0xec: {  	v10 =	vld [tilespmem:$0x1FF00];
	v5 =	vshrl.u32 v5, $0x3  }
0xed: {  	v5 =	vshll.u32 v5, $0x3  }
0xee: {  	v5 =	vbroadcast v5, $0x0;
	[tilespmem:v3+s0+$0x0] =	vst.idx.msk $0xffff, v2  }
0xef: {  	s7 =	simm.s32 $0x14F0;
	[tilespmem:v0+s0+$0x0] =	vst.idx.msk $0xffff, v4  }
0xf0: {  	v2 =	vadd.s32 v22, v5;
	v0 =	vld [tilespmem:s7+$0xFFFFFF10]  }
0xf1: {  	v4 =	vadd.s32 v10, v5;
	v3 =	vld [tilespmem:s7+$0xFFFFFF20]  }
0xf2: {  	v12 =	vld [tilespmem:$0x1FFB0]  }
0xf3: {  	v17 =	vld [tilespmem:$0x1FFC0];
	_ =	sdelay $0x1  }
0xf4: {  	[tilespmem:v2+s0+$0x0] =	vst.idx.msk $0xffff, v0  }
0xf5: {  	[tilespmem:v4+s0+$0x0] =	vst.idx.msk $0xffff, v3  }
0xf6: {  	v2 =	vadd.s32 v12, v5;
	v0 =	vld [tilespmem:s7+$0xFFFFFF30]  }
0xf7: {  	v4 =	vadd.s32 v17, v5;
	v3 =	vld [tilespmem:s7+$0xFFFFFF40]  }
0xf8: {  	v18 =	vld [tilespmem:$0x1FFD0]  }
0xf9: {  	v16 =	vld [tilespmem:$0x1FFE0];
	_ =	sdelay $0x1  }
0xfa: {  	[tilespmem:v2+s0+$0x0] =	vst.idx.msk $0xffff, v0  }
0xfb: {  	[tilespmem:v4+s0+$0x0] =	vst.idx.msk $0xffff, v3  }
0xfc: {  	v2 =	vadd.s32 v18, v5;
	v0 =	vld [tilespmem:s7+$0xFFFFFF50]  }
0xfd: {  	v4 =	vadd.s32 v16, v5;
	v3 =	vld [tilespmem:s7+$0xFFFFFF60];
	_ =	sdelay $0x3  }
0xfe: {  	[tilespmem:v2+s0+$0x0] =	vst.idx.msk $0xffff, v0  }
0xff: {  	[tilespmem:v4+s0+$0x0] =	vst.idx.msk $0xffff, v3  }
0x100: {  	v2 =	vadd.s32 v23, v5;
	v0 =	vld [tilespmem:s7+$0xFFFFFF70]  }
0x101: {  	v4 =	vadd.s32 v24, v5;
	v3 =	vld [tilespmem:s7+$0xFFFFFF80];
	_ =	sdelay $0x3  }
0x102: {  	[tilespmem:v2+s0+$0x0] =	vst.idx.msk $0xffff, v0  }
0x103: {  	[tilespmem:v4+s0+$0x0] =	vst.idx.msk $0xffff, v3  }
0x104: {  	v2 =	vadd.s32 v25, v5;
	v0 =	vld [tilespmem:s7+$0xFFFFFF90]  }
0x105: {  	v4 =	vadd.s32 v26, v5;
	v3 =	vld [tilespmem:s7+$0xFFFFFFA0];
	_ =	sdelay $0x3  }
0x106: {  	[tilespmem:v2+s0+$0x0] =	vst.idx.msk $0xffff, v0  }
0x107: {  	[tilespmem:v4+s0+$0x0] =	vst.idx.msk $0xffff, v3  }
0x108: {  	v2 =	vadd.s32 v27, v5;
	v0 =	vld [tilespmem:s7+$0xFFFFFFB0]  }
0x109: {  	v4 =	vadd.s32 v28, v5;
	v3 =	vld [tilespmem:s7+$0xFFFFFFC0];
	_ =	sdelay $0x3  }
0x10a: {  	[tilespmem:v2+s0+$0x0] =	vst.idx.msk $0xffff, v0  }
0x10b: {  	[tilespmem:v4+s0+$0x0] =	vst.idx.msk $0xffff, v3  }
0x10c: {  	v2 =	vadd.s32 v29, v5;
	v0 =	vld [tilespmem:s7+$0xFFFFFFD0]  }
0x10d: {  	v4 =	vadd.s32 v30, v5;
	v3 =	vld [tilespmem:s7+$0xFFFFFFE0]  }
0x10e: {  	p2 =	por $0x1, $0x1  }
.Ltmp3:
0x10f: {  	_ = 	snop;
	(pc) =	sbr.rel @!p2 .LBB2_7-.Ltmp3, $4  }
0x110: {  	_ = 	snop  }
0x111: {  	[tilespmem:v2+s0+$0x0] =	vst.idx.msk $0xffff, v0  }
0x112: {  	[tilespmem:v4+s0+$0x0] =	vst.idx.msk $0xffff, v3  }
0x113: {  	[tilespmem:$0x1FEA0] =	vst v5;
	v0 =	vadd.s32 v32, v5;
	v3 =	vadd.s32 v31, v5;
	v2 =	vld [tilespmem:s7+$0xFFFFFFF0]  }
0x114: {  	s11 =	simm.s32 $0x8;
	v4 =	vld [tilespmem:s7+$0x0]  }
0x115: {  	v5 =	vmov s11  }
0x116: {  	v5 =	vshrl.u32 v5, $0x3  }
0x117: {  	v5 =	vshll.u32 v5, $0x3  }
0x118: {  	v5 =	vbroadcast v5, $0x0;
	[tilespmem:v3+s0+$0x0] =	vst.idx.msk $0xffff, v2  }
0x119: {  	s7 =	simm.s32 $0x15F0;
	[tilespmem:v0+s0+$0x0] =	vst.idx.msk $0xffff, v4  }
0x11a: {  	v0 =	vld [tilespmem:s7+$0xFFFFFF10];
	v2 =	vadd.s32 v22, v5  }
0x11b: {  	v3 =	vld [tilespmem:s7+$0xFFFFFF20];
	v4 =	vadd.s32 v10, v5;
	_ =	sdelay $0x3  }
0x11c: {  	[tilespmem:v2+s0+$0x0] =	vst.idx.msk $0xffff, v0  }
0x11d: {  	[tilespmem:v4+s0+$0x0] =	vst.idx.msk $0xffff, v3  }
0x11e: {  	v2 =	vadd.s32 v12, v5;
	v0 =	vld [tilespmem:s7+$0xFFFFFF30]  }
0x11f: {  	v4 =	vadd.s32 v17, v5;
	v3 =	vld [tilespmem:s7+$0xFFFFFF40];
	_ =	sdelay $0x3  }
0x120: {  	[tilespmem:v2+s0+$0x0] =	vst.idx.msk $0xffff, v0  }
0x121: {  	[tilespmem:v4+s0+$0x0] =	vst.idx.msk $0xffff, v3  }
0x122: {  	v2 =	vadd.s32 v18, v5;
	v0 =	vld [tilespmem:s7+$0xFFFFFF50]  }
0x123: {  	v4 =	vadd.s32 v16, v5;
	v3 =	vld [tilespmem:s7+$0xFFFFFF60];
	_ =	sdelay $0x3  }
0x124: {  	[tilespmem:v2+s0+$0x0] =	vst.idx.msk $0xffff, v0  }
0x125: {  	[tilespmem:v4+s0+$0x0] =	vst.idx.msk $0xffff, v3  }
0x126: {  	v2 =	vadd.s32 v23, v5;
	v0 =	vld [tilespmem:s7+$0xFFFFFF70]  }
0x127: {  	v4 =	vadd.s32 v24, v5;
	v3 =	vld [tilespmem:s7+$0xFFFFFF80];
	_ =	sdelay $0x3  }
0x128: {  	[tilespmem:v2+s0+$0x0] =	vst.idx.msk $0xffff, v0  }
0x129: {  	[tilespmem:v4+s0+$0x0] =	vst.idx.msk $0xffff, v3  }
0x12a: {  	v2 =	vadd.s32 v25, v5;
	v0 =	vld [tilespmem:s7+$0xFFFFFF90]  }
0x12b: {  	v4 =	vadd.s32 v26, v5;
	v3 =	vld [tilespmem:s7+$0xFFFFFFA0];
	_ =	sdelay $0x3  }
0x12c: {  	[tilespmem:v2+s0+$0x0] =	vst.idx.msk $0xffff, v0  }
0x12d: {  	[tilespmem:v4+s0+$0x0] =	vst.idx.msk $0xffff, v3  }
0x12e: {  	v2 =	vadd.s32 v27, v5;
	v0 =	vld [tilespmem:s7+$0xFFFFFFB0]  }
0x12f: {  	v4 =	vadd.s32 v28, v5;
	v3 =	vld [tilespmem:s7+$0xFFFFFFC0];
	_ =	sdelay $0x3  }
0x130: {  	[tilespmem:v2+s0+$0x0] =	vst.idx.msk $0xffff, v0  }
0x131: {  	[tilespmem:v4+s0+$0x0] =	vst.idx.msk $0xffff, v3  }
0x132: {  	v2 =	vadd.s32 v29, v5;
	v0 =	vld [tilespmem:s7+$0xFFFFFFD0]  }
0x133: {  	v4 =	vadd.s32 v30, v5;
	v3 =	vld [tilespmem:s7+$0xFFFFFFE0]  }
0x134: {  	p3 =	por $0x1, $0x1  }
.Ltmp4:
0x135: {  	_ = 	snop;
	(pc) =	sbr.rel @!p3 .LBB2_7-.Ltmp4, $4  }
0x136: {  	_ = 	snop  }
0x137: {  	[tilespmem:v2+s0+$0x0] =	vst.idx.msk $0xffff, v0  }
0x138: {  	[tilespmem:v4+s0+$0x0] =	vst.idx.msk $0xffff, v3  }
0x139: {  	v0 =	vadd.s32 v32, v5;
	v3 =	vadd.s32 v31, v5;
	v2 =	vld [tilespmem:s7+$0xFFFFFFF0]  }
.LBB2_6:
0x13a: {  	s11 =	sadd.s32 $0x8, s11;
	v4 =	vld [tilespmem:s7+$0x0]  }
0x13b: {  	v5 =	vmov s11;
	p3 =	slt.u32 s11, $0x78  }
0x13c: {  	v5 =	vshrl.u32 v5, $0x3  }
0x13d: {  	v5 =	vshll.u32 v5, $0x3  }
0x13e: {  	v5 =	vbroadcast v5, $0x0;
	[tilespmem:v3+s0+$0x0] =	vst.idx.msk $0xffff, v2  }
0x13f: {  	s7 =	sadd.s32 $0x100, s7;
	[tilespmem:v0+s0+$0x0] =	vst.idx.msk $0xffff, v4  }
0x140: {  	v2 =	vld [tilespmem:s7+$0xFFFFFF10];
	v3 =	vadd.s32 v22, v5;
	v0 =	vadd.s32 v32, v5  }
0x141: {  	v6 =	vadd.s32 v10, v5;
	v4 =	vld [tilespmem:s7+$0xFFFFFF20];
	_ =	sdelay $0x3  }
0x142: {  	[tilespmem:v3+s0+$0x0] =	vst.idx.msk $0xffff, v2  }
0x143: {  	[tilespmem:v6+s0+$0x0] =	vst.idx.msk $0xffff, v4  }
0x144: {  	v3 =	vadd.s32 v12, v5;
	v2 =	vld [tilespmem:s7+$0xFFFFFF30]  }
0x145: {  	v6 =	vadd.s32 v17, v5;
	v4 =	vld [tilespmem:s7+$0xFFFFFF40];
	_ =	sdelay $0x3  }
0x146: {  	[tilespmem:v3+s0+$0x0] =	vst.idx.msk $0xffff, v2  }
0x147: {  	[tilespmem:v6+s0+$0x0] =	vst.idx.msk $0xffff, v4  }
0x148: {  	v3 =	vadd.s32 v18, v5;
	v2 =	vld [tilespmem:s7+$0xFFFFFF50]  }
0x149: {  	v6 =	vadd.s32 v16, v5;
	v4 =	vld [tilespmem:s7+$0xFFFFFF60];
	_ =	sdelay $0x3  }
0x14a: {  	[tilespmem:v3+s0+$0x0] =	vst.idx.msk $0xffff, v2  }
0x14b: {  	[tilespmem:v6+s0+$0x0] =	vst.idx.msk $0xffff, v4  }
0x14c: {  	v3 =	vadd.s32 v23, v5;
	v2 =	vld [tilespmem:s7+$0xFFFFFF70]  }
0x14d: {  	v6 =	vadd.s32 v24, v5;
	v4 =	vld [tilespmem:s7+$0xFFFFFF80];
	_ =	sdelay $0x3  }
0x14e: {  	[tilespmem:v3+s0+$0x0] =	vst.idx.msk $0xffff, v2  }
0x14f: {  	[tilespmem:v6+s0+$0x0] =	vst.idx.msk $0xffff, v4  }
0x150: {  	v3 =	vadd.s32 v25, v5;
	v2 =	vld [tilespmem:s7+$0xFFFFFF90]  }
0x151: {  	v6 =	vadd.s32 v26, v5;
	v4 =	vld [tilespmem:s7+$0xFFFFFFA0];
	_ =	sdelay $0x3  }
0x152: {  	[tilespmem:v3+s0+$0x0] =	vst.idx.msk $0xffff, v2  }
0x153: {  	[tilespmem:v6+s0+$0x0] =	vst.idx.msk $0xffff, v4  }
0x154: {  	v3 =	vadd.s32 v27, v5;
	v2 =	vld [tilespmem:s7+$0xFFFFFFB0]  }
0x155: {  	v6 =	vadd.s32 v28, v5;
	v4 =	vld [tilespmem:s7+$0xFFFFFFC0];
	_ =	sdelay $0x3  }
0x156: {  	[tilespmem:v3+s0+$0x0] =	vst.idx.msk $0xffff, v2  }
0x157: {  	[tilespmem:v6+s0+$0x0] =	vst.idx.msk $0xffff, v4  }
0x158: {  	v3 =	vadd.s32 v29, v5;
	v2 =	vld [tilespmem:s7+$0xFFFFFFD0]  }
0x159: {  	v6 =	vadd.s32 v30, v5;
	v4 =	vld [tilespmem:s7+$0xFFFFFFE0];
	_ =	sdelay $0x1  }
.Ltmp5:
0x15a: {  	(pc) =	sbr.rel @p3 .LBB2_6-.Ltmp5, $4  }
0x15b: {  	_ = 	snop  }
0x15c: {  	[tilespmem:v3+s0+$0x0] =	vst.idx.msk $0xffff, v2  }
0x15d: {  	[tilespmem:v6+s0+$0x0] =	vst.idx.msk $0xffff, v4  }
0x15e: {  	v3 =	vadd.s32 v31, v5;
	v2 =	vld [tilespmem:s7+$0xFFFFFFF0]  }
.LBB2_7:
0x15f: {  	v4 =	vld [tilespmem:s7+$0x0]  }
0x160: {  	v5 =	vld [tilespmem:$0x1FEA0];
	_ =	sdelay $0x2  }
0x161: {  	[tilespmem:v3+s0+$0x0] =	vst.idx.msk $0xffff, v2  }
0x162: {  	s7 =	simm.s32 $0x24F0;
	[tilespmem:v0+s0+$0x0] =	vst.idx.msk $0xffff, v4  }
0x163: {  	v2 =	vadd.s32 v33, v5;
	v0 =	vld [tilespmem:s7+$0xFFFFFF10]  }
0x164: {  	v4 =	vadd.s32 v34, v5;
	v3 =	vld [tilespmem:s7+$0xFFFFFF20];
	_ =	sdelay $0x3  }
0x165: {  	[tilespmem:v2+s0+$0x0] =	vst.idx.msk $0xffff, v0  }
0x166: {  	[tilespmem:v4+s0+$0x0] =	vst.idx.msk $0xffff, v3  }
0x167: {  	v2 =	vadd.s32 v35, v5;
	v0 =	vld [tilespmem:s7+$0xFFFFFF30]  }
0x168: {  	v4 =	vadd.s32 v36, v5;
	v3 =	vld [tilespmem:s7+$0xFFFFFF40];
	_ =	sdelay $0x3  }
0x169: {  	[tilespmem:v2+s0+$0x0] =	vst.idx.msk $0xffff, v0  }
0x16a: {  	[tilespmem:v4+s0+$0x0] =	vst.idx.msk $0xffff, v3  }
0x16b: {  	v2 =	vadd.s32 v37, v5;
	v0 =	vld [tilespmem:s7+$0xFFFFFF50]  }
0x16c: {  	v4 =	vadd.s32 v38, v5;
	v3 =	vld [tilespmem:s7+$0xFFFFFF60];
	_ =	sdelay $0x3  }
0x16d: {  	[tilespmem:v2+s0+$0x0] =	vst.idx.msk $0xffff, v0  }
0x16e: {  	[tilespmem:v4+s0+$0x0] =	vst.idx.msk $0xffff, v3  }
0x16f: {  	v2 =	vadd.s32 v39, v5;
	v0 =	vld [tilespmem:s7+$0xFFFFFF70]  }
0x170: {  	v4 =	vadd.s32 v40, v5;
	v3 =	vld [tilespmem:s7+$0xFFFFFF80];
	_ =	sdelay $0x3  }
0x171: {  	[tilespmem:v2+s0+$0x0] =	vst.idx.msk $0xffff, v0  }
0x172: {  	[tilespmem:v4+s0+$0x0] =	vst.idx.msk $0xffff, v3  }
0x173: {  	v2 =	vadd.s32 v41, v5;
	v0 =	vld [tilespmem:s7+$0xFFFFFF90]  }
0x174: {  	v4 =	vadd.s32 v42, v5;
	v3 =	vld [tilespmem:s7+$0xFFFFFFA0];
	_ =	sdelay $0x3  }
0x175: {  	[tilespmem:v2+s0+$0x0] =	vst.idx.msk $0xffff, v0  }
0x176: {  	[tilespmem:v4+s0+$0x0] =	vst.idx.msk $0xffff, v3  }
0x177: {  	v2 =	vadd.s32 v43, v5;
	v0 =	vld [tilespmem:s7+$0xFFFFFFB0]  }
0x178: {  	v4 =	vadd.s32 v44, v5;
	v3 =	vld [tilespmem:s7+$0xFFFFFFC0];
	_ =	sdelay $0x3  }
0x179: {  	[tilespmem:v2+s0+$0x0] =	vst.idx.msk $0xffff, v0  }
0x17a: {  	[tilespmem:v4+s0+$0x0] =	vst.idx.msk $0xffff, v3  }
0x17b: {  	v2 =	vadd.s32 v45, v5;
	v0 =	vld [tilespmem:s7+$0xFFFFFFD0]  }
0x17c: {  	v4 =	vadd.s32 v46, v5;
	v3 =	vld [tilespmem:s7+$0xFFFFFFE0];
	_ =	sdelay $0x1  }
.Ltmp6:
0x17d: {  	_ = 	snop;
	(pc) =	sbr.rel @!p2 .LBB2_8-.Ltmp6, $4  }
0x17e: {  	_ = 	snop  }
0x17f: {  	[tilespmem:v2+s0+$0x0] =	vst.idx.msk $0xffff, v0  }
0x180: {  	[tilespmem:v4+s0+$0x0] =	vst.idx.msk $0xffff, v3  }
0x181: {  	v0 =	vadd.s32 v48, v5;
	v3 =	vadd.s32 v47, v5;
	v2 =	vld [tilespmem:s7+$0xFFFFFFF0]  }
0x182: {  	s11 =	simm.s32 $0x8;
	v4 =	vld [tilespmem:s7+$0x0]  }
0x183: {  	v5 =	vmov s11  }
0x184: {  	v5 =	vshrl.u32 v5, $0x3  }
0x185: {  	v5 =	vshll.u32 v5, $0x3  }
0x186: {  	v5 =	vbroadcast v5, $0x0;
	[tilespmem:v3+s0+$0x0] =	vst.idx.msk $0xffff, v2  }
0x187: {  	s7 =	simm.s32 $0x25F0;
	[tilespmem:v0+s0+$0x0] =	vst.idx.msk $0xffff, v4  }
0x188: {  	v0 =	vld [tilespmem:s7+$0xFFFFFF10];
	v2 =	vadd.s32 v33, v5  }
0x189: {  	v3 =	vld [tilespmem:s7+$0xFFFFFF20];
	v4 =	vadd.s32 v34, v5;
	_ =	sdelay $0x3  }
0x18a: {  	[tilespmem:v2+s0+$0x0] =	vst.idx.msk $0xffff, v0  }
0x18b: {  	[tilespmem:v4+s0+$0x0] =	vst.idx.msk $0xffff, v3  }
0x18c: {  	v2 =	vadd.s32 v35, v5;
	v0 =	vld [tilespmem:s7+$0xFFFFFF30]  }
0x18d: {  	v4 =	vadd.s32 v36, v5;
	v3 =	vld [tilespmem:s7+$0xFFFFFF40];
	_ =	sdelay $0x3  }
0x18e: {  	[tilespmem:v2+s0+$0x0] =	vst.idx.msk $0xffff, v0  }
0x18f: {  	[tilespmem:v4+s0+$0x0] =	vst.idx.msk $0xffff, v3  }
0x190: {  	v2 =	vadd.s32 v37, v5;
	v0 =	vld [tilespmem:s7+$0xFFFFFF50]  }
0x191: {  	v4 =	vadd.s32 v38, v5;
	v3 =	vld [tilespmem:s7+$0xFFFFFF60];
	_ =	sdelay $0x3  }
0x192: {  	[tilespmem:v2+s0+$0x0] =	vst.idx.msk $0xffff, v0  }
0x193: {  	[tilespmem:v4+s0+$0x0] =	vst.idx.msk $0xffff, v3  }
0x194: {  	v2 =	vadd.s32 v39, v5;
	v0 =	vld [tilespmem:s7+$0xFFFFFF70]  }
0x195: {  	v4 =	vadd.s32 v40, v5;
	v3 =	vld [tilespmem:s7+$0xFFFFFF80];
	_ =	sdelay $0x3  }
0x196: {  	[tilespmem:v2+s0+$0x0] =	vst.idx.msk $0xffff, v0  }
0x197: {  	[tilespmem:v4+s0+$0x0] =	vst.idx.msk $0xffff, v3  }
0x198: {  	v2 =	vadd.s32 v41, v5;
	v0 =	vld [tilespmem:s7+$0xFFFFFF90]  }
0x199: {  	v4 =	vadd.s32 v42, v5;
	v3 =	vld [tilespmem:s7+$0xFFFFFFA0];
	_ =	sdelay $0x3  }
0x19a: {  	[tilespmem:v2+s0+$0x0] =	vst.idx.msk $0xffff, v0  }
0x19b: {  	[tilespmem:v4+s0+$0x0] =	vst.idx.msk $0xffff, v3  }
0x19c: {  	v2 =	vadd.s32 v43, v5;
	v0 =	vld [tilespmem:s7+$0xFFFFFFB0]  }
0x19d: {  	v4 =	vadd.s32 v44, v5;
	v3 =	vld [tilespmem:s7+$0xFFFFFFC0];
	_ =	sdelay $0x3  }
0x19e: {  	[tilespmem:v2+s0+$0x0] =	vst.idx.msk $0xffff, v0  }
0x19f: {  	[tilespmem:v4+s0+$0x0] =	vst.idx.msk $0xffff, v3  }
0x1a0: {  	v2 =	vadd.s32 v45, v5;
	v0 =	vld [tilespmem:s7+$0xFFFFFFD0]  }
0x1a1: {  	v4 =	vadd.s32 v46, v5;
	v3 =	vld [tilespmem:s7+$0xFFFFFFE0]  }
0x1a2: {  	p2 =	por $0x1, $0x1;
	v10 =	vld [tilespmem:$0x1FFF0]  }
.Ltmp7:
0x1a3: {  	v12 =	vld [tilespmem:$0x1FEC0];
	(pc) =	sbr.rel @!p2 .LBB2_11-.Ltmp7, $4  }
0x1a4: {  	v16 =	vld [tilespmem:$0x1FED0]  }
0x1a5: {  	v17 =	vld [tilespmem:$0x1FEE0];
	[tilespmem:v2+s0+$0x0] =	vst.idx.msk $0xffff, v0  }
0x1a6: {  	v18 =	vld [tilespmem:$0x1FEF0];
	[tilespmem:v4+s0+$0x0] =	vst.idx.msk $0xffff, v3  }
0x1a7: {  	v0 =	vadd.s32 v48, v5;
	v3 =	vadd.s32 v47, v5;
	v2 =	vld [tilespmem:s7+$0xFFFFFFF0]  }
.LBB2_10:
0x1a8: {  	s11 =	sadd.s32 $0x8, s11;
	v4 =	vld [tilespmem:s7+$0x0]  }
0x1a9: {  	v5 =	vmov s11;
	p2 =	slt.u32 s11, $0x78  }
0x1aa: {  	v5 =	vshrl.u32 v5, $0x3  }
0x1ab: {  	v5 =	vshll.u32 v5, $0x3  }
0x1ac: {  	v5 =	vbroadcast v5, $0x0;
	[tilespmem:v3+s0+$0x0] =	vst.idx.msk $0xffff, v2  }
0x1ad: {  	s7 =	sadd.s32 $0x100, s7;
	[tilespmem:v0+s0+$0x0] =	vst.idx.msk $0xffff, v4  }
0x1ae: {  	v2 =	vld [tilespmem:s7+$0xFFFFFF10];
	v3 =	vadd.s32 v33, v5;
	v0 =	vadd.s32 v48, v5  }
0x1af: {  	v6 =	vadd.s32 v34, v5;
	v4 =	vld [tilespmem:s7+$0xFFFFFF20];
	_ =	sdelay $0x3  }
0x1b0: {  	[tilespmem:v3+s0+$0x0] =	vst.idx.msk $0xffff, v2  }
0x1b1: {  	[tilespmem:v6+s0+$0x0] =	vst.idx.msk $0xffff, v4  }
0x1b2: {  	v3 =	vadd.s32 v35, v5;
	v2 =	vld [tilespmem:s7+$0xFFFFFF30]  }
0x1b3: {  	v6 =	vadd.s32 v36, v5;
	v4 =	vld [tilespmem:s7+$0xFFFFFF40];
	_ =	sdelay $0x3  }
0x1b4: {  	[tilespmem:v3+s0+$0x0] =	vst.idx.msk $0xffff, v2  }
0x1b5: {  	[tilespmem:v6+s0+$0x0] =	vst.idx.msk $0xffff, v4  }
0x1b6: {  	v3 =	vadd.s32 v37, v5;
	v2 =	vld [tilespmem:s7+$0xFFFFFF50]  }
0x1b7: {  	v6 =	vadd.s32 v38, v5;
	v4 =	vld [tilespmem:s7+$0xFFFFFF60];
	_ =	sdelay $0x3  }
0x1b8: {  	[tilespmem:v3+s0+$0x0] =	vst.idx.msk $0xffff, v2  }
0x1b9: {  	[tilespmem:v6+s0+$0x0] =	vst.idx.msk $0xffff, v4  }
0x1ba: {  	v3 =	vadd.s32 v39, v5;
	v2 =	vld [tilespmem:s7+$0xFFFFFF70]  }
0x1bb: {  	v6 =	vadd.s32 v40, v5;
	v4 =	vld [tilespmem:s7+$0xFFFFFF80];
	_ =	sdelay $0x3  }
0x1bc: {  	[tilespmem:v3+s0+$0x0] =	vst.idx.msk $0xffff, v2  }
0x1bd: {  	[tilespmem:v6+s0+$0x0] =	vst.idx.msk $0xffff, v4  }
0x1be: {  	v3 =	vadd.s32 v41, v5;
	v2 =	vld [tilespmem:s7+$0xFFFFFF90]  }
0x1bf: {  	v6 =	vadd.s32 v42, v5;
	v4 =	vld [tilespmem:s7+$0xFFFFFFA0];
	_ =	sdelay $0x3  }
0x1c0: {  	[tilespmem:v3+s0+$0x0] =	vst.idx.msk $0xffff, v2  }
0x1c1: {  	[tilespmem:v6+s0+$0x0] =	vst.idx.msk $0xffff, v4  }
0x1c2: {  	v3 =	vadd.s32 v43, v5;
	v2 =	vld [tilespmem:s7+$0xFFFFFFB0]  }
0x1c3: {  	v6 =	vadd.s32 v44, v5;
	v4 =	vld [tilespmem:s7+$0xFFFFFFC0];
	_ =	sdelay $0x3  }
0x1c4: {  	[tilespmem:v3+s0+$0x0] =	vst.idx.msk $0xffff, v2  }
0x1c5: {  	[tilespmem:v6+s0+$0x0] =	vst.idx.msk $0xffff, v4  }
0x1c6: {  	v3 =	vadd.s32 v45, v5;
	v2 =	vld [tilespmem:s7+$0xFFFFFFD0]  }
0x1c7: {  	v6 =	vadd.s32 v46, v5;
	v4 =	vld [tilespmem:s7+$0xFFFFFFE0];
	_ =	sdelay $0x1  }
.Ltmp8:
0x1c8: {  	(pc) =	sbr.rel @p2 .LBB2_10-.Ltmp8, $4  }
0x1c9: {  	_ = 	snop  }
0x1ca: {  	[tilespmem:v3+s0+$0x0] =	vst.idx.msk $0xffff, v2  }
0x1cb: {  	[tilespmem:v6+s0+$0x0] =	vst.idx.msk $0xffff, v4  }
0x1cc: {  	v3 =	vadd.s32 v47, v5;
	v2 =	vld [tilespmem:s7+$0xFFFFFFF0]  }
.LBB2_11:
0x1cd: {  	v4 =	vld [tilespmem:s7+$0x0];
	s7 =	simm.s32 $0x0  }
0x1ce: {  	v5 =	vmov s7  }
0x1cf: {  	v5 =	vshrl.u32 v5, $0x3  }
0x1d0: {  	v5 =	vshll.u32 v5, $0x3  }
0x1d1: {  	[tilespmem:v3+s0+$0x0] =	vst.idx.msk $0xffff, v2;
	v5 =	vbroadcast v5, $0x0  }
0x1d2: {  	s11 =	simm.s32 $0x34F0;
	[tilespmem:v0+s0+$0x0] =	vst.idx.msk $0xffff, v4  }
0x1d3: {  	v0 =	vld [tilespmem:s11+$0xFFFFFF10];
	v2 =	vadd.s32 v49, v5  }
0x1d4: {  	v3 =	vld [tilespmem:s11+$0xFFFFFF20];
	v4 =	vadd.s32 v50, v5;
	_ =	sdelay $0x3  }
0x1d5: {  	[tilespmem:v2+s0+$0x0] =	vst.idx.msk $0xffff, v0  }
0x1d6: {  	[tilespmem:v4+s0+$0x0] =	vst.idx.msk $0xffff, v3  }
0x1d7: {  	v2 =	vadd.s32 v51, v5;
	v0 =	vld [tilespmem:s11+$0xFFFFFF30]  }
0x1d8: {  	v4 =	vadd.s32 v52, v5;
	v3 =	vld [tilespmem:s11+$0xFFFFFF40];
	_ =	sdelay $0x3  }
0x1d9: {  	[tilespmem:v2+s0+$0x0] =	vst.idx.msk $0xffff, v0  }
0x1da: {  	[tilespmem:v4+s0+$0x0] =	vst.idx.msk $0xffff, v3  }
0x1db: {  	v2 =	vadd.s32 v53, v5;
	v0 =	vld [tilespmem:s11+$0xFFFFFF50]  }
0x1dc: {  	v4 =	vadd.s32 v54, v5;
	v3 =	vld [tilespmem:s11+$0xFFFFFF60];
	_ =	sdelay $0x3  }
0x1dd: {  	[tilespmem:v2+s0+$0x0] =	vst.idx.msk $0xffff, v0  }
0x1de: {  	[tilespmem:v4+s0+$0x0] =	vst.idx.msk $0xffff, v3  }
0x1df: {  	v2 =	vadd.s32 v55, v5;
	v0 =	vld [tilespmem:s11+$0xFFFFFF70]  }
0x1e0: {  	v4 =	vadd.s32 v56, v5;
	v3 =	vld [tilespmem:s11+$0xFFFFFF80];
	_ =	sdelay $0x3  }
0x1e1: {  	[tilespmem:v2+s0+$0x0] =	vst.idx.msk $0xffff, v0  }
0x1e2: {  	[tilespmem:v4+s0+$0x0] =	vst.idx.msk $0xffff, v3  }
0x1e3: {  	v2 =	vadd.s32 v57, v5;
	v0 =	vld [tilespmem:s11+$0xFFFFFF90]  }
0x1e4: {  	v4 =	vadd.s32 v58, v5;
	v3 =	vld [tilespmem:s11+$0xFFFFFFA0];
	_ =	sdelay $0x3  }
0x1e5: {  	[tilespmem:v2+s0+$0x0] =	vst.idx.msk $0xffff, v0  }
0x1e6: {  	[tilespmem:v4+s0+$0x0] =	vst.idx.msk $0xffff, v3  }
0x1e7: {  	v2 =	vadd.s32 v59, v5;
	v0 =	vld [tilespmem:s11+$0xFFFFFFB0]  }
0x1e8: {  	v4 =	vadd.s32 v60, v5;
	v3 =	vld [tilespmem:s11+$0xFFFFFFC0];
	_ =	sdelay $0x3  }
0x1e9: {  	[tilespmem:v2+s0+$0x0] =	vst.idx.msk $0xffff, v0  }
0x1ea: {  	[tilespmem:v4+s0+$0x0] =	vst.idx.msk $0xffff, v3  }
0x1eb: {  	v2 =	vadd.s32 v61, v5;
	v0 =	vld [tilespmem:s11+$0xFFFFFFD0]  }
0x1ec: {  	v4 =	vadd.s32 v62, v5;
	v3 =	vld [tilespmem:s11+$0xFFFFFFE0];
	_ =	sdelay $0x3  }
0x1ed: {  	[tilespmem:v2+s0+$0x0] =	vst.idx.msk $0xffff, v0  }
0x1ee: {  	v0 =	vadd.s32 $0x3B87, v7;
	[tilespmem:v4+s0+$0x0] =	vst.idx.msk $0xffff, v3  }
0x1ef: {  	v2 =	vadd.s32 v0, v5;
	v4 =	vadd.s32 v63, v5;
	v3 =	vld [tilespmem:s11+$0xFFFFFFF0]  }
.LBB2_12:
0x1f0: {  	s7 =	sadd.s32 $0x8, s7;
	v5 =	vld [tilespmem:s11+$0x0]  }
0x1f1: {  	v6 =	vmov s7;
	p2 =	slt.u32 s7, $0x78  }
0x1f2: {  	v6 =	vshrl.u32 v6, $0x3  }
0x1f3: {  	v6 =	vshll.u32 v6, $0x3  }
0x1f4: {  	v6 =	vbroadcast v6, $0x0;
	[tilespmem:v4+s0+$0x0] =	vst.idx.msk $0xffff, v3  }
0x1f5: {  	s11 =	sadd.s32 $0x100, s11;
	[tilespmem:v2+s0+$0x0] =	vst.idx.msk $0xffff, v5  }
0x1f6: {  	v3 =	vld [tilespmem:s11+$0xFFFFFF10];
	v4 =	vadd.s32 v49, v6;
	v2 =	vadd.s32 v0, v6  }
0x1f7: {  	v7 =	vadd.s32 v50, v6;
	v5 =	vld [tilespmem:s11+$0xFFFFFF20];
	_ =	sdelay $0x3  }
0x1f8: {  	[tilespmem:v4+s0+$0x0] =	vst.idx.msk $0xffff, v3  }
0x1f9: {  	[tilespmem:v7+s0+$0x0] =	vst.idx.msk $0xffff, v5  }
0x1fa: {  	v4 =	vadd.s32 v51, v6;
	v3 =	vld [tilespmem:s11+$0xFFFFFF30]  }
0x1fb: {  	v7 =	vadd.s32 v52, v6;
	v5 =	vld [tilespmem:s11+$0xFFFFFF40];
	_ =	sdelay $0x3  }
0x1fc: {  	[tilespmem:v4+s0+$0x0] =	vst.idx.msk $0xffff, v3  }
0x1fd: {  	[tilespmem:v7+s0+$0x0] =	vst.idx.msk $0xffff, v5  }
0x1fe: {  	v4 =	vadd.s32 v53, v6;
	v3 =	vld [tilespmem:s11+$0xFFFFFF50]  }
0x1ff: {  	v7 =	vadd.s32 v54, v6;
	v5 =	vld [tilespmem:s11+$0xFFFFFF60];
	_ =	sdelay $0x3  }
0x200: {  	[tilespmem:v4+s0+$0x0] =	vst.idx.msk $0xffff, v3  }
0x201: {  	[tilespmem:v7+s0+$0x0] =	vst.idx.msk $0xffff, v5  }
0x202: {  	v4 =	vadd.s32 v55, v6;
	v3 =	vld [tilespmem:s11+$0xFFFFFF70]  }
0x203: {  	v7 =	vadd.s32 v56, v6;
	v5 =	vld [tilespmem:s11+$0xFFFFFF80];
	_ =	sdelay $0x3  }
0x204: {  	[tilespmem:v4+s0+$0x0] =	vst.idx.msk $0xffff, v3  }
0x205: {  	[tilespmem:v7+s0+$0x0] =	vst.idx.msk $0xffff, v5  }
0x206: {  	v4 =	vadd.s32 v57, v6;
	v3 =	vld [tilespmem:s11+$0xFFFFFF90]  }
0x207: {  	v7 =	vadd.s32 v58, v6;
	v5 =	vld [tilespmem:s11+$0xFFFFFFA0];
	_ =	sdelay $0x3  }
0x208: {  	[tilespmem:v4+s0+$0x0] =	vst.idx.msk $0xffff, v3  }
0x209: {  	[tilespmem:v7+s0+$0x0] =	vst.idx.msk $0xffff, v5  }
0x20a: {  	v4 =	vadd.s32 v59, v6;
	v3 =	vld [tilespmem:s11+$0xFFFFFFB0]  }
0x20b: {  	v7 =	vadd.s32 v60, v6;
	v5 =	vld [tilespmem:s11+$0xFFFFFFC0];
	_ =	sdelay $0x3  }
0x20c: {  	[tilespmem:v4+s0+$0x0] =	vst.idx.msk $0xffff, v3  }
0x20d: {  	[tilespmem:v7+s0+$0x0] =	vst.idx.msk $0xffff, v5  }
0x20e: {  	v4 =	vadd.s32 v61, v6;
	v3 =	vld [tilespmem:s11+$0xFFFFFFD0]  }
0x20f: {  	v7 =	vadd.s32 v62, v6;
	v5 =	vld [tilespmem:s11+$0xFFFFFFE0];
	_ =	sdelay $0x1  }
.Ltmp9:
0x210: {  	(pc) =	sbr.rel @p2 .LBB2_12-.Ltmp9, $4  }
0x211: {  	_ = 	snop  }
0x212: {  	[tilespmem:v4+s0+$0x0] =	vst.idx.msk $0xffff, v3  }
0x213: {  	[tilespmem:v7+s0+$0x0] =	vst.idx.msk $0xffff, v5  }
0x214: {  	v4 =	vadd.s32 v63, v6;
	v3 =	vld [tilespmem:s11+$0xFFFFFFF0]  }
0x215: {  	v5 =	vld [tilespmem:s11+$0x0];
	_ =	sdelay $0x1  }
0x216: {  	s6 =	sshll.u32 s19, $0x14  }
0x217: {  	s6 =	sor.u32 s10, s6  }
0x218: {  	s6 =	sshrl.u32 s6, $0x3;
	[tilespmem:v4+s0+$0x0] =	vst.idx.msk $0xffff, v3  }
0x219: {  	s24 =	simm.s32 $0x8400;
	s7 =	sadd.s32 s1, s6;
	[tilespmem:v2+s0+$0x0] =	vst.idx.msk $0xffff, v5  }
0x21a: {  	[hbm4b:s7+s2] =	stream.linear.scatter [tilespmem:s24], [sflag:$0x5], $0x80, $0x38;
	[tilespmem:$0x10C00] =	vst v63  }
0x21b: {  	s11 =	simm.s32 $0x8488;
	s14 =	sadd.s32 $0x10, s7  }
0x21c: {  	[hbm4b:s14+s2] =	stream.linear.scatter [tilespmem:s11], [sflag:$0x5], $0x80, $0x38;
	[tilespmem:$0x10C00] =	vst v63  }
0x21d: {  	s18 =	simm.s32 $0x8510;
	s24 =	sadd.s32 $0x20, s7  }
0x21e: {  	[hbm4b:s24+s2] =	stream.linear.scatter [tilespmem:s18], [sflag:$0x5], $0x80, $0x38;
	[tilespmem:$0x10C00] =	vst v63  }
0x21f: {  	s11 =	simm.s32 $0x8598;
	s14 =	sadd.s32 $0x30, s7  }
0x220: {  	[hbm4b:s14+s2] =	stream.linear.scatter [tilespmem:s11], [sflag:$0x5], $0x80, $0x38;
	[tilespmem:$0x10C00] =	vst v63  }
0x221: {  	s18 =	simm.s32 $0x8620;
	s24 =	sadd.s32 $0x40, s7  }
0x222: {  	[hbm4b:s24+s2] =	stream.linear.scatter [tilespmem:s18], [sflag:$0x5], $0x80, $0x38;
	[tilespmem:$0x10C00] =	vst v63  }
0x223: {  	s6 =	simm.s32 $0x440;
	s11 =	simm.s32 $0x86A8;
	s14 =	sadd.s32 $0x50, s7  }
0x224: {  	[hbm4b:s14+s2] =	stream.linear.scatter [tilespmem:s11], [sflag:$0x5], $0x80, $0x38;
	[tilespmem:$0x10C00] =	vst v63  }
0x225: {  	s18 =	simm.s32 $0x8730;
	s24 =	sadd.s32 $0x60, s7;
	s11 =	simm.s32 $0x2200  }
0x226: {  	[hbm4b:s24+s2] =	stream.linear.scatter [tilespmem:s18], [sflag:$0x5], $0x80, $0x38;
	[tilespmem:$0x10C00] =	vst v63  }
0x227: {  	v9 =	vmov v8;
	s14 =	simm.s32 $0x87B8;
	s18 =	sadd.s32 $0x70, s7;
	s7 =	sadd.s32 $0x1000, s7  }
.LBB2_14:
0x228: {  	[hbm4b:s18+s2] =	stream.linear.scatter [tilespmem:s14], [sflag:$0x5], $0x80, $0x38;
	[tilespmem:$0x10C00] =	vst v63  }
0x229: {  	s14 =	smov.u32 s6;
	s6 =	smov.u32 s11  }
0x22a: {  	s24 =	sadd.s32 $0x1100, s11;
	s6 =	sshra.s32 s6, $0x2;
	s18 =	sadd.s32 $0x8400, s14  }
0x22b: {  	[hbm4b:s7+s2] =	stream.linear.scatter [tilespmem:s18], [sflag:$0x5], $0x80, $0x38;
	[tilespmem:$0x10C00] =	vst v63  }
0x22c: {  	p2 =	sne.s32 s11, $0xFF00;
	s11 =	sadd.s32 $0x8488, s14;
	s18 =	sadd.s32 $0x10, s7  }
0x22d: {  	[hbm4b:s18+s2] =	stream.linear.scatter [tilespmem:s11], [sflag:$0x5], $0x80, $0x38;
	[tilespmem:$0x10C00] =	vst v63  }
0x22e: {  	s11 =	sadd.s32 $0x8510, s14;
	s18 =	sadd.s32 $0x20, s7  }
0x22f: {  	[hbm4b:s18+s2] =	stream.linear.scatter [tilespmem:s11], [sflag:$0x5], $0x80, $0x38;
	[tilespmem:$0x10C00] =	vst v63  }
0x230: {  	s11 =	sadd.s32 $0x8598, s14;
	s18 =	sadd.s32 $0x30, s7  }
0x231: {  	[hbm4b:s18+s2] =	stream.linear.scatter [tilespmem:s11], [sflag:$0x5], $0x80, $0x38;
	[tilespmem:$0x10C00] =	vst v63  }
0x232: {  	s11 =	sadd.s32 $0x8620, s14;
	s18 =	sadd.s32 $0x40, s7  }
0x233: {  	[hbm4b:s18+s2] =	stream.linear.scatter [tilespmem:s11], [sflag:$0x5], $0x80, $0x38;
	[tilespmem:$0x10C00] =	vst v63  }
.Ltmp10:
0x234: {  	s11 =	sadd.s32 $0x86A8, s14;
	s18 =	sadd.s32 $0x50, s7;
	(pc) =	sbr.rel @p2 .LBB2_14-.Ltmp10, $4  }
0x235: {  	[hbm4b:s18+s2] =	stream.linear.scatter [tilespmem:s11], [sflag:$0x5], $0x80, $0x38;
	[tilespmem:$0x10C00] =	vst v63  }
0x236: {  	s11 =	sadd.s32 $0x8730, s14;
	s18 =	sadd.s32 $0x60, s7;
	s14 =	sadd.s32 $0x87B8, s14  }
0x237: {  	[hbm4b:s18+s2] =	stream.linear.scatter [tilespmem:s11], [sflag:$0x5], $0x80, $0x38;
	[tilespmem:$0x10C00] =	vst v63  }
0x238: {  	s18 =	sadd.s32 $0x70, s7;
	s7 =	sadd.s32 $0x1000, s7;
	s11 =	smov.u32 s24  }
0x239: {  	[hbm4b:s18+s2] =	stream.linear.scatter [tilespmem:s14], [sflag:$0x5], $0x80, $0x38;
	[tilespmem:$0x10C00] =	vst v63  }
0x23a: {  	s11 =	sadd.s32 $0x8400, s6  }
0x23b: {  	[hbm4b:s7+s2] =	stream.linear.scatter [tilespmem:s11], [sflag:$0x5], $0x80, $0x38;
	[tilespmem:$0x10C00] =	vst v63  }
0x23c: {  	s18 =	sadd.s32 $0x8488, s6;
	s24 =	sadd.s32 $0x10, s7  }
0x23d: {  	[hbm4b:s24+s2] =	stream.linear.scatter [tilespmem:s18], [sflag:$0x5], $0x80, $0x38;
	[tilespmem:$0x10C00] =	vst v63  }
0x23e: {  	s18 =	sadd.s32 $0x8510, s6;
	s24 =	sadd.s32 $0x20, s7  }
0x23f: {  	[hbm4b:s24+s2] =	stream.linear.scatter [tilespmem:s18], [sflag:$0x5], $0x80, $0x38;
	[tilespmem:$0x10C00] =	vst v63  }
0x240: {  	s18 =	sadd.s32 $0x8598, s6;
	s24 =	sadd.s32 $0x30, s7  }
0x241: {  	[hbm4b:s24+s2] =	stream.linear.scatter [tilespmem:s18], [sflag:$0x5], $0x80, $0x38;
	[tilespmem:$0x10C00] =	vst v63  }
0x242: {  	s18 =	sadd.s32 $0x8620, s6;
	s24 =	sadd.s32 $0x40, s7  }
0x243: {  	[hbm4b:s24+s2] =	stream.linear.scatter [tilespmem:s18], [sflag:$0x5], $0x80, $0x38;
	[tilespmem:$0x10C00] =	vst v63  }
0x244: {  	s18 =	sadd.s32 $0x86A8, s6;
	s24 =	sadd.s32 $0x50, s7  }
0x245: {  	[hbm4b:s24+s2] =	stream.linear.scatter [tilespmem:s18], [sflag:$0x5], $0x80, $0x38;
	[tilespmem:$0x10C00] =	vst v63  }
0x246: {  	s18 =	sadd.s32 $0x8730, s6;
	s24 =	sadd.s32 $0x60, s7  }
0x247: {  	[hbm4b:s24+s2] =	stream.linear.scatter [tilespmem:s18], [sflag:$0x5], $0x80, $0x38;
	[tilespmem:$0x10C00] =	vst v63  }
0x248: {  	s14 =	sadd.s32 $0x70, s7;
	s11 =	sadd.s32 $0x87B8, s6  }
0x249: {  	[hbm4b:s14+s2] =	stream.linear.scatter [tilespmem:s11], [sflag:$0x5], $0x80, $0x38;
	[tilespmem:$0x10C00] =	vst v63  }
0x24a: {  	s13 =	sor.u32 $0x1, s13;
	_ =	swait.ge [sflag:s3], $0x4000  }
0x24b: {  	p2 =	sgt.u32 s13, $0x30;
	[sflag:s3] =	ssyncset.done $0x0  }
0x24c: {  	s6 =	simm.s32 @!p2 $0x1;
	[sflag:s3] =	ssyncadd.s32 $0xFFFFC000  }
0x24d: {  	_ =	swait.ge @!p2 [sflag:s6], $0x200  }
0x24e: {  	s7 =	simm.s32 @!p2 $0x0;
	[sflag:s6] =	ssyncset.done @!p2 $0x0  }
0x24f: {  	s11 =	simm.s32 @!p2 $0x400;
	[sflag:s6] =	ssyncadd.s32 @!p2 $0xFFFFFE00;
	s6 =	simm.s32 @!p2 $0x80  }
0x250: {  	[tilespmem:s11], [sflag:$0x3] =	stream.indirect.gather @!p2 [hbm4b:s5+s6], $0x20, s7, s6, $0xb8;
	[tilespmem:$0x10C00] =	vst v63  }
0x251: {  	s7 =	simm.s32 @!p2 $0x1400  }
0x252: {  	[tilespmem:s7], [sflag:$0x3] =	stream.indirect.gather @!p2 [hbm4b:s5+s6], $0x20, s6, s6, $0xb8;
	[tilespmem:$0x10C00] =	vst v63  }
0x253: {  	s11 =	simm.s32 @!p2 $0x2400;
	s7 =	simm.s32 @!p2 $0x100  }
0x254: {  	[tilespmem:s11], [sflag:$0x3] =	stream.indirect.gather @!p2 [hbm4b:s5+s6], $0x20, s7, s6, $0xb8;
	[tilespmem:$0x10C00] =	vst v63  }
0x255: {  	s7 =	simm.s32 @!p2 $0x180;
	s11 =	simm.s32 @!p2 $0x3400  }
0x256: {  	[tilespmem:s11], [sflag:$0x3] =	stream.indirect.gather @!p2 [hbm4b:s5+s6], $0x20, s7, s6, $0xb8;
	[tilespmem:$0x10C00] =	vst v63  }
0x257: {  	s6 =	sadd.s32 @!p0 s9, s20  }
0x258: {  	s18 =	simm.s32 $0x0;
	s14 =	simm.s32 @!p0 $0x200;
	s6 =	sshrl.u32 @!p0 s6, $0x3  }
0x259: {  	v2 =	vmov s18;
	v7 =	vld [tilespmem:$0x1FF10];
	s7 =	simm.s32 @!p0 $0x80;
	s11 =	simm.s32 @!p0 $0x1000;
	s6 =	sadd.s32 @!p0 s4, s6  }
0x25a: {  	v2 =	vshrl.u32 v2, $0x3;
	v8 =	vld [tilespmem:$0x1FF20];
	[tilespmem:s14], [sflag:$0x2] =	stream.strided.gather @!p0 [hbm4b:s6+s7], $0x200, s11, s7, $0x38  }
0x25b: {  	v2 =	vshll.u32 v2, v1;
	_ =	swait.ge @p1 [sflag:s17], $0x4000  }
0x25c: {  	v2 =	vbroadcast v2, $0x0;
	[sflag:s17] =	ssyncset.done @p1 $0x0  }
0x25d: {  	s7 =	simm.s32 $0x4480;
	[sflag:s17] =	ssyncadd.s32 @p1 $0xFFFFC000  }
0x25e: {  	v4 =	vadd.s32 v7, v2;
	v3 =	vld [tilespmem:s7+$0xFFFFFF80]  }
0x25f: {  	v2 =	vadd.s32 v8, v2;
	s20 =	simm.s32 $0x1;
	v5 =	vld [tilespmem:s7+$0xFFFFFF90]  }
0x260: {  	v6 =	vmov s20  }
0x261: {  	v11 =	vmov v10;
	v6 =	vshrl.u32 v6, $0x3;
	v10 =	vld [tilespmem:$0x1FF30]  }
0x262: {  	v6 =	vshll.u32 v6, v1  }
0x263: {  	[tilespmem:v4+s15+$0x0] =	vst.idx.msk $0xffff, v3;
	v3 =	vbroadcast v6, $0x0  }
0x264: {  	[tilespmem:v2+s15+$0x0] =	vst.idx.msk $0xffff, v5  }
0x265: {  	v2 =	vld [tilespmem:s7+$0xFFFFFFA0];
	v4 =	vadd.s32 v9, v3  }
0x266: {  	s24 =	simm.s32 $0x2;
	v5 =	vld [tilespmem:s7+$0xFFFFFFB0];
	v3 =	vadd.s32 v10, v3  }
0x267: {  	v6 =	vmov s24  }
0x268: {  	v13 =	vmov v12;
	v12 =	vld [tilespmem:$0x1FF40];
	v6 =	vshrl.u32 v6, $0x3  }
0x269: {  	v6 =	vshll.u32 v6, v1  }
0x26a: {  	[tilespmem:v4+s15+$0x0] =	vst.idx.msk $0xffff, v2;
	v2 =	vbroadcast v6, $0x0  }
0x26b: {  	[tilespmem:v3+s15+$0x0] =	vst.idx.msk $0xffff, v5  }
0x26c: {  	v3 =	vld [tilespmem:s7+$0xFFFFFFC0];
	v4 =	vadd.s32 v11, v2  }
0x26d: {  	s11 =	simm.s32 $0x3;
	v5 =	vld [tilespmem:s7+$0xFFFFFFD0];
	v2 =	vadd.s32 v12, v2  }
0x26e: {  	v6 =	vmov s11  }
0x26f: {  	v15 =	vmov v17;
	v17 =	vld [tilespmem:$0x1FF50];
	v6 =	vshrl.u32 v6, $0x3  }
0x270: {  	v6 =	vshll.u32 v6, v1  }
0x271: {  	[tilespmem:v4+s15+$0x0] =	vst.idx.msk $0xffff, v3;
	v3 =	vbroadcast v6, $0x0  }
0x272: {  	[tilespmem:v2+s15+$0x0] =	vst.idx.msk $0xffff, v5  }
0x273: {  	v2 =	vld [tilespmem:s7+$0xFFFFFFE0];
	v4 =	vadd.s32 v13, v3  }
0x274: {  	s14 =	simm.s32 $0x4;
	v5 =	vld [tilespmem:s7+$0xFFFFFFF0];
	v3 =	vadd.s32 v17, v3  }
0x275: {  	v6 =	vmov s14  }
0x276: {  	v19 =	vmov v18;
	v18 =	vld [tilespmem:$0x1FF60];
	v6 =	vshrl.u32 v6, $0x3  }
0x277: {  	v6 =	vshll.u32 v6, v1  }
0x278: {  	[tilespmem:v4+s15+$0x0] =	vst.idx.msk $0xffff, v2;
	v2 =	vbroadcast v6, $0x0  }
0x279: {  	v14 =	vmov v16;
	[tilespmem:v3+s15+$0x0] =	vst.idx.msk $0xffff, v5  }
0x27a: {  	v3 =	vld [tilespmem:s7+$0x0];
	v4 =	vadd.s32 v14, v2  }
0x27b: {  	s18 =	simm.s32 $0x5;
	v5 =	vld [tilespmem:s7+$0x10];
	v2 =	vadd.s32 v18, v2  }
0x27c: {  	v6 =	vmov s18  }
0x27d: {  	v16 =	vld [tilespmem:$0x1FF70];
	v6 =	vshrl.u32 v6, $0x3  }
0x27e: {  	v6 =	vshll.u32 v6, v1  }
0x27f: {  	[tilespmem:v4+s15+$0x0] =	vst.idx.msk $0xffff, v3;
	v3 =	vbroadcast v6, $0x0  }
0x280: {  	[tilespmem:v2+s15+$0x0] =	vst.idx.msk $0xffff, v5  }
0x281: {  	v2 =	vld [tilespmem:s7+$0x20];
	v4 =	vadd.s32 v15, v3  }
0x282: {  	s20 =	simm.s32 $0x6;
	v5 =	vld [tilespmem:s7+$0x30];
	v3 =	vadd.s32 v16, v3  }
0x283: {  	v6 =	vmov s20  }
0x284: {  	v21 =	vmov v20;
	v20 =	vld [tilespmem:$0x1FF80];
	v6 =	vshrl.u32 v6, $0x3  }
0x285: {  	v6 =	vshll.u32 v6, v1  }
0x286: {  	[tilespmem:v4+s15+$0x0] =	vst.idx.msk $0xffff, v2;
	v2 =	vbroadcast v6, $0x0  }
0x287: {  	[tilespmem:v3+s15+$0x0] =	vst.idx.msk $0xffff, v5  }
0x288: {  	v3 =	vld [tilespmem:s7+$0x40];
	v4 =	vadd.s32 v19, v2  }
0x289: {  	s24 =	simm.s32 $0x7;
	v5 =	vld [tilespmem:s7+$0x50];
	v2 =	vadd.s32 v20, v2  }
0x28a: {  	v6 =	vmov s24  }
0x28b: {  	v6 =	vshrl.u32 v6, $0x3  }
0x28c: {  	v22 =	vld [tilespmem:$0x1FF90];
	v6 =	vshll.u32 v6, v1  }
0x28d: {  	[tilespmem:v4+s15+$0x0] =	vst.idx.msk $0xffff, v3;
	v4 =	vbroadcast v6, $0x0  }
0x28e: {  	[tilespmem:v2+s15+$0x0] =	vst.idx.msk $0xffff, v5  }
0x28f: {  	v5 =	vld [tilespmem:s7+$0x60];
	v6 =	vadd.s32 v21, v4  }
0x290: {  	s11 =	simm.s32 $0x8  }
0x291: {  	v2 =	vmov s11;
	v3 =	vld [tilespmem:s7+$0x70];
	v4 =	vadd.s32 v22, v4  }
0x292: {  	v2 =	vshrl.u32 v2, $0x3  }
0x293: {  	v2 =	vshll.u32 v2, v1  }
0x294: {  	s6 =	simm.s32 $0x10;
	v2 =	vbroadcast v2, $0x0;
	[tilespmem:v6+s15+$0x0] =	vst.idx.msk $0xffff, v5  }
.LBB2_16:
0x295: {  	p0 =	slt.u32 s6, $0x78  }
0x296: {  	[tilespmem:v4+s15+$0x0] =	vst.idx.msk $0xffff, v3;
	s7 =	sadd.s32 $0x100, s7;
	s14 =	smov.u32 s6;
	s6 =	sadd.s32 $0x8, s6  }
0x297: {  	v3 =	vld [tilespmem:s7+$0xFFFFFF80];
	v4 =	vadd.s32 v7, v2  }
0x298: {  	s18 =	sadd.s32 $0x1, s11;
	v2 =	vadd.s32 v8, v2;
	v5 =	vld [tilespmem:s7+$0xFFFFFF90]  }
0x299: {  	v6 =	vmov s18  }
0x29a: {  	v6 =	vshrl.u32 v6, $0x3  }
0x29b: {  	v6 =	vshll.u32 v6, v1  }
0x29c: {  	[tilespmem:v4+s15+$0x0] =	vst.idx.msk $0xffff, v3;
	v3 =	vbroadcast v6, $0x0  }
0x29d: {  	[tilespmem:v2+s15+$0x0] =	vst.idx.msk $0xffff, v5  }
0x29e: {  	v2 =	vld [tilespmem:s7+$0xFFFFFFA0];
	v4 =	vadd.s32 v9, v3  }
0x29f: {  	s18 =	sadd.s32 $0x2, s11;
	v3 =	vadd.s32 v10, v3;
	v5 =	vld [tilespmem:s7+$0xFFFFFFB0]  }
0x2a0: {  	v6 =	vmov s18  }
0x2a1: {  	v6 =	vshrl.u32 v6, $0x3  }
0x2a2: {  	v6 =	vshll.u32 v6, v1  }
0x2a3: {  	[tilespmem:v4+s15+$0x0] =	vst.idx.msk $0xffff, v2;
	v2 =	vbroadcast v6, $0x0  }
0x2a4: {  	[tilespmem:v3+s15+$0x0] =	vst.idx.msk $0xffff, v5  }
0x2a5: {  	v3 =	vld [tilespmem:s7+$0xFFFFFFC0];
	v4 =	vadd.s32 v11, v2  }
0x2a6: {  	s18 =	sadd.s32 $0x3, s11;
	v2 =	vadd.s32 v12, v2;
	v5 =	vld [tilespmem:s7+$0xFFFFFFD0]  }
0x2a7: {  	v6 =	vmov s18  }
0x2a8: {  	v6 =	vshrl.u32 v6, $0x3  }
0x2a9: {  	v6 =	vshll.u32 v6, v1  }
0x2aa: {  	[tilespmem:v4+s15+$0x0] =	vst.idx.msk $0xffff, v3;
	v3 =	vbroadcast v6, $0x0  }
0x2ab: {  	[tilespmem:v2+s15+$0x0] =	vst.idx.msk $0xffff, v5  }
0x2ac: {  	v2 =	vld [tilespmem:s7+$0xFFFFFFE0];
	v4 =	vadd.s32 v13, v3  }
0x2ad: {  	s18 =	sadd.s32 $0x4, s11;
	v3 =	vadd.s32 v17, v3;
	v5 =	vld [tilespmem:s7+$0xFFFFFFF0]  }
0x2ae: {  	v6 =	vmov s18  }
0x2af: {  	v6 =	vshrl.u32 v6, $0x3  }
0x2b0: {  	v6 =	vshll.u32 v6, v1  }
0x2b1: {  	[tilespmem:v4+s15+$0x0] =	vst.idx.msk $0xffff, v2;
	v2 =	vbroadcast v6, $0x0  }
0x2b2: {  	[tilespmem:v3+s15+$0x0] =	vst.idx.msk $0xffff, v5  }
0x2b3: {  	v3 =	vld [tilespmem:s7+$0x0];
	v4 =	vadd.s32 v14, v2  }
0x2b4: {  	s18 =	sadd.s32 $0x5, s11;
	v2 =	vadd.s32 v18, v2;
	v5 =	vld [tilespmem:s7+$0x10]  }
0x2b5: {  	v6 =	vmov s18  }
0x2b6: {  	v6 =	vshrl.u32 v6, $0x3  }
0x2b7: {  	v6 =	vshll.u32 v6, v1  }
0x2b8: {  	[tilespmem:v4+s15+$0x0] =	vst.idx.msk $0xffff, v3;
	v3 =	vbroadcast v6, $0x0  }
0x2b9: {  	[tilespmem:v2+s15+$0x0] =	vst.idx.msk $0xffff, v5  }
0x2ba: {  	v2 =	vld [tilespmem:s7+$0x20];
	v4 =	vadd.s32 v15, v3  }
0x2bb: {  	s18 =	sadd.s32 $0x6, s11;
	v3 =	vadd.s32 v16, v3;
	v5 =	vld [tilespmem:s7+$0x30]  }
0x2bc: {  	v6 =	vmov s18  }
0x2bd: {  	v6 =	vshrl.u32 v6, $0x3  }
0x2be: {  	v6 =	vshll.u32 v6, v1  }
0x2bf: {  	[tilespmem:v4+s15+$0x0] =	vst.idx.msk $0xffff, v2;
	v2 =	vbroadcast v6, $0x0  }
0x2c0: {  	[tilespmem:v3+s15+$0x0] =	vst.idx.msk $0xffff, v5  }
0x2c1: {  	v3 =	vld [tilespmem:s7+$0x40];
	v4 =	vadd.s32 v19, v2  }
0x2c2: {  	s18 =	sadd.s32 $0x7, s11;
	s11 =	smov.u32 s14;
	v2 =	vadd.s32 v20, v2;
	v5 =	vld [tilespmem:s7+$0x50]  }
0x2c3: {  	v6 =	vmov s18  }
0x2c4: {  	v6 =	vshrl.u32 v6, $0x3  }
0x2c5: {  	v6 =	vshll.u32 v6, v1  }
0x2c6: {  	[tilespmem:v4+s15+$0x0] =	vst.idx.msk $0xffff, v3;
	v4 =	vbroadcast v6, $0x0  }
0x2c7: {  	[tilespmem:v2+s15+$0x0] =	vst.idx.msk $0xffff, v5  }
0x2c8: {  	v5 =	vld [tilespmem:s7+$0x60];
	v6 =	vadd.s32 v21, v4  }
.Ltmp11:
0x2c9: {  	v4 =	vadd.s32 v22, v4;
	v3 =	vld [tilespmem:s7+$0x70];
	(pc) =	sbr.rel @p0 .LBB2_16-.Ltmp11, $4  }
0x2ca: {  	v2 =	vmov s11  }
0x2cb: {  	v2 =	vshrl.u32 v2, $0x3  }
0x2cc: {  	v2 =	vshll.u32 v2, v1  }
0x2cd: {  	v2 =	vbroadcast v2, $0x0;
	[tilespmem:v6+s15+$0x0] =	vst.idx.msk $0xffff, v5  }
0x2ce: {  	_ =	sdelay $0x3  }
0x2cf: {  	[tilespmem:v4+s15+$0x0] =	vst.idx.msk $0xffff, v3;
	s6 =	sadd.s32 $0x100, s7  }
0x2d0: {  	v3 =	vld [tilespmem:s6+$0xFFFFFF80];
	v4 =	vadd.s32 v7, v2  }
0x2d1: {  	s14 =	sadd.s32 $0x1, s11;
	v5 =	vld [tilespmem:s6+$0xFFFFFF90];
	v2 =	vadd.s32 v8, v2  }
0x2d2: {  	v6 =	vmov s14  }
0x2d3: {  	v6 =	vshrl.u32 v6, $0x3  }
0x2d4: {  	v6 =	vshll.u32 v6, v1  }
0x2d5: {  	[tilespmem:v4+s15+$0x0] =	vst.idx.msk $0xffff, v3;
	v3 =	vbroadcast v6, $0x0  }
0x2d6: {  	[tilespmem:v2+s15+$0x0] =	vst.idx.msk $0xffff, v5  }
0x2d7: {  	v2 =	vld [tilespmem:s6+$0xFFFFFFA0];
	v4 =	vadd.s32 v9, v3  }
0x2d8: {  	s18 =	sadd.s32 $0x2, s11;
	v5 =	vld [tilespmem:s6+$0xFFFFFFB0];
	v3 =	vadd.s32 v10, v3  }
0x2d9: {  	v6 =	vmov s18  }
0x2da: {  	v6 =	vshrl.u32 v6, $0x3  }
0x2db: {  	v6 =	vshll.u32 v6, v1  }
0x2dc: {  	[tilespmem:v4+s15+$0x0] =	vst.idx.msk $0xffff, v2;
	v2 =	vbroadcast v6, $0x0  }
0x2dd: {  	[tilespmem:v3+s15+$0x0] =	vst.idx.msk $0xffff, v5  }
0x2de: {  	v3 =	vld [tilespmem:s6+$0xFFFFFFC0];
	v4 =	vadd.s32 v11, v2  }
0x2df: {  	s20 =	sadd.s32 $0x3, s11;
	v5 =	vld [tilespmem:s6+$0xFFFFFFD0];
	v2 =	vadd.s32 v12, v2  }
0x2e0: {  	v6 =	vmov s20  }
0x2e1: {  	v6 =	vshrl.u32 v6, $0x3  }
0x2e2: {  	v6 =	vshll.u32 v6, v1  }
0x2e3: {  	[tilespmem:v4+s15+$0x0] =	vst.idx.msk $0xffff, v3;
	v3 =	vbroadcast v6, $0x0  }
0x2e4: {  	[tilespmem:v2+s15+$0x0] =	vst.idx.msk $0xffff, v5  }
0x2e5: {  	v2 =	vld [tilespmem:s6+$0xFFFFFFE0];
	v4 =	vadd.s32 v13, v3  }
0x2e6: {  	s24 =	sadd.s32 $0x4, s11;
	v5 =	vld [tilespmem:s6+$0xFFFFFFF0];
	v3 =	vadd.s32 v17, v3  }
0x2e7: {  	v6 =	vmov s24  }
0x2e8: {  	v6 =	vshrl.u32 v6, $0x3  }
0x2e9: {  	v6 =	vshll.u32 v6, v1  }
0x2ea: {  	[tilespmem:v4+s15+$0x0] =	vst.idx.msk $0xffff, v2;
	v2 =	vbroadcast v6, $0x0  }
0x2eb: {  	[tilespmem:v3+s15+$0x0] =	vst.idx.msk $0xffff, v5  }
0x2ec: {  	v3 =	vld [tilespmem:s6+$0x0];
	v4 =	vadd.s32 v14, v2  }
0x2ed: {  	s14 =	sadd.s32 $0x5, s11;
	v5 =	vld [tilespmem:s6+$0x10];
	v2 =	vadd.s32 v18, v2  }
0x2ee: {  	v6 =	vmov s14  }
0x2ef: {  	v6 =	vshrl.u32 v6, $0x3  }
0x2f0: {  	v6 =	vshll.u32 v6, v1  }
0x2f1: {  	[tilespmem:v4+s15+$0x0] =	vst.idx.msk $0xffff, v3;
	v3 =	vbroadcast v6, $0x0  }
0x2f2: {  	[tilespmem:v2+s15+$0x0] =	vst.idx.msk $0xffff, v5  }
0x2f3: {  	v2 =	vld [tilespmem:s6+$0x20];
	v4 =	vadd.s32 v15, v3  }
0x2f4: {  	s18 =	sadd.s32 $0x6, s11;
	v5 =	vld [tilespmem:s6+$0x30];
	v3 =	vadd.s32 v16, v3  }
0x2f5: {  	v6 =	vmov s18  }
0x2f6: {  	v6 =	vshrl.u32 v6, $0x3  }
0x2f7: {  	v6 =	vshll.u32 v6, v1  }
0x2f8: {  	[tilespmem:v4+s15+$0x0] =	vst.idx.msk $0xffff, v2;
	v2 =	vbroadcast v6, $0x0  }
0x2f9: {  	[tilespmem:v3+s15+$0x0] =	vst.idx.msk $0xffff, v5  }
0x2fa: {  	v3 =	vld [tilespmem:s6+$0x40];
	v4 =	vadd.s32 v19, v2  }
0x2fb: {  	s20 =	sadd.s32 $0x7, s11;
	v5 =	vld [tilespmem:s6+$0x50];
	v2 =	vadd.s32 v20, v2  }
0x2fc: {  	v6 =	vmov s20  }
0x2fd: {  	v6 =	vshrl.u32 v6, $0x3  }
0x2fe: {  	v6 =	vshll.u32 v6, v1  }
0x2ff: {  	[tilespmem:v4+s15+$0x0] =	vst.idx.msk $0xffff, v3;
	v3 =	vbroadcast v6, $0x0  }
0x300: {  	[tilespmem:v2+s15+$0x0] =	vst.idx.msk $0xffff, v5  }
0x301: {  	v2 =	vld [tilespmem:s6+$0x60];
	v4 =	vadd.s32 v21, v3  }
0x302: {  	s24 =	simm.s32 $0x0;
	v5 =	vld [tilespmem:s6+$0x70];
	v3 =	vadd.s32 v22, v3  }
0x303: {  	v6 =	vmov s24;
	v22 =	vld [tilespmem:$0x1FFA0]  }
0x304: {  	v7 =	vld [tilespmem:$0x1FF00];
	v6 =	vshrl.u32 v6, $0x3  }
0x305: {  	v6 =	vshll.u32 v6, $0x3  }
0x306: {  	v6 =	vbroadcast v6, $0x0;
	[tilespmem:v4+s15+$0x0] =	vst.idx.msk $0xffff, v2  }
0x307: {  	s7 =	simm.s32 $0x54F0;
	[tilespmem:v3+s15+$0x0] =	vst.idx.msk $0xffff, v5  }
0x308: {  	v3 =	vadd.s32 v22, v6;
	v2 =	vld [tilespmem:s7+$0xFFFFFF10]  }
0x309: {  	v5 =	vadd.s32 v7, v6;
	v4 =	vld [tilespmem:s7+$0xFFFFFF20]  }
0x30a: {  	v10 =	vld [tilespmem:$0x1FFB0]  }
0x30b: {  	v12 =	vld [tilespmem:$0x1FFC0];
	_ =	sdelay $0x1  }
0x30c: {  	[tilespmem:v3+s15+$0x0] =	vst.idx.msk $0xffff, v2  }
0x30d: {  	[tilespmem:v5+s15+$0x0] =	vst.idx.msk $0xffff, v4  }
0x30e: {  	v3 =	vadd.s32 v10, v6;
	v2 =	vld [tilespmem:s7+$0xFFFFFF30]  }
0x30f: {  	v5 =	vadd.s32 v12, v6;
	v4 =	vld [tilespmem:s7+$0xFFFFFF40]  }
0x310: {  	v17 =	vld [tilespmem:$0x1FFD0]  }
0x311: {  	v18 =	vld [tilespmem:$0x1FFE0];
	_ =	sdelay $0x1  }
0x312: {  	[tilespmem:v3+s15+$0x0] =	vst.idx.msk $0xffff, v2  }
0x313: {  	[tilespmem:v5+s15+$0x0] =	vst.idx.msk $0xffff, v4  }
0x314: {  	v3 =	vadd.s32 v17, v6;
	v2 =	vld [tilespmem:s7+$0xFFFFFF50]  }
0x315: {  	v5 =	vadd.s32 v18, v6;
	v4 =	vld [tilespmem:s7+$0xFFFFFF60];
	_ =	sdelay $0x3  }
0x316: {  	[tilespmem:v3+s15+$0x0] =	vst.idx.msk $0xffff, v2  }
0x317: {  	[tilespmem:v5+s15+$0x0] =	vst.idx.msk $0xffff, v4  }
0x318: {  	v3 =	vadd.s32 v23, v6;
	v2 =	vld [tilespmem:s7+$0xFFFFFF70]  }
0x319: {  	v5 =	vadd.s32 v24, v6;
	v4 =	vld [tilespmem:s7+$0xFFFFFF80];
	_ =	sdelay $0x3  }
0x31a: {  	[tilespmem:v3+s15+$0x0] =	vst.idx.msk $0xffff, v2  }
0x31b: {  	[tilespmem:v5+s15+$0x0] =	vst.idx.msk $0xffff, v4  }
0x31c: {  	v3 =	vadd.s32 v25, v6;
	v2 =	vld [tilespmem:s7+$0xFFFFFF90]  }
0x31d: {  	v5 =	vadd.s32 v26, v6;
	v4 =	vld [tilespmem:s7+$0xFFFFFFA0];
	_ =	sdelay $0x3  }
0x31e: {  	[tilespmem:v3+s15+$0x0] =	vst.idx.msk $0xffff, v2  }
0x31f: {  	[tilespmem:v5+s15+$0x0] =	vst.idx.msk $0xffff, v4  }
0x320: {  	v3 =	vadd.s32 v27, v6;
	v2 =	vld [tilespmem:s7+$0xFFFFFFB0]  }
0x321: {  	v5 =	vadd.s32 v28, v6;
	v4 =	vld [tilespmem:s7+$0xFFFFFFC0];
	_ =	sdelay $0x3  }
0x322: {  	[tilespmem:v3+s15+$0x0] =	vst.idx.msk $0xffff, v2  }
0x323: {  	[tilespmem:v5+s15+$0x0] =	vst.idx.msk $0xffff, v4  }
0x324: {  	v3 =	vadd.s32 v29, v6;
	v2 =	vld [tilespmem:s7+$0xFFFFFFD0]  }
0x325: {  	v5 =	vadd.s32 v30, v6;
	v4 =	vld [tilespmem:s7+$0xFFFFFFE0]  }
0x326: {  	p0 =	por $0x1, $0x1  }
.Ltmp12:
0x327: {  	_ = 	snop;
	(pc) =	sbr.rel @!p0 .LBB2_20-.Ltmp12, $4  }
0x328: {  	_ = 	snop  }
0x329: {  	[tilespmem:v3+s15+$0x0] =	vst.idx.msk $0xffff, v2  }
0x32a: {  	v8 =	vmov v9;
	[tilespmem:v5+s15+$0x0] =	vst.idx.msk $0xffff, v4  }
0x32b: {  	v16 =	vmovc v11;
	v20 =	vmov v21;
	[tilespmem:$0x1FE90] =	vst v6;
	v2 =	vadd.s32 v32, v6;
	v4 =	vadd.s32 v31, v6;
	v3 =	vld [tilespmem:s7+$0xFFFFFFF0]  }
0x32c: {  	s11 =	simm.s32 $0x8;
	v5 =	vld [tilespmem:s7+$0x0]  }
0x32d: {  	v6 =	vmov s11  }
0x32e: {  	v6 =	vshrl.u32 v6, $0x3  }
0x32f: {  	v6 =	vshll.u32 v6, $0x3  }
0x330: {  	v6 =	vbroadcast v6, $0x0;
	[tilespmem:v4+s15+$0x0] =	vst.idx.msk $0xffff, v3  }
0x331: {  	s7 =	simm.s32 $0x55F0;
	[tilespmem:v2+s15+$0x0] =	vst.idx.msk $0xffff, v5  }
0x332: {  	v2 =	vld [tilespmem:s7+$0xFFFFFF10];
	v3 =	vadd.s32 v22, v6  }
0x333: {  	v4 =	vld [tilespmem:s7+$0xFFFFFF20];
	v5 =	vadd.s32 v7, v6;
	_ =	sdelay $0x3  }
0x334: {  	[tilespmem:v3+s15+$0x0] =	vst.idx.msk $0xffff, v2  }
0x335: {  	[tilespmem:v5+s15+$0x0] =	vst.idx.msk $0xffff, v4  }
0x336: {  	v3 =	vadd.s32 v10, v6;
	v2 =	vld [tilespmem:s7+$0xFFFFFF30]  }
0x337: {  	v5 =	vadd.s32 v12, v6;
	v4 =	vld [tilespmem:s7+$0xFFFFFF40];
	_ =	sdelay $0x3  }
0x338: {  	[tilespmem:v3+s15+$0x0] =	vst.idx.msk $0xffff, v2  }
0x339: {  	[tilespmem:v5+s15+$0x0] =	vst.idx.msk $0xffff, v4  }
0x33a: {  	v3 =	vadd.s32 v17, v6;
	v2 =	vld [tilespmem:s7+$0xFFFFFF50]  }
0x33b: {  	v5 =	vadd.s32 v18, v6;
	v4 =	vld [tilespmem:s7+$0xFFFFFF60];
	_ =	sdelay $0x3  }
0x33c: {  	[tilespmem:v3+s15+$0x0] =	vst.idx.msk $0xffff, v2  }
0x33d: {  	[tilespmem:v5+s15+$0x0] =	vst.idx.msk $0xffff, v4  }
0x33e: {  	v3 =	vadd.s32 v23, v6;
	v2 =	vld [tilespmem:s7+$0xFFFFFF70]  }
0x33f: {  	v5 =	vadd.s32 v24, v6;
	v4 =	vld [tilespmem:s7+$0xFFFFFF80];
	_ =	sdelay $0x3  }
0x340: {  	[tilespmem:v3+s15+$0x0] =	vst.idx.msk $0xffff, v2  }
0x341: {  	[tilespmem:v5+s15+$0x0] =	vst.idx.msk $0xffff, v4  }
0x342: {  	v3 =	vadd.s32 v25, v6;
	v2 =	vld [tilespmem:s7+$0xFFFFFF90]  }
0x343: {  	v5 =	vadd.s32 v26, v6;
	v4 =	vld [tilespmem:s7+$0xFFFFFFA0];
	_ =	sdelay $0x3  }
0x344: {  	[tilespmem:v3+s15+$0x0] =	vst.idx.msk $0xffff, v2  }
0x345: {  	[tilespmem:v5+s15+$0x0] =	vst.idx.msk $0xffff, v4  }
0x346: {  	v3 =	vadd.s32 v27, v6;
	v2 =	vld [tilespmem:s7+$0xFFFFFFB0]  }
0x347: {  	v5 =	vadd.s32 v28, v6;
	v4 =	vld [tilespmem:s7+$0xFFFFFFC0];
	_ =	sdelay $0x3  }
0x348: {  	[tilespmem:v3+s15+$0x0] =	vst.idx.msk $0xffff, v2  }
0x349: {  	[tilespmem:v5+s15+$0x0] =	vst.idx.msk $0xffff, v4  }
0x34a: {  	v3 =	vadd.s32 v29, v6;
	v2 =	vld [tilespmem:s7+$0xFFFFFFD0]  }
0x34b: {  	v5 =	vadd.s32 v30, v6;
	v4 =	vld [tilespmem:s7+$0xFFFFFFE0]  }
0x34c: {  	p1 =	por $0x1, $0x1  }
.Ltmp13:
0x34d: {  	_ = 	snop;
	(pc) =	sbr.rel @!p1 .LBB2_20-.Ltmp13, $4  }
0x34e: {  	_ = 	snop  }
0x34f: {  	[tilespmem:v3+s15+$0x0] =	vst.idx.msk $0xffff, v2  }
0x350: {  	[tilespmem:v5+s15+$0x0] =	vst.idx.msk $0xffff, v4  }
0x351: {  	v9 =	vmov v7;
	v2 =	vadd.s32 v32, v6;
	v4 =	vadd.s32 v31, v6;
	v3 =	vld [tilespmem:s7+$0xFFFFFFF0]  }
.LBB2_19:
0x352: {  	s11 =	sadd.s32 $0x8, s11;
	v5 =	vld [tilespmem:s7+$0x0]  }
0x353: {  	v6 =	vmov s11;
	p1 =	slt.u32 s11, $0x78  }
0x354: {  	v6 =	vshrl.u32 v6, $0x3  }
0x355: {  	v6 =	vshll.u32 v6, $0x3  }
0x356: {  	v6 =	vbroadcast v6, $0x0;
	[tilespmem:v4+s15+$0x0] =	vst.idx.msk $0xffff, v3  }
0x357: {  	s7 =	sadd.s32 $0x100, s7;
	[tilespmem:v2+s15+$0x0] =	vst.idx.msk $0xffff, v5  }
0x358: {  	v3 =	vld [tilespmem:s7+$0xFFFFFF10];
	v4 =	vadd.s32 v22, v6;
	v2 =	vadd.s32 v32, v6  }
0x359: {  	v7 =	vadd.s32 v9, v6;
	v5 =	vld [tilespmem:s7+$0xFFFFFF20];
	_ =	sdelay $0x3  }
0x35a: {  	[tilespmem:v4+s15+$0x0] =	vst.idx.msk $0xffff, v3  }
0x35b: {  	[tilespmem:v7+s15+$0x0] =	vst.idx.msk $0xffff, v5  }
0x35c: {  	v4 =	vadd.s32 v10, v6;
	v3 =	vld [tilespmem:s7+$0xFFFFFF30]  }
0x35d: {  	v7 =	vadd.s32 v12, v6;
	v5 =	vld [tilespmem:s7+$0xFFFFFF40];
	_ =	sdelay $0x3  }
0x35e: {  	[tilespmem:v4+s15+$0x0] =	vst.idx.msk $0xffff, v3  }
0x35f: {  	[tilespmem:v7+s15+$0x0] =	vst.idx.msk $0xffff, v5  }
0x360: {  	v4 =	vadd.s32 v17, v6;
	v3 =	vld [tilespmem:s7+$0xFFFFFF50]  }
0x361: {  	v7 =	vadd.s32 v18, v6;
	v5 =	vld [tilespmem:s7+$0xFFFFFF60];
	_ =	sdelay $0x3  }
0x362: {  	[tilespmem:v4+s15+$0x0] =	vst.idx.msk $0xffff, v3  }
0x363: {  	[tilespmem:v7+s15+$0x0] =	vst.idx.msk $0xffff, v5  }
0x364: {  	v4 =	vadd.s32 v23, v6;
	v3 =	vld [tilespmem:s7+$0xFFFFFF70]  }
0x365: {  	v7 =	vadd.s32 v24, v6;
	v5 =	vld [tilespmem:s7+$0xFFFFFF80];
	_ =	sdelay $0x3  }
0x366: {  	[tilespmem:v4+s15+$0x0] =	vst.idx.msk $0xffff, v3  }
0x367: {  	[tilespmem:v7+s15+$0x0] =	vst.idx.msk $0xffff, v5  }
0x368: {  	v4 =	vadd.s32 v25, v6;
	v3 =	vld [tilespmem:s7+$0xFFFFFF90]  }
0x369: {  	v7 =	vadd.s32 v26, v6;
	v5 =	vld [tilespmem:s7+$0xFFFFFFA0];
	_ =	sdelay $0x3  }
0x36a: {  	[tilespmem:v4+s15+$0x0] =	vst.idx.msk $0xffff, v3  }
0x36b: {  	[tilespmem:v7+s15+$0x0] =	vst.idx.msk $0xffff, v5  }
0x36c: {  	v4 =	vadd.s32 v27, v6;
	v3 =	vld [tilespmem:s7+$0xFFFFFFB0]  }
0x36d: {  	v7 =	vadd.s32 v28, v6;
	v5 =	vld [tilespmem:s7+$0xFFFFFFC0];
	_ =	sdelay $0x3  }
0x36e: {  	[tilespmem:v4+s15+$0x0] =	vst.idx.msk $0xffff, v3  }
0x36f: {  	[tilespmem:v7+s15+$0x0] =	vst.idx.msk $0xffff, v5  }
0x370: {  	v4 =	vadd.s32 v29, v6;
	v3 =	vld [tilespmem:s7+$0xFFFFFFD0]  }
0x371: {  	v7 =	vadd.s32 v30, v6;
	v5 =	vld [tilespmem:s7+$0xFFFFFFE0];
	_ =	sdelay $0x1  }
.Ltmp14:
0x372: {  	(pc) =	sbr.rel @p1 .LBB2_19-.Ltmp14, $4  }
0x373: {  	_ = 	snop  }
0x374: {  	[tilespmem:v4+s15+$0x0] =	vst.idx.msk $0xffff, v3  }
0x375: {  	[tilespmem:v7+s15+$0x0] =	vst.idx.msk $0xffff, v5  }
0x376: {  	v4 =	vadd.s32 v31, v6;
	v3 =	vld [tilespmem:s7+$0xFFFFFFF0]  }
.LBB2_20:
0x377: {  	v5 =	vld [tilespmem:s7+$0x0]  }
0x378: {  	v6 =	vld [tilespmem:$0x1FE90];
	_ =	sdelay $0x2  }
0x379: {  	[tilespmem:v4+s15+$0x0] =	vst.idx.msk $0xffff, v3  }
0x37a: {  	s7 =	simm.s32 $0x64F0;
	[tilespmem:v2+s15+$0x0] =	vst.idx.msk $0xffff, v5  }
0x37b: {  	v3 =	vadd.s32 v33, v6;
	v2 =	vld [tilespmem:s7+$0xFFFFFF10]  }
0x37c: {  	v5 =	vadd.s32 v34, v6;
	v4 =	vld [tilespmem:s7+$0xFFFFFF20];
	_ =	sdelay $0x3  }
0x37d: {  	[tilespmem:v3+s15+$0x0] =	vst.idx.msk $0xffff, v2  }
0x37e: {  	[tilespmem:v5+s15+$0x0] =	vst.idx.msk $0xffff, v4  }
0x37f: {  	v3 =	vadd.s32 v35, v6;
	v2 =	vld [tilespmem:s7+$0xFFFFFF30]  }
0x380: {  	v5 =	vadd.s32 v36, v6;
	v4 =	vld [tilespmem:s7+$0xFFFFFF40];
	_ =	sdelay $0x3  }
0x381: {  	[tilespmem:v3+s15+$0x0] =	vst.idx.msk $0xffff, v2  }
0x382: {  	[tilespmem:v5+s15+$0x0] =	vst.idx.msk $0xffff, v4  }
0x383: {  	v3 =	vadd.s32 v37, v6;
	v2 =	vld [tilespmem:s7+$0xFFFFFF50]  }
0x384: {  	v5 =	vadd.s32 v38, v6;
	v4 =	vld [tilespmem:s7+$0xFFFFFF60];
	_ =	sdelay $0x3  }
0x385: {  	[tilespmem:v3+s15+$0x0] =	vst.idx.msk $0xffff, v2  }
0x386: {  	[tilespmem:v5+s15+$0x0] =	vst.idx.msk $0xffff, v4  }
0x387: {  	v3 =	vadd.s32 v39, v6;
	v2 =	vld [tilespmem:s7+$0xFFFFFF70]  }
0x388: {  	v5 =	vadd.s32 v40, v6;
	v4 =	vld [tilespmem:s7+$0xFFFFFF80];
	_ =	sdelay $0x3  }
0x389: {  	[tilespmem:v3+s15+$0x0] =	vst.idx.msk $0xffff, v2  }
0x38a: {  	[tilespmem:v5+s15+$0x0] =	vst.idx.msk $0xffff, v4  }
0x38b: {  	v3 =	vadd.s32 v41, v6;
	v2 =	vld [tilespmem:s7+$0xFFFFFF90]  }
0x38c: {  	v5 =	vadd.s32 v42, v6;
	v4 =	vld [tilespmem:s7+$0xFFFFFFA0];
	_ =	sdelay $0x3  }
0x38d: {  	[tilespmem:v3+s15+$0x0] =	vst.idx.msk $0xffff, v2  }
0x38e: {  	[tilespmem:v5+s15+$0x0] =	vst.idx.msk $0xffff, v4  }
0x38f: {  	v3 =	vadd.s32 v43, v6;
	v2 =	vld [tilespmem:s7+$0xFFFFFFB0]  }
0x390: {  	v5 =	vadd.s32 v44, v6;
	v4 =	vld [tilespmem:s7+$0xFFFFFFC0];
	_ =	sdelay $0x3  }
0x391: {  	v9 =	vld [tilespmem:$0x1FF30];
	[tilespmem:v3+s15+$0x0] =	vst.idx.msk $0xffff, v2  }
0x392: {  	v11 =	vld [tilespmem:$0x1FF40];
	[tilespmem:v5+s15+$0x0] =	vst.idx.msk $0xffff, v4  }
0x393: {  	v3 =	vadd.s32 v45, v6;
	v2 =	vld [tilespmem:s7+$0xFFFFFFD0]  }
0x394: {  	v5 =	vadd.s32 v46, v6;
	v4 =	vld [tilespmem:s7+$0xFFFFFFE0]  }
0x395: {  	v13 =	vld [tilespmem:$0x1FF50]  }
.Ltmp15:
0x396: {  	v14 =	vld [tilespmem:$0x1FF60];
	(pc) =	sbr.rel @!p0 .LBB2_23-.Ltmp15, $4  }
0x397: {  	v15 =	vld [tilespmem:$0x1FF70]  }
0x398: {  	v19 =	vld [tilespmem:$0x1FF80];
	[tilespmem:v3+s15+$0x0] =	vst.idx.msk $0xffff, v2  }
0x399: {  	v21 =	vld [tilespmem:$0x1FF90];
	[tilespmem:v5+s15+$0x0] =	vst.idx.msk $0xffff, v4  }
0x39a: {  	v2 =	vadd.s32 v48, v6;
	v4 =	vadd.s32 v47, v6;
	v3 =	vld [tilespmem:s7+$0xFFFFFFF0]  }
0x39b: {  	s11 =	simm.s32 $0x8;
	v5 =	vld [tilespmem:s7+$0x0]  }
0x39c: {  	v6 =	vmov s11  }
0x39d: {  	v6 =	vshrl.u32 v6, $0x3  }
0x39e: {  	v6 =	vshll.u32 v6, $0x3  }
0x39f: {  	v6 =	vbroadcast v6, $0x0;
	[tilespmem:v4+s15+$0x0] =	vst.idx.msk $0xffff, v3  }
0x3a0: {  	s7 =	simm.s32 $0x65F0;
	[tilespmem:v2+s15+$0x0] =	vst.idx.msk $0xffff, v5  }
0x3a1: {  	v2 =	vld [tilespmem:s7+$0xFFFFFF10];
	v3 =	vadd.s32 v33, v6  }
0x3a2: {  	v4 =	vld [tilespmem:s7+$0xFFFFFF20];
	v5 =	vadd.s32 v34, v6;
	_ =	sdelay $0x3  }
0x3a3: {  	[tilespmem:v3+s15+$0x0] =	vst.idx.msk $0xffff, v2  }
0x3a4: {  	[tilespmem:v5+s15+$0x0] =	vst.idx.msk $0xffff, v4  }
0x3a5: {  	v3 =	vadd.s32 v35, v6;
	v2 =	vld [tilespmem:s7+$0xFFFFFF30]  }
0x3a6: {  	v5 =	vadd.s32 v36, v6;
	v4 =	vld [tilespmem:s7+$0xFFFFFF40];
	_ =	sdelay $0x3  }
0x3a7: {  	[tilespmem:v3+s15+$0x0] =	vst.idx.msk $0xffff, v2  }
0x3a8: {  	[tilespmem:v5+s15+$0x0] =	vst.idx.msk $0xffff, v4  }
0x3a9: {  	v3 =	vadd.s32 v37, v6;
	v2 =	vld [tilespmem:s7+$0xFFFFFF50]  }
0x3aa: {  	v5 =	vadd.s32 v38, v6;
	v4 =	vld [tilespmem:s7+$0xFFFFFF60];
	_ =	sdelay $0x3  }
0x3ab: {  	[tilespmem:v3+s15+$0x0] =	vst.idx.msk $0xffff, v2  }
0x3ac: {  	[tilespmem:v5+s15+$0x0] =	vst.idx.msk $0xffff, v4  }
0x3ad: {  	v3 =	vadd.s32 v39, v6;
	v2 =	vld [tilespmem:s7+$0xFFFFFF70]  }
0x3ae: {  	v5 =	vadd.s32 v40, v6;
	v4 =	vld [tilespmem:s7+$0xFFFFFF80];
	_ =	sdelay $0x3  }
0x3af: {  	[tilespmem:v3+s15+$0x0] =	vst.idx.msk $0xffff, v2  }
0x3b0: {  	[tilespmem:v5+s15+$0x0] =	vst.idx.msk $0xffff, v4  }
0x3b1: {  	v3 =	vadd.s32 v41, v6;
	v2 =	vld [tilespmem:s7+$0xFFFFFF90]  }
0x3b2: {  	v5 =	vadd.s32 v42, v6;
	v4 =	vld [tilespmem:s7+$0xFFFFFFA0];
	_ =	sdelay $0x3  }
0x3b3: {  	[tilespmem:v3+s15+$0x0] =	vst.idx.msk $0xffff, v2  }
0x3b4: {  	[tilespmem:v5+s15+$0x0] =	vst.idx.msk $0xffff, v4  }
0x3b5: {  	v3 =	vadd.s32 v43, v6;
	v2 =	vld [tilespmem:s7+$0xFFFFFFB0]  }
0x3b6: {  	v5 =	vadd.s32 v44, v6;
	v4 =	vld [tilespmem:s7+$0xFFFFFFC0];
	_ =	sdelay $0x3  }
0x3b7: {  	[tilespmem:v3+s15+$0x0] =	vst.idx.msk $0xffff, v2  }
0x3b8: {  	[tilespmem:v5+s15+$0x0] =	vst.idx.msk $0xffff, v4  }
0x3b9: {  	v3 =	vadd.s32 v45, v6;
	v2 =	vld [tilespmem:s7+$0xFFFFFFD0]  }
0x3ba: {  	v5 =	vadd.s32 v46, v6;
	v4 =	vld [tilespmem:s7+$0xFFFFFFE0]  }
0x3bb: {  	p0 =	por $0x1, $0x1  }
.Ltmp16:
0x3bc: {  	_ = 	snop;
	(pc) =	sbr.rel @!p0 .LBB2_23-.Ltmp16, $4  }
0x3bd: {  	_ = 	snop  }
0x3be: {  	[tilespmem:v3+s15+$0x0] =	vst.idx.msk $0xffff, v2  }
0x3bf: {  	[tilespmem:v5+s15+$0x0] =	vst.idx.msk $0xffff, v4  }
0x3c0: {  	v2 =	vadd.s32 v48, v6;
	v4 =	vadd.s32 v47, v6;
	v3 =	vld [tilespmem:s7+$0xFFFFFFF0]  }
.LBB2_22:
0x3c1: {  	s11 =	sadd.s32 $0x8, s11;
	v5 =	vld [tilespmem:s7+$0x0]  }
0x3c2: {  	v6 =	vmov s11;
	p0 =	slt.u32 s11, $0x78  }
0x3c3: {  	v6 =	vshrl.u32 v6, $0x3  }
0x3c4: {  	v6 =	vshll.u32 v6, $0x3  }
0x3c5: {  	v6 =	vbroadcast v6, $0x0;
	[tilespmem:v4+s15+$0x0] =	vst.idx.msk $0xffff, v3  }
0x3c6: {  	s7 =	sadd.s32 $0x100, s7;
	[tilespmem:v2+s15+$0x0] =	vst.idx.msk $0xffff, v5  }
0x3c7: {  	v3 =	vld [tilespmem:s7+$0xFFFFFF10];
	v4 =	vadd.s32 v33, v6;
	v2 =	vadd.s32 v48, v6  }
0x3c8: {  	v7 =	vadd.s32 v34, v6;
	v5 =	vld [tilespmem:s7+$0xFFFFFF20];
	_ =	sdelay $0x3  }
0x3c9: {  	[tilespmem:v4+s15+$0x0] =	vst.idx.msk $0xffff, v3  }
0x3ca: {  	[tilespmem:v7+s15+$0x0] =	vst.idx.msk $0xffff, v5  }
0x3cb: {  	v4 =	vadd.s32 v35, v6;
	v3 =	vld [tilespmem:s7+$0xFFFFFF30]  }
0x3cc: {  	v7 =	vadd.s32 v36, v6;
	v5 =	vld [tilespmem:s7+$0xFFFFFF40];
	_ =	sdelay $0x3  }
0x3cd: {  	[tilespmem:v4+s15+$0x0] =	vst.idx.msk $0xffff, v3  }
0x3ce: {  	[tilespmem:v7+s15+$0x0] =	vst.idx.msk $0xffff, v5  }
0x3cf: {  	v4 =	vadd.s32 v37, v6;
	v3 =	vld [tilespmem:s7+$0xFFFFFF50]  }
0x3d0: {  	v7 =	vadd.s32 v38, v6;
	v5 =	vld [tilespmem:s7+$0xFFFFFF60];
	_ =	sdelay $0x3  }
0x3d1: {  	[tilespmem:v4+s15+$0x0] =	vst.idx.msk $0xffff, v3  }
0x3d2: {  	[tilespmem:v7+s15+$0x0] =	vst.idx.msk $0xffff, v5  }
0x3d3: {  	v4 =	vadd.s32 v39, v6;
	v3 =	vld [tilespmem:s7+$0xFFFFFF70]  }
0x3d4: {  	v7 =	vadd.s32 v40, v6;
	v5 =	vld [tilespmem:s7+$0xFFFFFF80];
	_ =	sdelay $0x3  }
0x3d5: {  	[tilespmem:v4+s15+$0x0] =	vst.idx.msk $0xffff, v3  }
0x3d6: {  	[tilespmem:v7+s15+$0x0] =	vst.idx.msk $0xffff, v5  }
0x3d7: {  	v4 =	vadd.s32 v41, v6;
	v3 =	vld [tilespmem:s7+$0xFFFFFF90]  }
0x3d8: {  	v7 =	vadd.s32 v42, v6;
	v5 =	vld [tilespmem:s7+$0xFFFFFFA0];
	_ =	sdelay $0x3  }
0x3d9: {  	[tilespmem:v4+s15+$0x0] =	vst.idx.msk $0xffff, v3  }
0x3da: {  	[tilespmem:v7+s15+$0x0] =	vst.idx.msk $0xffff, v5  }
0x3db: {  	v4 =	vadd.s32 v43, v6;
	v3 =	vld [tilespmem:s7+$0xFFFFFFB0]  }
0x3dc: {  	v7 =	vadd.s32 v44, v6;
	v5 =	vld [tilespmem:s7+$0xFFFFFFC0];
	_ =	sdelay $0x3  }
0x3dd: {  	[tilespmem:v4+s15+$0x0] =	vst.idx.msk $0xffff, v3  }
0x3de: {  	[tilespmem:v7+s15+$0x0] =	vst.idx.msk $0xffff, v5  }
0x3df: {  	v4 =	vadd.s32 v45, v6;
	v3 =	vld [tilespmem:s7+$0xFFFFFFD0]  }
0x3e0: {  	v7 =	vadd.s32 v46, v6;
	v5 =	vld [tilespmem:s7+$0xFFFFFFE0];
	_ =	sdelay $0x1  }
.Ltmp17:
0x3e1: {  	(pc) =	sbr.rel @p0 .LBB2_22-.Ltmp17, $4  }
0x3e2: {  	_ = 	snop  }
0x3e3: {  	[tilespmem:v4+s15+$0x0] =	vst.idx.msk $0xffff, v3  }
0x3e4: {  	[tilespmem:v7+s15+$0x0] =	vst.idx.msk $0xffff, v5  }
0x3e5: {  	v4 =	vadd.s32 v47, v6;
	v3 =	vld [tilespmem:s7+$0xFFFFFFF0]  }
.LBB2_23:
0x3e6: {  	v5 =	vld [tilespmem:s7+$0x0];
	s7 =	simm.s32 $0x0  }
0x3e7: {  	v6 =	vmov s7  }
0x3e8: {  	v6 =	vshrl.u32 v6, $0x3  }
0x3e9: {  	v6 =	vshll.u32 v6, $0x3  }
0x3ea: {  	[tilespmem:v4+s15+$0x0] =	vst.idx.msk $0xffff, v3;
	v4 =	vbroadcast v6, $0x0  }
0x3eb: {  	s11 =	simm.s32 $0x74F0;
	[tilespmem:v2+s15+$0x0] =	vst.idx.msk $0xffff, v5  }
0x3ec: {  	v2 =	vld [tilespmem:s11+$0xFFFFFF10];
	v3 =	vadd.s32 v49, v4  }
0x3ed: {  	v5 =	vld [tilespmem:s11+$0xFFFFFF20];
	v6 =	vadd.s32 v50, v4;
	_ =	sdelay $0x3  }
0x3ee: {  	[tilespmem:v3+s15+$0x0] =	vst.idx.msk $0xffff, v2  }
0x3ef: {  	[tilespmem:v6+s15+$0x0] =	vst.idx.msk $0xffff, v5  }
0x3f0: {  	v3 =	vadd.s32 v51, v4;
	v2 =	vld [tilespmem:s11+$0xFFFFFF30]  }
0x3f1: {  	v6 =	vadd.s32 v52, v4;
	v5 =	vld [tilespmem:s11+$0xFFFFFF40];
	_ =	sdelay $0x3  }
0x3f2: {  	[tilespmem:v3+s15+$0x0] =	vst.idx.msk $0xffff, v2  }
0x3f3: {  	[tilespmem:v6+s15+$0x0] =	vst.idx.msk $0xffff, v5  }
0x3f4: {  	v3 =	vadd.s32 v53, v4;
	v2 =	vld [tilespmem:s11+$0xFFFFFF50]  }
0x3f5: {  	v6 =	vadd.s32 v54, v4;
	v5 =	vld [tilespmem:s11+$0xFFFFFF60];
	_ =	sdelay $0x3  }
0x3f6: {  	[tilespmem:v3+s15+$0x0] =	vst.idx.msk $0xffff, v2  }
0x3f7: {  	[tilespmem:v6+s15+$0x0] =	vst.idx.msk $0xffff, v5  }
0x3f8: {  	v3 =	vadd.s32 v55, v4;
	v2 =	vld [tilespmem:s11+$0xFFFFFF70]  }
0x3f9: {  	v6 =	vadd.s32 v56, v4;
	v5 =	vld [tilespmem:s11+$0xFFFFFF80];
	_ =	sdelay $0x3  }
0x3fa: {  	[tilespmem:v3+s15+$0x0] =	vst.idx.msk $0xffff, v2  }
0x3fb: {  	[tilespmem:v6+s15+$0x0] =	vst.idx.msk $0xffff, v5  }
0x3fc: {  	v3 =	vadd.s32 v57, v4;
	v2 =	vld [tilespmem:s11+$0xFFFFFF90]  }
0x3fd: {  	v6 =	vadd.s32 v58, v4;
	v5 =	vld [tilespmem:s11+$0xFFFFFFA0];
	_ =	sdelay $0x3  }
0x3fe: {  	[tilespmem:v3+s15+$0x0] =	vst.idx.msk $0xffff, v2  }
0x3ff: {  	[tilespmem:v6+s15+$0x0] =	vst.idx.msk $0xffff, v5  }
0x400: {  	v3 =	vadd.s32 v59, v4;
	v2 =	vld [tilespmem:s11+$0xFFFFFFB0]  }
0x401: {  	v6 =	vadd.s32 v60, v4;
	v5 =	vld [tilespmem:s11+$0xFFFFFFC0];
	_ =	sdelay $0x3  }
0x402: {  	[tilespmem:v3+s15+$0x0] =	vst.idx.msk $0xffff, v2  }
0x403: {  	[tilespmem:v6+s15+$0x0] =	vst.idx.msk $0xffff, v5  }
0x404: {  	v3 =	vadd.s32 v61, v4;
	v2 =	vld [tilespmem:s11+$0xFFFFFFD0]  }
0x405: {  	v6 =	vadd.s32 v62, v4;
	v5 =	vld [tilespmem:s11+$0xFFFFFFE0];
	_ =	sdelay $0x3  }
0x406: {  	[tilespmem:v3+s15+$0x0] =	vst.idx.msk $0xffff, v2  }
0x407: {  	[tilespmem:v6+s15+$0x0] =	vst.idx.msk $0xffff, v5  }
0x408: {  	v2 =	vadd.s32 v0, v4;
	v4 =	vadd.s32 v63, v4;
	v3 =	vld [tilespmem:s11+$0xFFFFFFF0]  }
.LBB2_24:
0x409: {  	s7 =	sadd.s32 $0x8, s7;
	v5 =	vld [tilespmem:s11+$0x0]  }
0x40a: {  	v6 =	vmov s7;
	p0 =	slt.u32 s7, $0x78  }
0x40b: {  	v6 =	vshrl.u32 v6, $0x3  }
0x40c: {  	v6 =	vshll.u32 v6, $0x3  }
0x40d: {  	v6 =	vbroadcast v6, $0x0;
	[tilespmem:v4+s15+$0x0] =	vst.idx.msk $0xffff, v3  }
0x40e: {  	s11 =	sadd.s32 $0x100, s11;
	[tilespmem:v2+s15+$0x0] =	vst.idx.msk $0xffff, v5  }
0x40f: {  	v3 =	vld [tilespmem:s11+$0xFFFFFF10];
	v4 =	vadd.s32 v49, v6;
	v2 =	vadd.s32 v0, v6  }
0x410: {  	v7 =	vadd.s32 v50, v6;
	v5 =	vld [tilespmem:s11+$0xFFFFFF20];
	_ =	sdelay $0x3  }
0x411: {  	[tilespmem:v4+s15+$0x0] =	vst.idx.msk $0xffff, v3  }
0x412: {  	[tilespmem:v7+s15+$0x0] =	vst.idx.msk $0xffff, v5  }
0x413: {  	v4 =	vadd.s32 v51, v6;
	v3 =	vld [tilespmem:s11+$0xFFFFFF30]  }
0x414: {  	v7 =	vadd.s32 v52, v6;
	v5 =	vld [tilespmem:s11+$0xFFFFFF40];
	_ =	sdelay $0x3  }
0x415: {  	[tilespmem:v4+s15+$0x0] =	vst.idx.msk $0xffff, v3  }
0x416: {  	[tilespmem:v7+s15+$0x0] =	vst.idx.msk $0xffff, v5  }
0x417: {  	v4 =	vadd.s32 v53, v6;
	v3 =	vld [tilespmem:s11+$0xFFFFFF50]  }
0x418: {  	v7 =	vadd.s32 v54, v6;
	v5 =	vld [tilespmem:s11+$0xFFFFFF60];
	_ =	sdelay $0x3  }
0x419: {  	[tilespmem:v4+s15+$0x0] =	vst.idx.msk $0xffff, v3  }
0x41a: {  	[tilespmem:v7+s15+$0x0] =	vst.idx.msk $0xffff, v5  }
0x41b: {  	v4 =	vadd.s32 v55, v6;
	v3 =	vld [tilespmem:s11+$0xFFFFFF70]  }
0x41c: {  	v7 =	vadd.s32 v56, v6;
	v5 =	vld [tilespmem:s11+$0xFFFFFF80];
	_ =	sdelay $0x3  }
0x41d: {  	[tilespmem:v4+s15+$0x0] =	vst.idx.msk $0xffff, v3  }
0x41e: {  	[tilespmem:v7+s15+$0x0] =	vst.idx.msk $0xffff, v5  }
0x41f: {  	v4 =	vadd.s32 v57, v6;
	v3 =	vld [tilespmem:s11+$0xFFFFFF90]  }
0x420: {  	v7 =	vadd.s32 v58, v6;
	v5 =	vld [tilespmem:s11+$0xFFFFFFA0];
	_ =	sdelay $0x3  }
0x421: {  	[tilespmem:v4+s15+$0x0] =	vst.idx.msk $0xffff, v3  }
0x422: {  	[tilespmem:v7+s15+$0x0] =	vst.idx.msk $0xffff, v5  }
0x423: {  	v4 =	vadd.s32 v59, v6;
	v3 =	vld [tilespmem:s11+$0xFFFFFFB0]  }
0x424: {  	v7 =	vadd.s32 v60, v6;
	v5 =	vld [tilespmem:s11+$0xFFFFFFC0];
	_ =	sdelay $0x3  }
0x425: {  	[tilespmem:v4+s15+$0x0] =	vst.idx.msk $0xffff, v3  }
0x426: {  	[tilespmem:v7+s15+$0x0] =	vst.idx.msk $0xffff, v5  }
0x427: {  	v4 =	vadd.s32 v61, v6;
	v3 =	vld [tilespmem:s11+$0xFFFFFFD0]  }
0x428: {  	v7 =	vadd.s32 v62, v6;
	v5 =	vld [tilespmem:s11+$0xFFFFFFE0];
	_ =	sdelay $0x1  }
.Ltmp18:
0x429: {  	(pc) =	sbr.rel @p0 .LBB2_24-.Ltmp18, $4  }
0x42a: {  	_ = 	snop  }
0x42b: {  	[tilespmem:v4+s15+$0x0] =	vst.idx.msk $0xffff, v3  }
0x42c: {  	[tilespmem:v7+s15+$0x0] =	vst.idx.msk $0xffff, v5  }
0x42d: {  	v4 =	vadd.s32 v63, v6;
	v3 =	vld [tilespmem:s11+$0xFFFFFFF0]  }
0x42e: {  	v0 =	vld [tilespmem:s11+$0x0];
	_ =	sdelay $0x1  }
0x42f: {  	s6 =	sshll.u32 s13, $0x13  }
0x430: {  	s6 =	sor.u32 s10, s6  }
0x431: {  	s6 =	sshrl.u32 s6, $0x3;
	[tilespmem:v4+s15+$0x0] =	vst.idx.msk $0xffff, v3  }
0x432: {  	s24 =	simm.s32 $0xC800;
	s7 =	sadd.s32 s1, s6;
	[tilespmem:v2+s15+$0x0] =	vst.idx.msk $0xffff, v0  }
0x433: {  	[hbm4b:s7+s2] =	stream.linear.scatter [tilespmem:s24], [sflag:$0x6], $0x80, $0x38;
	[tilespmem:$0x10C00] =	vst v63  }
0x434: {  	s11 =	simm.s32 $0xC888;
	s13 =	sadd.s32 $0x10, s7  }
0x435: {  	[hbm4b:s13+s2] =	stream.linear.scatter [tilespmem:s11], [sflag:$0x6], $0x80, $0x38;
	[tilespmem:$0x10C00] =	vst v63  }
0x436: {  	s14 =	simm.s32 $0xC910;
	s20 =	simm.s32 $0xC998;
	s18 =	sadd.s32 $0x20, s7  }
0x437: {  	[hbm4b:s18+s2] =	stream.linear.scatter [tilespmem:s14], [sflag:$0x6], $0x80, $0x38;
	[tilespmem:$0x10C00] =	vst v63  }
0x438: {  	s6 =	simm.s32 $0x440;
	s24 =	sadd.s32 $0x30, s7;
	s11 =	simm.s32 $0xCA20  }
0x439: {  	[hbm4b:s24+s2] =	stream.linear.scatter [tilespmem:s20], [sflag:$0x6], $0x80, $0x38;
	[tilespmem:$0x10C00] =	vst v63  }
0x43a: {  	s13 =	sadd.s32 $0x40, s7;
	s14 =	simm.s32 $0xCAA8;
	s18 =	sadd.s32 $0x50, s7  }
0x43b: {  	[hbm4b:s13+s2] =	stream.linear.scatter [tilespmem:s11], [sflag:$0x6], $0x80, $0x38;
	[tilespmem:$0x10C00] =	vst v63  }
0x43c: {  	s20 =	simm.s32 $0xCB30;
	s24 =	sadd.s32 $0x60, s7;
	s11 =	simm.s32 $0x2200  }
0x43d: {  	[hbm4b:s18+s2] =	stream.linear.scatter [tilespmem:s14], [sflag:$0x6], $0x80, $0x38;
	[tilespmem:$0x10C00] =	vst v63  }
0x43e: {  	s13 =	simm.s32 $0xCBB8;
	s14 =	sadd.s32 $0x70, s7;
	s7 =	sadd.s32 $0x1000, s7  }
0x43f: {  	[hbm4b:s24+s2] =	stream.linear.scatter [tilespmem:s20], [sflag:$0x6], $0x80, $0x38;
	[tilespmem:$0x10C00] =	vst v63  }
.LBB2_26:
0x440: {  	[hbm4b:s14+s2] =	stream.linear.scatter [tilespmem:s13], [sflag:$0x6], $0x80, $0x38;
	[tilespmem:$0x10C00] =	vst v63  }
0x441: {  	s13 =	smov.u32 s6;
	s6 =	smov.u32 s11  }
0x442: {  	s18 =	sadd.s32 $0x1100, s11;
	s6 =	sshra.s32 s6, $0x2;
	s14 =	sadd.s32 $0xC800, s13  }
0x443: {  	[hbm4b:s7+s2] =	stream.linear.scatter [tilespmem:s14], [sflag:$0x6], $0x80, $0x38;
	[tilespmem:$0x10C00] =	vst v63  }
0x444: {  	p0 =	sne.s32 s11, $0xFF00;
	s11 =	sadd.s32 $0xC888, s13;
	s14 =	sadd.s32 $0x10, s7  }
0x445: {  	[hbm4b:s14+s2] =	stream.linear.scatter [tilespmem:s11], [sflag:$0x6], $0x80, $0x38;
	[tilespmem:$0x10C00] =	vst v63  }
0x446: {  	s11 =	sadd.s32 $0xC910, s13;
	s14 =	sadd.s32 $0x20, s7  }
0x447: {  	[hbm4b:s14+s2] =	stream.linear.scatter [tilespmem:s11], [sflag:$0x6], $0x80, $0x38;
	[tilespmem:$0x10C00] =	vst v63  }
0x448: {  	s11 =	sadd.s32 $0xC998, s13;
	s14 =	sadd.s32 $0x30, s7  }
0x449: {  	[hbm4b:s14+s2] =	stream.linear.scatter [tilespmem:s11], [sflag:$0x6], $0x80, $0x38;
	[tilespmem:$0x10C00] =	vst v63  }
0x44a: {  	s11 =	sadd.s32 $0xCA20, s13;
	s14 =	sadd.s32 $0x40, s7  }
0x44b: {  	[hbm4b:s14+s2] =	stream.linear.scatter [tilespmem:s11], [sflag:$0x6], $0x80, $0x38;
	[tilespmem:$0x10C00] =	vst v63  }
.Ltmp19:
0x44c: {  	s11 =	sadd.s32 $0xCAA8, s13;
	s14 =	sadd.s32 $0x50, s7;
	(pc) =	sbr.rel @p0 .LBB2_26-.Ltmp19, $4  }
0x44d: {  	[hbm4b:s14+s2] =	stream.linear.scatter [tilespmem:s11], [sflag:$0x6], $0x80, $0x38;
	[tilespmem:$0x10C00] =	vst v63  }
0x44e: {  	s11 =	sadd.s32 $0xCB30, s13;
	s14 =	sadd.s32 $0x60, s7;
	s13 =	sadd.s32 $0xCBB8, s13  }
0x44f: {  	[hbm4b:s14+s2] =	stream.linear.scatter [tilespmem:s11], [sflag:$0x6], $0x80, $0x38;
	[tilespmem:$0x10C00] =	vst v63  }
0x450: {  	s14 =	sadd.s32 $0x70, s7;
	s7 =	sadd.s32 $0x1000, s7;
	s11 =	smov.u32 s18  }
0x451: {  	[hbm4b:s14+s2] =	stream.linear.scatter [tilespmem:s13], [sflag:$0x6], $0x80, $0x38;
	[tilespmem:$0x10C00] =	vst v63  }
0x452: {  	s11 =	sadd.s32 $0xC800, s6  }
0x453: {  	[hbm4b:s7+s2] =	stream.linear.scatter [tilespmem:s11], [sflag:$0x6], $0x80, $0x38;
	[tilespmem:$0x10C00] =	vst v63  }
0x454: {  	s20 =	sadd.s32 $0xC888, s6;
	s24 =	sadd.s32 $0x10, s7  }
0x455: {  	[hbm4b:s24+s2] =	stream.linear.scatter [tilespmem:s20], [sflag:$0x6], $0x80, $0x38;
	[tilespmem:$0x10C00] =	vst v63  }
0x456: {  	s14 =	sadd.s32 $0xC910, s6;
	s18 =	sadd.s32 $0x20, s7  }
0x457: {  	[hbm4b:s18+s2] =	stream.linear.scatter [tilespmem:s14], [sflag:$0x6], $0x80, $0x38;
	[tilespmem:$0x10C00] =	vst v63  }
0x458: {  	s20 =	sadd.s32 $0xC998, s6;
	s24 =	sadd.s32 $0x30, s7  }
0x459: {  	[hbm4b:s24+s2] =	stream.linear.scatter [tilespmem:s20], [sflag:$0x6], $0x80, $0x38;
	[tilespmem:$0x10C00] =	vst v63  }
0x45a: {  	s19 =	sadd.s32 $0x1, s19;
	s14 =	sadd.s32 $0xCA20, s6;
	s18 =	sadd.s32 $0x40, s7  }
0x45b: {  	[hbm4b:s18+s2] =	stream.linear.scatter [tilespmem:s14], [sflag:$0x6], $0x80, $0x38;
	[tilespmem:$0x10C00] =	vst v63  }
0x45c: {  	p0 =	sne.s32 s19, $0x19;
	s20 =	sadd.s32 $0xCAA8, s6;
	s24 =	sadd.s32 $0x50, s7  }
0x45d: {  	[hbm4b:s24+s2] =	stream.linear.scatter [tilespmem:s20], [sflag:$0x6], $0x80, $0x38;
	[tilespmem:$0x10C00] =	vst v63  }
.Ltmp20:
0x45e: {  	_ = 	snop;
	(pc) =	sbr.rel @p0 .LBB2_2-.Ltmp20, $4  }
.Ltmp21:
0x45f: {  	s14 =	sadd.s32 $0xCB30, s6;
	s18 =	sadd.s32 $0x60, s7;
	(pc) =	sbr.rel @!p0 .LBB2_28-.Ltmp21, $4  }
0x460: {  	[hbm4b:s18+s2] =	stream.linear.scatter [tilespmem:s14], [sflag:$0x6], $0x80, $0x38;
	[tilespmem:$0x10C00] =	vst v63  }
0x461: {  	v7 =	vld [tilespmem:$0x1FF10];
	s20 =	sadd.s32 $0xCBB8, s6;
	s24 =	sadd.s32 $0x70, s7  }
0x462: {  	v6 =	vld [tilespmem:$0x1FF20];
	[hbm4b:s24+s2] =	stream.linear.scatter [tilespmem:s20], [sflag:$0x6], $0x80, $0x38  }
0x463: {  	_ = 	snop  }
.LBB2_8:
.Ltmp22:
0x464: {  	v10 =	vld [tilespmem:$0x1FFF0];
	(pc) =	sbr.rel .LBB2_11-.Ltmp22, $4  }
0x465: {  	v12 =	vld [tilespmem:$0x1FEC0]  }
0x466: {  	v16 =	vld [tilespmem:$0x1FED0]  }
0x467: {  	v17 =	vld [tilespmem:$0x1FEE0]  }
0x468: {  	v18 =	vld [tilespmem:$0x1FEF0]  }
.LBB2_29:
0x469: {  	_ =	sfence.sel $0x180000  }
0x46a: {  	[bflag:$0x0] =	sbarrier.arrive $0xFFFF  }
0x46b: {  	_ =	strace $0x90000047  }
0x46c: {  	s0 =	stileid.u32;
	[bflag:$0x2] =	sbarrier.arrive $0xFFFF  }
0x46d: {  	p0 =	sne.s32 s0, $0x0;
	s0 =	rddreg [dreg:$0x2]  }
0x46e: {  	s0 =	sadd.s32 @!p0 $0x100000, s0  }
0x46f: {  	[sflag:s0] =	ssyncadd.tile.s32 @!p0 $0x1;
	_ =	shalt  }
.Lfunc_end2:
_tile_overlayer_lowered:
.L_overlay_start_2:
0x470: {  	(tag) =	ssettag $0x2  }
0x471: {  	s0 =	rddreg [dreg:$0x0];
	s2 =	stileid.u32  }
0x472: {  	s1 =	rddreg [dreg:$0x1];
	p0 =	sne.s32 s2, $0x0  }
0x473: {  	s3 =	rddreg [dreg:$0x2];
	[bflag:$0x3] =	sbarrier.arrive $0xFFFF;
	s2 =	simm.s32 @!p0 $0x1C07  }
0x474: {  	[timem:s3], [sflag:s2] =	dma.local @!p0 [hbm:s0], s1  }
0x475: {  	s0 =	simm.s32 @!p0 $0x7  }
0x476: {  	_ =	swait.ge @!p0 [sflag:s0], s1  }
0x477: {  	s1 =	ssub.s32 @!p0 $0x0, s1;
	[sflag:s0] =	ssyncset.done @!p0 $0x0  }
0x478: {  	[sflag:s0] =	ssyncadd.s32 @!p0 s1  }
0x479: {  	[bflag:$0x3] =	sbarrier.arrive $0xFFFF  }
0x47a: {  	_ =	shalt  }

</sc_bundles>
